<compile_context>
chip_gen: v7x
topology: tpu7x:2x2x1
jax: 0.10.2.dev20260603
libtpu: 0.0.44.dev20260713+nightly
codegen_flags: <defaults>
</compile_context>

<pallas_src>
import functools

import jax
import jax.numpy as jnp
from jax import lax
from jax.experimental import pallas as pl
from jax.experimental.pallas import tpu as pltpu
from jax.experimental.pallas import tpu_sc as plsc

N = 10000
E = 320000
D = 128
NP = 10240
EP = 327680
NT = 16
NC = 2
NW = NT * NC
CH = 1024
SW = 32
NS = 3
CR = CH // SW
NCH = EP // NW // CH
NPT = NP // NT
DR = NP // 128


def _tc_pre_body(x_ref, wm_ref, a12_ref, b12_ref, kw_ref, val_ref, s12_ref):
    xb = x_ref[...]
    val_ref[...] = jnp.dot(xb, kw_ref[...], preferred_element_type=jnp.float32)
    w12 = jnp.dot(wm_ref[...], a12_ref[...], preferred_element_type=jnp.float32)
    s12_ref[...] = (jnp.dot(xb, w12, preferred_element_type=jnp.float32)
                    + b12_ref[...])


def _tc_precompute(x, W_map, a12, b12, kw):
    bn = 1000
    grid = N // bn
    return pl.pallas_call(
        _tc_pre_body,
        grid=(grid,),
        in_specs=[
            pl.BlockSpec((bn, D), lambda i: (i, 0)),
            pl.BlockSpec((D, D), lambda i: (0, 0)),
            pl.BlockSpec((D, 2), lambda i: (0, 0)),
            pl.BlockSpec((1, 2), lambda i: (0, 0)),
            pl.BlockSpec((D, D), lambda i: (0, 0)),
        ],
        out_specs=[
            pl.BlockSpec((bn, D), lambda i: (i, 0)),
            pl.BlockSpec((bn, 2), lambda i: (i, 0)),
        ],
        out_shape=[
            jax.ShapeDtypeStruct((N, D), jnp.float32),
            jax.ShapeDtypeStruct((N, 2), jnp.float32),
        ],
    )(x, W_map, a12, b12, kw)


def _tc_comb_body(part_ref, dn_ref, bias_ref, out_ref):
    dsum = jnp.sum(dn_ref[...], axis=1, keepdims=True)
    dsum = jnp.where(dsum > 0.0, dsum, 1.0)
    acc = part_ref[0] + part_ref[1]
    out_ref[...] = acc * (1.0 / dsum) + bias_ref[...]


def _tc_combine(part, dnT, bias):
    bn = 1000
    grid = N // bn
    return pl.pallas_call(
        _tc_comb_body,
        grid=(grid,),
        in_specs=[
            pl.BlockSpec((NC, bn, D), lambda i: (0, i, 0)),
            pl.BlockSpec((bn, NW), lambda i: (i, 0)),
            pl.BlockSpec((bn, D), lambda i: (i, 0)),
        ],
        out_specs=pl.BlockSpec((bn, D), lambda i: (i, 0)),
        out_shape=jax.ShapeDtypeStruct((N, D), jnp.float32),
    )(part, dnT, bias)


def _sc_body(rows_hbm, cols_hbm, s1_hbm, s2_hbm, value_hbm,
             part_hbm, dn_hbm,
             s1_v, s2_v, denom_v, ri, ci, p_v,
             vb0, vb1, vb2, sg0, sg1, sg2, ss0, ss1, ss2, si, out_sh):
    c = lax.axis_index("c")
    s = lax.axis_index("s")
    wid = c * NT + s

    pltpu.sync_copy(s1_hbm, s1_v)
    pltpu.sync_copy(s2_hbm, s2_v)

    zero16 = jnp.zeros((16,), jnp.float32)

    def _zd(r, _):
        for l in range(8):
            denom_v[r, pl.ds(l * 16, 16)] = zero16
        return 0
    lax.fori_loop(0, DR, _zd, 0)

    slots = ((vb0, sg0, ss0), (vb1, sg1, ss1), (vb2, sg2, ss2))

    def _zv(r, _):
        for vb in (vb0, vb1, vb2):
            for l in range(8):
                vb[r, pl.ds(l * 16, 16)] = zero16
        return 0
    lax.fori_loop(0, SW, _zv, 0)
    for k in range(NPT // (4 * SW)):
        for i in range(4):
            vb, sg, _ss = slots[i % NS]
            if i == NS:
                pltpu.make_async_copy(vb, out_sh.at[pl.ds(0, SW)], sg).wait()
            pltpu.async_copy(
                vb, out_sh.at[pl.ds(s * NPT + (k * 4 + i) * SW, SW)], sg)
        for i in range(NS):
            vb, sg, _ss = slots[i]
            pltpu.make_async_copy(vb, out_sh.at[pl.ds(0, SW)], sg).wait()
    plsc.subcore_barrier()

    def _load_idx(edge0, h):
        pltpu.async_copy(rows_hbm.at[pl.ds(edge0, CH)], ri.at[h], si)
        pltpu.async_copy(cols_hbm.at[pl.ds(edge0, CH)], ci.at[h], si)

    def _wait_idx():
        pltpu.make_async_copy(rows_hbm.at[pl.ds(0, CH)], ri.at[0], si).wait()
        pltpu.make_async_copy(cols_hbm.at[pl.ds(0, CH)], ci.at[0], si).wait()

    def _gissue(h, k, slot):
        pltpu.async_copy(value_hbm.at[ci.at[h, pl.ds(k * SW, SW)]],
                         slots[slot][0], slots[slot][1])

    base = wid * NCH * CH
    _load_idx(base, 0)

    def _chunk(ch, _):
        _wait_idx()
        h = ch % 2

        @pl.when(ch > 0)
        def _drain_prev():
            ix0 = ri.at[h, pl.ds(0, SW)]
            for vb_t, _sg_t, ss_t in slots:
                pltpu.make_async_copy(vb_t, out_sh.at[ix0], ss_t).wait()

        @pl.when(ch + 1 < NCH)
        def _pref():
            _load_idx(base + (ch + 1) * CH, (ch + 1) % 2)

        _gissue(h, 0, 0)
        _gissue(h, 1, 1)

        def _step(k, _):
            rix = ri.at[h, pl.ds(k * SW, SW)]
            for l in range(SW // 16):
                rv = ri[h, pl.ds(k * SW + l * 16, 16)]
                cv = ci[h, pl.ds(k * SW + l * 16, 16)]
                p = _edge_p(s1_v, s2_v, rv, cv)
                plsc.addupdate_scatter(
                    denom_v,
                    [lax.shift_right_logical(rv, 7),
                     lax.bitwise_and(rv, 127)],
                    p)
                p_v[pl.ds(l * 16, 16)] = p

            for sl in range(NS):
                vb_c, sg_c, ss_c = slots[sl]
                nsl = (sl + 2) % NS
                vb_n, sg_n, ss_n = slots[nsl]

                @pl.when(k % NS == sl)
                def _proc():
                    pltpu.make_async_copy(
                        value_hbm.at[rix], vb_c, sg_c).wait()

                    def _scale(jh, _):
                        j2 = jh * 2
                        aj = plsc.load_gather(
                            p_v, [jnp.full((16,), j2, jnp.int32)])
                        bj = plsc.load_gather(
                            p_v, [jnp.full((16,), j2 + 1, jnp.int32)])
                        for l in range(8):
                            vb_c[j2, pl.ds(l * 16, 16)] = (
                                vb_c[j2, pl.ds(l * 16, 16)] * aj)
                        for l in range(8):
                            vb_c[j2 + 1, pl.ds(l * 16, 16)] = (
                                vb_c[j2 + 1, pl.ds(l * 16, 16)] * bj)
                        return 0
                    lax.fori_loop(0, SW // 2, _scale, 0)
                    pltpu.async_copy(vb_c, out_sh.at[rix], ss_c, add=True)

                    @pl.when((k >= 1) & (k + 2 < CR))
                    def _w():
                        pltpu.make_async_copy(
                            vb_n, out_sh.at[rix], ss_n).wait()

                    @pl.when(k + 2 < CR)
                    def _g():
                        _gissue(h, k + 2, nsl)
            return 0
        lax.fori_loop(0, CR, _step, 0)
        return 0
    lax.fori_loop(0, NCH, _chunk, 0)

    ix0 = ri.at[(NCH - 1) % 2, pl.ds(0, SW)]
    for vb_t, _sg_t, ss_t in slots:
        pltpu.make_async_copy(vb_t, out_sh.at[ix0], ss_t).wait()
    plsc.subcore_barrier()

    pltpu.sync_copy(out_sh.at[pl.ds(s * NPT, NPT)],
                    part_hbm.at[c, pl.ds(s * NPT, NPT)])
    pltpu.sync_copy(denom_v, dn_hbm.at[c, s])


def _edge_p(s1_v, s2_v, rv, cv):
    v1 = plsc.load_gather(s1_v, [rv])
    v2 = plsc.load_gather(s2_v, [cv])
    e = v1 + v2
    e = jnp.where(e >= 0.0, e, 0.2 * e)
    return jnp.exp(e)


def _sc_edge_kernel(rows1d, cols1d, s1p, s2p, value):
    mesh = plsc.VectorSubcoreMesh(core_axis_name="c", subcore_axis_name="s")
    f = functools.partial(
        pl.kernel,
        mesh=mesh,
        compiler_params=pltpu.CompilerParams(needs_layout_passes=False),
        out_type=[
            jax.ShapeDtypeStruct((NC, NP, D), jnp.float32),
            jax.ShapeDtypeStruct((NC, NT, DR, 128), jnp.float32),
        ],
        scratch_types=[
            pltpu.VMEM((NP,), jnp.float32),
            pltpu.VMEM((NP,), jnp.float32),
            pltpu.VMEM((DR, 128), jnp.float32),
            pltpu.VMEM((2, CH), jnp.int32),
            pltpu.VMEM((2, CH), jnp.int32),
            pltpu.VMEM((SW,), jnp.float32),
            pltpu.VMEM((SW, D), jnp.float32),
            pltpu.VMEM((SW, D), jnp.float32),
            pltpu.VMEM((SW, D), jnp.float32),
            pltpu.SemaphoreType.DMA,
            pltpu.SemaphoreType.DMA,
            pltpu.SemaphoreType.DMA,
            pltpu.SemaphoreType.DMA,
            pltpu.SemaphoreType.DMA,
            pltpu.SemaphoreType.DMA,
            pltpu.SemaphoreType.DMA,
            pltpu.VMEM_SHARED((NP, D), jnp.float32),
        ],
    )(_sc_body)
    return f(rows1d, cols1d, s1p, s2p, value)


def kernel(x, edge_index, W_map, a1, b1, a2, b2, kernel, bias):
    a12 = jnp.concatenate([a1, a2], axis=1)
    b12 = jnp.stack([b1[0], b2[0]]).reshape(1, 2)
    value, s12 = _tc_precompute(x, W_map, a12, b12, kernel)

    npad = EP - E
    ar = jnp.arange(npad, dtype=jnp.int32)
    prow = N + (ar % (NP - N))
    pcol = ar % 9973
    rows = jnp.concatenate([edge_index[0], prow])
    cols = jnp.concatenate([edge_index[1], pcol])

    zpad = jnp.zeros((NP - N,), jnp.float32)
    s1p = jnp.concatenate([s12[:, 0], zpad])
    s2p = jnp.concatenate([s12[:, 1], zpad])

    part, dn = _sc_edge_kernel(rows, cols, s1p, s2p, value)
    dnT = jnp.transpose(dn.reshape(NW, NP))
    return _tc_combine(part, dnT, bias)

# --- scband reference (transcript-rebuilt; emitter-appended) ---
"""Pipeline reference for scband-graph-attention-layer-57363583205947 (READ-ONLY COPY).

The authoritative reference and input builder live on the scoring server;
editing this copy changes nothing except your own understanding.
"""

import jax, jax.numpy as jnp
import numpy as np

N = 10000
E = 320000
D_IN = 128
D_OUT = 128


def setup_inputs(seed: int = 0) -> dict:
    key = jax.random.key(seed)
    ks = jax.random.split(key, 9)
    x = jax.random.normal(ks[0], (N, D_IN), dtype=jnp.float32)
    edge_index = jax.random.randint(ks[1], (2, E), 0, N, dtype=jnp.int32)
    # learned parameters
    W_map = jax.random.normal(ks[2], (D_IN, D_OUT), dtype=jnp.float32) * (1.0 / np.sqrt(D_IN))  # Conv1D(output_dim,1,use_bias=False)
    a1 = jax.random.normal(ks[3], (D_OUT, 1), dtype=jnp.float32) * (1.0 / np.sqrt(D_OUT))       # Conv1D(1,1) kernel
    b1 = jnp.zeros((1,), dtype=jnp.float32)                                                      # Conv1D(1,1) bias
    a2 = jax.random.normal(ks[4], (D_OUT, 1), dtype=jnp.float32) * (1.0 / np.sqrt(D_OUT))
    b2 = jnp.zeros((1,), dtype=jnp.float32)
    kernel = jax.random.normal(ks[5], (D_IN, D_OUT), dtype=jnp.float32) * (1.0 / np.sqrt(D_IN))  # self.kernel
    bias = jax.random.normal(ks[6], (N, D_OUT), dtype=jnp.float32) * 0.01                        # self.bias (glorot-ish init, per-node)
    return {"x": x, "edge_index": edge_index, "W_map": W_map, "a1": a1, "b1": b1,
            "a2": a2, "b2": b2, "kernel": kernel, "bias": bias}


def reference(x, edge_index, W_map, a1, b1, a2, b2, kernel, bias):
    row = edge_index[0]
    col = edge_index[1]
    # Conv1D(output_dim, 1, use_bias=False) over [1, N, D_IN] == dense matmul per node
    mapped = x @ W_map                                   # [N, D_OUT]
    sa1 = (mapped @ a1 + b1).reshape(-1)                 # [N]
    sa2 = (mapped @ a2 + b2).reshape(-1)                 # [N]
    # sparse adjacency values are 1.0; weights(i,j) = sa1[i] + sa2[j] on the sparsity pattern
    e = sa1[row] + sa2[col]                              # [E]
    e = jax.nn.leaky_relu(e, negative_slope=0.2)         # tf.nn.leaky_relu default alpha=0.2
    # sparse softmax per row
    row_max = jax.ops.segment_max(e, row, num_segments=N)
    row_max = jnp.where(jnp.isfinite(row_max), row_max, 0.0)
    ex = jnp.exp(e - row_max[row])
    denom = jax.ops.segment_sum(ex, row, num_segments=N)
    att = ex / denom[row]                                # [E]
    # value = x @ kernel; out = sparse(att) @ value
    value = x @ kernel                                   # [N, D_OUT]
    out = jax.ops.segment_sum(att[:, None] * value[col], row, num_segments=N)  # [N, D_OUT]
    out = out + bias                                     # use_bias=True
    return out                                           # activation=None -> linear

if __name__ == "__main__":
    import jax
    _d = setup_inputs()
    print(jax.jit(kernel)(*tuple(_d.values())))

</pallas_src>

<mosaic_0001>
#map = affine_map<(d0, d1) -> (0)>
#map1 = affine_map<(d0, d1) -> (0, 0)>
#map2 = affine_map<(d0, d1) -> (0, 0, 0)>
#map3 = affine_map<(d0, d1) -> (0, 0, 0, 0)>
module attributes {stable_mosaic.version = 14 : i64} {
  func.func @_sc_body(%arg0: i32, %arg1: i32, %arg2: memref<327680xi32, #tpu.memory_space<hbm>>, %arg3: memref<327680xi32, #tpu.memory_space<hbm>>, %arg4: memref<10240xf32, #tpu.memory_space<hbm>>, %arg5: memref<10240xf32, #tpu.memory_space<hbm>>, %arg6: memref<10000x128xf32, #tpu.memory_space<hbm>>, %arg7: memref<2x10240x128xf32, #tpu.memory_space<hbm>>, %arg8: memref<2x16x80x128xf32, #tpu.memory_space<hbm>>, %arg9: memref<10240xf32, #tpu.memory_space<vmem>>, %arg10: memref<10240xf32, #tpu.memory_space<vmem>>, %arg11: memref<80x128xf32, #tpu.memory_space<vmem>>, %arg12: memref<2x1024xi32, #tpu.memory_space<vmem>>, %arg13: memref<2x1024xi32, #tpu.memory_space<vmem>>, %arg14: memref<32xf32, #tpu.memory_space<vmem>>, %arg15: memref<32x128xf32, #tpu.memory_space<vmem>>, %arg16: memref<32x128xf32, #tpu.memory_space<vmem>>, %arg17: memref<32x128xf32, #tpu.memory_space<vmem>>, %arg18: memref<!tpu.dma_semaphore, #tpu.memory_space<semaphore_mem>>, %arg19: memref<!tpu.dma_semaphore, #tpu.memory_space<semaphore_mem>>, %arg20: memref<!tpu.dma_semaphore, #tpu.memory_space<semaphore_mem>>, %arg21: memref<!tpu.dma_semaphore, #tpu.memory_space<semaphore_mem>>, %arg22: memref<!tpu.dma_semaphore, #tpu.memory_space<semaphore_mem>>, %arg23: memref<!tpu.dma_semaphore, #tpu.memory_space<semaphore_mem>>, %arg24: memref<!tpu.dma_semaphore, #tpu.memory_space<semaphore_mem>>, %arg25: memref<10240x128xf32, #tpu.memory_space<vmem_shared>>) attributes {dimension_semantics = [#tpu.dimension_semantics<core_parallel>, #tpu.dimension_semantics<subcore_parallel>], iteration_bounds = array<i64: 2, 16>, scalar_prefetch = 0 : i64, scratch_operands = 17 : i64, tpu.core_type = #tpu.core_type<sc_vector_subcore>, window_params = [{transform_indices = #map}, {transform_indices = #map}, {transform_indices = #map}, {transform_indices = #map}, {transform_indices = #map1}, {transform_indices = #map2}, {transform_indices = #map3}]} {
    %mul3A = arith.constant 16 : i32
    %mul3A_0 = arith.muli %arg0, %mul3A : i32
    %add3A = arith.addi %mul3A_0, %arg1 : i32
    "tpu.region"() ({
      %run_scoped3A = tpu.sem_alloc : memref<!tpu.dma_semaphore, #tpu.memory_space<semaphore_mem>>
      tpu.enqueue_dma source(%arg4 : memref<10240xf32, #tpu.memory_space<hbm>>) target(%arg9 : memref<10240xf32, #tpu.memory_space<vmem>>) target_semaphore(%run_scoped3A : memref<!tpu.dma_semaphore, #tpu.memory_space<semaphore_mem>>)
      tpu.wait_dma2 semaphore(%run_scoped3A : memref<!tpu.dma_semaphore, #tpu.memory_space<semaphore_mem>>) src(%arg4 : memref<10240xf32, #tpu.memory_space<hbm>>) dst(%arg9 : memref<10240xf32, #tpu.memory_space<vmem>>)
      tpu.yield
    }) : () -> ()
    "tpu.region"() ({
      %run_scoped3A = tpu.sem_alloc : memref<!tpu.dma_semaphore, #tpu.memory_space<semaphore_mem>>
      tpu.enqueue_dma source(%arg5 : memref<10240xf32, #tpu.memory_space<hbm>>) target(%arg10 : memref<10240xf32, #tpu.memory_space<vmem>>) target_semaphore(%run_scoped3A : memref<!tpu.dma_semaphore, #tpu.memory_space<semaphore_mem>>)
      tpu.wait_dma2 semaphore(%run_scoped3A : memref<!tpu.dma_semaphore, #tpu.memory_space<semaphore_mem>>) src(%arg5 : memref<10240xf32, #tpu.memory_space<hbm>>) dst(%arg10 : memref<10240xf32, #tpu.memory_space<vmem>>)
      tpu.yield
    }) : () -> ()
    %broadcast_in_dim3A = arith.constant 0.000000e+00 : f32
    %broadcast_in_dim3A_1 = vector.broadcast %broadcast_in_dim3A : f32 to vector<16xf32>
    %scan3A = arith.constant 0 : i32
    %scan3A_2 = arith.constant 0 : i32
    %scan3A_3 = arith.constant 80 : i32
    %scan3A_4 = arith.addi %scan3A_2, %scan3A_3 : i32
    %scan3A_5 = arith.constant 1 : i32
    %scan3A_6 = scf.for %scan3A_348 = %scan3A_2 to %scan3A_4 step %scan3A_5 iter_args(%scan3A_349 = %scan3A) -> (i32)  : i32 {
      %swap3A = arith.index_cast %scan3A_348 : i32 to index
      %swap3A_350 = arith.constant 0 : index
      %swap3A_351 = tpu.vector_load %arg11[%swap3A, %swap3A_350] {strides = array<i32>} : memref<80x128xf32, #tpu.memory_space<vmem>>, vector<16xf32>,
      tpu.vector_store %arg11[%swap3A, %swap3A_350], %broadcast_in_dim3A_1 {strides = array<i32>} : memref<80x128xf32, #tpu.memory_space<vmem>>, vector<16xf32>,
      %swap3A_352 = arith.index_cast %scan3A_348 : i32 to index
      %swap3A_353 = arith.constant 16 : index
      %swap3A_354 = tpu.vector_load %arg11[%swap3A_352, %swap3A_353] {strides = array<i32>} : memref<80x128xf32, #tpu.memory_space<vmem>>, vector<16xf32>,
      tpu.vector_store %arg11[%swap3A_352, %swap3A_353], %broadcast_in_dim3A_1 {strides = array<i32>} : memref<80x128xf32, #tpu.memory_space<vmem>>, vector<16xf32>,
      %swap3A_355 = arith.index_cast %scan3A_348 : i32 to index
      %swap3A_356 = arith.constant 32 : index
      %swap3A_357 = tpu.vector_load %arg11[%swap3A_355, %swap3A_356] {strides = array<i32>} : memref<80x128xf32, #tpu.memory_space<vmem>>, vector<16xf32>,
      tpu.vector_store %arg11[%swap3A_355, %swap3A_356], %broadcast_in_dim3A_1 {strides = array<i32>} : memref<80x128xf32, #tpu.memory_space<vmem>>, vector<16xf32>,
      %swap3A_358 = arith.index_cast %scan3A_348 : i32 to index
      %swap3A_359 = arith.constant 48 : index
      %swap3A_360 = tpu.vector_load %arg11[%swap3A_358, %swap3A_359] {strides = array<i32>} : memref<80x128xf32, #tpu.memory_space<vmem>>, vector<16xf32>,
      tpu.vector_store %arg11[%swap3A_358, %swap3A_359], %broadcast_in_dim3A_1 {strides = array<i32>} : memref<80x128xf32, #tpu.memory_space<vmem>>, vector<16xf32>,
      %swap3A_361 = arith.index_cast %scan3A_348 : i32 to index
      %swap3A_362 = arith.constant 64 : index
      %swap3A_363 = tpu.vector_load %arg11[%swap3A_361, %swap3A_362] {strides = array<i32>} : memref<80x128xf32, #tpu.memory_space<vmem>>, vector<16xf32>,
      tpu.vector_store %arg11[%swap3A_361, %swap3A_362], %broadcast_in_dim3A_1 {strides = array<i32>} : memref<80x128xf32, #tpu.memory_space<vmem>>, vector<16xf32>,
      %swap3A_364 = arith.index_cast %scan3A_348 : i32 to index
      %swap3A_365 = arith.constant 80 : index
      %swap3A_366 = tpu.vector_load %arg11[%swap3A_364, %swap3A_365] {strides = array<i32>} : memref<80x128xf32, #tpu.memory_space<vmem>>, vector<16xf32>,
      tpu.vector_store %arg11[%swap3A_364, %swap3A_365], %broadcast_in_dim3A_1 {strides = array<i32>} : memref<80x128xf32, #tpu.memory_space<vmem>>, vector<16xf32>,
      %swap3A_367 = arith.index_cast %scan3A_348 : i32 to index
      %swap3A_368 = arith.constant 96 : index
      %swap3A_369 = tpu.vector_load %arg11[%swap3A_367, %swap3A_368] {strides = array<i32>} : memref<80x128xf32, #tpu.memory_space<vmem>>, vector<16xf32>,
      tpu.vector_store %arg11[%swap3A_367, %swap3A_368], %broadcast_in_dim3A_1 {strides = array<i32>} : memref<80x128xf32, #tpu.memory_space<vmem>>, vector<16xf32>,
      %swap3A_370 = arith.index_cast %scan3A_348 : i32 to index
      %swap3A_371 = arith.constant 112 : index
      %swap3A_372 = tpu.vector_load %arg11[%swap3A_370, %swap3A_371] {strides = array<i32>} : memref<80x128xf32, #tpu.memory_space<vmem>>, vector<16xf32>,
      tpu.vector_store %arg11[%swap3A_370, %swap3A_371], %broadcast_in_dim3A_1 {strides = array<i32>} : memref<80x128xf32, #tpu.memory_space<vmem>>, vector<16xf32>,
      %scan3A_373 = arith.constant 0 : i32
      scf.yield %scan3A_373 : i32
    }
    %scan3A_7 = arith.constant 80 : i32
    %scan3A_8 = arith.constant 0 : i32
    %scan3A_9 = arith.constant 0 : i32
    %scan3A_10 = arith.constant 32 : i32
    %scan3A_11 = arith.addi %scan3A_9, %scan3A_10 : i32
    %scan3A_12 = arith.constant 1 : i32
    %scan3A_13 = scf.for %scan3A_348 = %scan3A_9 to %scan3A_11 step %scan3A_12 iter_args(%scan3A_349 = %scan3A_8) -> (i32)  : i32 {
      %swap3A = arith.index_cast %scan3A_348 : i32 to index
      %swap3A_350 = arith.constant 0 : index
      %swap3A_351 = tpu.vector_load %arg15[%swap3A, %swap3A_350] {strides = array<i32>} : memref<32x128xf32, #tpu.memory_space<vmem>>, vector<16xf32>,
      tpu.vector_store %arg15[%swap3A, %swap3A_350], %broadcast_in_dim3A_1 {strides = array<i32>} : memref<32x128xf32, #tpu.memory_space<vmem>>, vector<16xf32>,
      %swap3A_352 = arith.index_cast %scan3A_348 : i32 to index
      %swap3A_353 = arith.constant 16 : index
      %swap3A_354 = tpu.vector_load %arg15[%swap3A_352, %swap3A_353] {strides = array<i32>} : memref<32x128xf32, #tpu.memory_space<vmem>>, vector<16xf32>,
      tpu.vector_store %arg15[%swap3A_352, %swap3A_353], %broadcast_in_dim3A_1 {strides = array<i32>} : memref<32x128xf32, #tpu.memory_space<vmem>>, vector<16xf32>,
      %swap3A_355 = arith.index_cast %scan3A_348 : i32 to index
      %swap3A_356 = arith.constant 32 : index
      %swap3A_357 = tpu.vector_load %arg15[%swap3A_355, %swap3A_356] {strides = array<i32>} : memref<32x128xf32, #tpu.memory_space<vmem>>, vector<16xf32>,
      tpu.vector_store %arg15[%swap3A_355, %swap3A_356], %broadcast_in_dim3A_1 {strides = array<i32>} : memref<32x128xf32, #tpu.memory_space<vmem>>, vector<16xf32>,
      %swap3A_358 = arith.index_cast %scan3A_348 : i32 to index
      %swap3A_359 = arith.constant 48 : index
      %swap3A_360 = tpu.vector_load %arg15[%swap3A_358, %swap3A_359] {strides = array<i32>} : memref<32x128xf32, #tpu.memory_space<vmem>>, vector<16xf32>,
      tpu.vector_store %arg15[%swap3A_358, %swap3A_359], %broadcast_in_dim3A_1 {strides = array<i32>} : memref<32x128xf32, #tpu.memory_space<vmem>>, vector<16xf32>,
      %swap3A_361 = arith.index_cast %scan3A_348 : i32 to index
      %swap3A_362 = arith.constant 64 : index
      %swap3A_363 = tpu.vector_load %arg15[%swap3A_361, %swap3A_362] {strides = array<i32>} : memref<32x128xf32, #tpu.memory_space<vmem>>, vector<16xf32>,
      tpu.vector_store %arg15[%swap3A_361, %swap3A_362], %broadcast_in_dim3A_1 {strides = array<i32>} : memref<32x128xf32, #tpu.memory_space<vmem>>, vector<16xf32>,
      %swap3A_364 = arith.index_cast %scan3A_348 : i32 to index
      %swap3A_365 = arith.constant 80 : index
      %swap3A_366 = tpu.vector_load %arg15[%swap3A_364, %swap3A_365] {strides = array<i32>} : memref<32x128xf32, #tpu.memory_space<vmem>>, vector<16xf32>,
      tpu.vector_store %arg15[%swap3A_364, %swap3A_365], %broadcast_in_dim3A_1 {strides = array<i32>} : memref<32x128xf32, #tpu.memory_space<vmem>>, vector<16xf32>,
      %swap3A_367 = arith.index_cast %scan3A_348 : i32 to index
      %swap3A_368 = arith.constant 96 : index
      %swap3A_369 = tpu.vector_load %arg15[%swap3A_367, %swap3A_368] {strides = array<i32>} : memref<32x128xf32, #tpu.memory_space<vmem>>, vector<16xf32>,
      tpu.vector_store %arg15[%swap3A_367, %swap3A_368], %broadcast_in_dim3A_1 {strides = array<i32>} : memref<32x128xf32, #tpu.memory_space<vmem>>, vector<16xf32>,
      %swap3A_370 = arith.index_cast %scan3A_348 : i32 to index
      %swap3A_371 = arith.constant 112 : index
      %swap3A_372 = tpu.vector_load %arg15[%swap3A_370, %swap3A_371] {strides = array<i32>} : memref<32x128xf32, #tpu.memory_space<vmem>>, vector<16xf32>,
      tpu.vector_store %arg15[%swap3A_370, %swap3A_371], %broadcast_in_dim3A_1 {strides = array<i32>} : memref<32x128xf32, #tpu.memory_space<vmem>>, vector<16xf32>,
      %swap3A_373 = arith.index_cast %scan3A_348 : i32 to index
      %swap3A_374 = arith.constant 0 : index
      %swap3A_375 = tpu.vector_load %arg16[%swap3A_373, %swap3A_374] {strides = array<i32>} : memref<32x128xf32, #tpu.memory_space<vmem>>, vector<16xf32>,
      tpu.vector_store %arg16[%swap3A_373, %swap3A_374], %broadcast_in_dim3A_1 {strides = array<i32>} : memref<32x128xf32, #tpu.memory_space<vmem>>, vector<16xf32>,
      %swap3A_376 = arith.index_cast %scan3A_348 : i32 to index
      %swap3A_377 = arith.constant 16 : index
      %swap3A_378 = tpu.vector_load %arg16[%swap3A_376, %swap3A_377] {strides = array<i32>} : memref<32x128xf32, #tpu.memory_space<vmem>>, vector<16xf32>,
      tpu.vector_store %arg16[%swap3A_376, %swap3A_377], %broadcast_in_dim3A_1 {strides = array<i32>} : memref<32x128xf32, #tpu.memory_space<vmem>>, vector<16xf32>,
      %swap3A_379 = arith.index_cast %scan3A_348 : i32 to index
      %swap3A_380 = arith.constant 32 : index
      %swap3A_381 = tpu.vector_load %arg16[%swap3A_379, %swap3A_380] {strides = array<i32>} : memref<32x128xf32, #tpu.memory_space<vmem>>, vector<16xf32>,
      tpu.vector_store %arg16[%swap3A_379, %swap3A_380], %broadcast_in_dim3A_1 {strides = array<i32>} : memref<32x128xf32, #tpu.memory_space<vmem>>, vector<16xf32>,
      %swap3A_382 = arith.index_cast %scan3A_348 : i32 to index
      %swap3A_383 = arith.constant 48 : index
      %swap3A_384 = tpu.vector_load %arg16[%swap3A_382, %swap3A_383] {strides = array<i32>} : memref<32x128xf32, #tpu.memory_space<vmem>>, vector<16xf32>,
      tpu.vector_store %arg16[%swap3A_382, %swap3A_383], %broadcast_in_dim3A_1 {strides = array<i32>} : memref<32x128xf32, #tpu.memory_space<vmem>>, vector<16xf32>,
      %swap3A_385 = arith.index_cast %scan3A_348 : i32 to index
      %swap3A_386 = arith.constant 64 : index
      %swap3A_387 = tpu.vector_load %arg16[%swap3A_385, %swap3A_386] {strides = array<i32>} : memref<32x128xf32, #tpu.memory_space<vmem>>, vector<16xf32>,
      tpu.vector_store %arg16[%swap3A_385, %swap3A_386], %broadcast_in_dim3A_1 {strides = array<i32>} : memref<32x128xf32, #tpu.memory_space<vmem>>, vector<16xf32>,
      %swap3A_388 = arith.index_cast %scan3A_348 : i32 to index
      %swap3A_389 = arith.constant 80 : index
      %swap3A_390 = tpu.vector_load %arg16[%swap3A_388, %swap3A_389] {strides = array<i32>} : memref<32x128xf32, #tpu.memory_space<vmem>>, vector<16xf32>,
      tpu.vector_store %arg16[%swap3A_388, %swap3A_389], %broadcast_in_dim3A_1 {strides = array<i32>} : memref<32x128xf32, #tpu.memory_space<vmem>>, vector<16xf32>,
      %swap3A_391 = arith.index_cast %scan3A_348 : i32 to index
      %swap3A_392 = arith.constant 96 : index
      %swap3A_393 = tpu.vector_load %arg16[%swap3A_391, %swap3A_392] {strides = array<i32>} : memref<32x128xf32, #tpu.memory_space<vmem>>, vector<16xf32>,
      tpu.vector_store %arg16[%swap3A_391, %swap3A_392], %broadcast_in_dim3A_1 {strides = array<i32>} : memref<32x128xf32, #tpu.memory_space<vmem>>, vector<16xf32>,
      %swap3A_394 = arith.index_cast %scan3A_348 : i32 to index
      %swap3A_395 = arith.constant 112 : index
      %swap3A_396 = tpu.vector_load %arg16[%swap3A_394, %swap3A_395] {strides = array<i32>} : memref<32x128xf32, #tpu.memory_space<vmem>>, vector<16xf32>,
      tpu.vector_store %arg16[%swap3A_394, %swap3A_395], %broadcast_in_dim3A_1 {strides = array<i32>} : memref<32x128xf32, #tpu.memory_space<vmem>>, vector<16xf32>,
      %swap3A_397 = arith.index_cast %scan3A_348 : i32 to index
      %swap3A_398 = arith.constant 0 : index
      %swap3A_399 = tpu.vector_load %arg17[%swap3A_397, %swap3A_398] {strides = array<i32>} : memref<32x128xf32, #tpu.memory_space<vmem>>, vector<16xf32>,
      tpu.vector_store %arg17[%swap3A_397, %swap3A_398], %broadcast_in_dim3A_1 {strides = array<i32>} : memref<32x128xf32, #tpu.memory_space<vmem>>, vector<16xf32>,
      %swap3A_400 = arith.index_cast %scan3A_348 : i32 to index
      %swap3A_401 = arith.constant 16 : index
      %swap3A_402 = tpu.vector_load %arg17[%swap3A_400, %swap3A_401] {strides = array<i32>} : memref<32x128xf32, #tpu.memory_space<vmem>>, vector<16xf32>,
      tpu.vector_store %arg17[%swap3A_400, %swap3A_401], %broadcast_in_dim3A_1 {strides = array<i32>} : memref<32x128xf32, #tpu.memory_space<vmem>>, vector<16xf32>,
      %swap3A_403 = arith.index_cast %scan3A_348 : i32 to index
      %swap3A_404 = arith.constant 32 : index
      %swap3A_405 = tpu.vector_load %arg17[%swap3A_403, %swap3A_404] {strides = array<i32>} : memref<32x128xf32, #tpu.memory_space<vmem>>, vector<16xf32>,
      tpu.vector_store %arg17[%swap3A_403, %swap3A_404], %broadcast_in_dim3A_1 {strides = array<i32>} : memref<32x128xf32, #tpu.memory_space<vmem>>, vector<16xf32>,
      %swap3A_406 = arith.index_cast %scan3A_348 : i32 to index
      %swap3A_407 = arith.constant 48 : index
      %swap3A_408 = tpu.vector_load %arg17[%swap3A_406, %swap3A_407] {strides = array<i32>} : memref<32x128xf32, #tpu.memory_space<vmem>>, vector<16xf32>,
      tpu.vector_store %arg17[%swap3A_406, %swap3A_407], %broadcast_in_dim3A_1 {strides = array<i32>} : memref<32x128xf32, #tpu.memory_space<vmem>>, vector<16xf32>,
      %swap3A_409 = arith.index_cast %scan3A_348 : i32 to index
      %swap3A_410 = arith.constant 64 : index
      %swap3A_411 = tpu.vector_load %arg17[%swap3A_409, %swap3A_410] {strides = array<i32>} : memref<32x128xf32, #tpu.memory_space<vmem>>, vector<16xf32>,
      tpu.vector_store %arg17[%swap3A_409, %swap3A_410], %broadcast_in_dim3A_1 {strides = array<i32>} : memref<32x128xf32, #tpu.memory_space<vmem>>, vector<16xf32>,
      %swap3A_412 = arith.index_cast %scan3A_348 : i32 to index
      %swap3A_413 = arith.constant 80 : index
      %swap3A_414 = tpu.vector_load %arg17[%swap3A_412, %swap3A_413] {strides = array<i32>} : memref<32x128xf32, #tpu.memory_space<vmem>>, vector<16xf32>,
      tpu.vector_store %arg17[%swap3A_412, %swap3A_413], %broadcast_in_dim3A_1 {strides = array<i32>} : memref<32x128xf32, #tpu.memory_space<vmem>>, vector<16xf32>,
      %swap3A_415 = arith.index_cast %scan3A_348 : i32 to index
      %swap3A_416 = arith.constant 96 : index
      %swap3A_417 = tpu.vector_load %arg17[%swap3A_415, %swap3A_416] {strides = array<i32>} : memref<32x128xf32, #tpu.memory_space<vmem>>, vector<16xf32>,
      tpu.vector_store %arg17[%swap3A_415, %swap3A_416], %broadcast_in_dim3A_1 {strides = array<i32>} : memref<32x128xf32, #tpu.memory_space<vmem>>, vector<16xf32>,
      %swap3A_418 = arith.index_cast %scan3A_348 : i32 to index
      %swap3A_419 = arith.constant 112 : index
      %swap3A_420 = tpu.vector_load %arg17[%swap3A_418, %swap3A_419] {strides = array<i32>} : memref<32x128xf32, #tpu.memory_space<vmem>>, vector<16xf32>,
      tpu.vector_store %arg17[%swap3A_418, %swap3A_419], %broadcast_in_dim3A_1 {strides = array<i32>} : memref<32x128xf32, #tpu.memory_space<vmem>>, vector<16xf32>,
      %scan3A_421 = arith.constant 0 : i32
      scf.yield %scan3A_421 : i32
    }
    %scan3A_14 = arith.constant 32 : i32
    %mul3A_15 = arith.constant 640 : i32
    %mul3A_16 = arith.muli %arg1, %mul3A_15 : i32
    %add3A_17 = arith.constant 0 : i32
    %add3A_18 = arith.addi %mul3A_16, %add3A_17 : i32
    %dma_start3A = arith.constant 0 : i32
    %dma_start3A_19 = tpu.memref_slice %arg25[%add3A_18, %dma_start3A] : memref<10240x128xf32, #tpu.memory_space<vmem_shared>> -> memref<32x128xf32, #tpu.memory_space<vmem_shared>>
    %dma_start3A_20 = arith.constant 0 : i32
    %dma_start3A_21 = tpu.memref_slice %arg25[%add3A_18, %dma_start3A_20] : memref<10240x128xf32, #tpu.memory_space<vmem_shared>> -> memref<32x128xf32, #tpu.memory_space<vmem_shared>>
    tpu.enqueue_dma source(%arg15 : memref<32x128xf32, #tpu.memory_space<vmem>>) target(%dma_start3A_21 : memref<32x128xf32, #tpu.memory_space<vmem_shared>>) target_semaphore(%arg18 : memref<!tpu.dma_semaphore, #tpu.memory_space<semaphore_mem>>)
    %mul3A_22 = arith.constant 640 : i32
    %mul3A_23 = arith.muli %arg1, %mul3A_22 : i32
    %add3A_24 = arith.constant 32 : i32
    %add3A_25 = arith.addi %mul3A_23, %add3A_24 : i32
    %dma_start3A_26 = arith.constant 0 : i32
    %dma_start3A_27 = tpu.memref_slice %arg25[%add3A_25, %dma_start3A_26] : memref<10240x128xf32, #tpu.memory_space<vmem_shared>> -> memref<32x128xf32, #tpu.memory_space<vmem_shared>>
    %dma_start3A_28 = arith.constant 0 : i32
    %dma_start3A_29 = tpu.memref_slice %arg25[%add3A_25, %dma_start3A_28] : memref<10240x128xf32, #tpu.memory_space<vmem_shared>> -> memref<32x128xf32, #tpu.memory_space<vmem_shared>>
    tpu.enqueue_dma source(%arg16 : memref<32x128xf32, #tpu.memory_space<vmem>>) target(%dma_start3A_29 : memref<32x128xf32, #tpu.memory_space<vmem_shared>>) target_semaphore(%arg19 : memref<!tpu.dma_semaphore, #tpu.memory_space<semaphore_mem>>)
    %mul3A_30 = arith.constant 640 : i32
    %mul3A_31 = arith.muli %arg1, %mul3A_30 : i32
    %add3A_32 = arith.constant 64 : i32
    %add3A_33 = arith.addi %mul3A_31, %add3A_32 : i32
    %dma_start3A_34 = arith.constant 0 : i32
    %dma_start3A_35 = tpu.memref_slice %arg25[%add3A_33, %dma_start3A_34] : memref<10240x128xf32, #tpu.memory_space<vmem_shared>> -> memref<32x128xf32, #tpu.memory_space<vmem_shared>>
    %dma_start3A_36 = arith.constant 0 : i32
    %dma_start3A_37 = tpu.memref_slice %arg25[%add3A_33, %dma_start3A_36] : memref<10240x128xf32, #tpu.memory_space<vmem_shared>> -> memref<32x128xf32, #tpu.memory_space<vmem_shared>>
    tpu.enqueue_dma source(%arg17 : memref<32x128xf32, #tpu.memory_space<vmem>>) target(%dma_start3A_37 : memref<32x128xf32, #tpu.memory_space<vmem_shared>>) target_semaphore(%arg20 : memref<!tpu.dma_semaphore, #tpu.memory_space<semaphore_mem>>)
    %dma_wait3A = arith.constant 0 : i32
    %dma_wait3A_38 = arith.constant 0 : i32
    %dma_wait3A_39 = tpu.memref_slice %arg25[%dma_wait3A, %dma_wait3A_38] : memref<10240x128xf32, #tpu.memory_space<vmem_shared>> -> memref<32x128xf32, #tpu.memory_space<vmem_shared>>
    %dma_wait3A_40 = arith.constant 0 : i32
    %dma_wait3A_41 = arith.constant 0 : i32
    %dma_wait3A_42 = tpu.memref_slice %arg25[%dma_wait3A_40, %dma_wait3A_41] : memref<10240x128xf32, #tpu.memory_space<vmem_shared>> -> memref<32x128xf32, #tpu.memory_space<vmem_shared>>
    tpu.wait_dma2 semaphore(%arg18 : memref<!tpu.dma_semaphore, #tpu.memory_space<semaphore_mem>>) src(%arg15 : memref<32x128xf32, #tpu.memory_space<vmem>>) dst(%dma_wait3A_42 : memref<32x128xf32, #tpu.memory_space<vmem_shared>>)
    %mul3A_43 = arith.constant 640 : i32
    %mul3A_44 = arith.muli %arg1, %mul3A_43 : i32
    %add3A_45 = arith.constant 96 : i32
    %add3A_46 = arith.addi %mul3A_44, %add3A_45 : i32
    %dma_start3A_47 = arith.constant 0 : i32
    %dma_start3A_48 = tpu.memref_slice %arg25[%add3A_46, %dma_start3A_47] : memref<10240x128xf32, #tpu.memory_space<vmem_shared>> -> memref<32x128xf32, #tpu.memory_space<vmem_shared>>
    %dma_start3A_49 = arith.constant 0 : i32
    %dma_start3A_50 = tpu.memref_slice %arg25[%add3A_46, %dma_start3A_49] : memref<10240x128xf32, #tpu.memory_space<vmem_shared>> -> memref<32x128xf32, #tpu.memory_space<vmem_shared>>
    tpu.enqueue_dma source(%arg15 : memref<32x128xf32, #tpu.memory_space<vmem>>) target(%dma_start3A_50 : memref<32x128xf32, #tpu.memory_space<vmem_shared>>) target_semaphore(%arg18 : memref<!tpu.dma_semaphore, #tpu.memory_space<semaphore_mem>>)
    %dma_wait3A_51 = arith.constant 0 : i32
    %dma_wait3A_52 = arith.constant 0 : i32
    %dma_wait3A_53 = tpu.memref_slice %arg25[%dma_wait3A_51, %dma_wait3A_52] : memref<10240x128xf32, #tpu.memory_space<vmem_shared>> -> memref<32x128xf32, #tpu.memory_space<vmem_shared>>
    %dma_wait3A_54 = arith.constant 0 : i32
    %dma_wait3A_55 = arith.constant 0 : i32
    %dma_wait3A_56 = tpu.memref_slice %arg25[%dma_wait3A_54, %dma_wait3A_55] : memref<10240x128xf32, #tpu.memory_space<vmem_shared>> -> memref<32x128xf32, #tpu.memory_space<vmem_shared>>
    tpu.wait_dma2 semaphore(%arg18 : memref<!tpu.dma_semaphore, #tpu.memory_space<semaphore_mem>>) src(%arg15 : memref<32x128xf32, #tpu.memory_space<vmem>>) dst(%dma_wait3A_56 : memref<32x128xf32, #tpu.memory_space<vmem_shared>>)
    %dma_wait3A_57 = arith.constant 0 : i32
    %dma_wait3A_58 = arith.constant 0 : i32
    %dma_wait3A_59 = tpu.memref_slice %arg25[%dma_wait3A_57, %dma_wait3A_58] : memref<10240x128xf32, #tpu.memory_space<vmem_shared>> -> memref<32x128xf32, #tpu.memory_space<vmem_shared>>
    %dma_wait3A_60 = arith.constant 0 : i32
    %dma_wait3A_61 = arith.constant 0 : i32
    %dma_wait3A_62 = tpu.memref_slice %arg25[%dma_wait3A_60, %dma_wait3A_61] : memref<10240x128xf32, #tpu.memory_space<vmem_shared>> -> memref<32x128xf32, #tpu.memory_space<vmem_shared>>
    tpu.wait_dma2 semaphore(%arg19 : memref<!tpu.dma_semaphore, #tpu.memory_space<semaphore_mem>>) src(%arg16 : memref<32x128xf32, #tpu.memory_space<vmem>>) dst(%dma_wait3A_62 : memref<32x128xf32, #tpu.memory_space<vmem_shared>>)
    %dma_wait3A_63 = arith.constant 0 : i32
    %dma_wait3A_64 = arith.constant 0 : i32
    %dma_wait3A_65 = tpu.memref_slice %arg25[%dma_wait3A_63, %dma_wait3A_64] : memref<10240x128xf32, #tpu.memory_space<vmem_shared>> -> memref<32x128xf32, #tpu.memory_space<vmem_shared>>
    %dma_wait3A_66 = arith.constant 0 : i32
    %dma_wait3A_67 = arith.constant 0 : i32
    %dma_wait3A_68 = tpu.memref_slice %arg25[%dma_wait3A_66, %dma_wait3A_67] : memref<10240x128xf32, #tpu.memory_space<vmem_shared>> -> memref<32x128xf32, #tpu.memory_space<vmem_shared>>
    tpu.wait_dma2 semaphore(%arg20 : memref<!tpu.dma_semaphore, #tpu.memory_space<semaphore_mem>>) src(%arg17 : memref<32x128xf32, #tpu.memory_space<vmem>>) dst(%dma_wait3A_68 : memref<32x128xf32, #tpu.memory_space<vmem_shared>>)
    %mul3A_69 = arith.constant 640 : i32
    %mul3A_70 = arith.muli %arg1, %mul3A_69 : i32
    %add3A_71 = arith.constant 128 : i32
    %add3A_72 = arith.addi %mul3A_70, %add3A_71 : i32
    %dma_start3A_73 = arith.constant 0 : i32
    %dma_start3A_74 = tpu.memref_slice %arg25[%add3A_72, %dma_start3A_73] : memref<10240x128xf32, #tpu.memory_space<vmem_shared>> -> memref<32x128xf32, #tpu.memory_space<vmem_shared>>
    %dma_start3A_75 = arith.constant 0 : i32
    %dma_start3A_76 = tpu.memref_slice %arg25[%add3A_72, %dma_start3A_75] : memref<10240x128xf32, #tpu.memory_space<vmem_shared>> -> memref<32x128xf32, #tpu.memory_space<vmem_shared>>
    tpu.enqueue_dma source(%arg15 : memref<32x128xf32, #tpu.memory_space<vmem>>) target(%dma_start3A_76 : memref<32x128xf32, #tpu.memory_space<vmem_shared>>) target_semaphore(%arg18 : memref<!tpu.dma_semaphore, #tpu.memory_space<semaphore_mem>>)
    %mul3A_77 = arith.constant 640 : i32
    %mul3A_78 = arith.muli %arg1, %mul3A_77 : i32
    %add3A_79 = arith.constant 160 : i32
    %add3A_80 = arith.addi %mul3A_78, %add3A_79 : i32
    %dma_start3A_81 = arith.constant 0 : i32
    %dma_start3A_82 = tpu.memref_slice %arg25[%add3A_80, %dma_start3A_81] : memref<10240x128xf32, #tpu.memory_space<vmem_shared>> -> memref<32x128xf32, #tpu.memory_space<vmem_shared>>
    %dma_start3A_83 = arith.constant 0 : i32
    %dma_start3A_84 = tpu.memref_slice %arg25[%add3A_80, %dma_start3A_83] : memref<10240x128xf32, #tpu.memory_space<vmem_shared>> -> memref<32x128xf32, #tpu.memory_space<vmem_shared>>
    tpu.enqueue_dma source(%arg16 : memref<32x128xf32, #tpu.memory_space<vmem>>) target(%dma_start3A_84 : memref<32x128xf32, #tpu.memory_space<vmem_shared>>) target_semaphore(%arg19 : memref<!tpu.dma_semaphore, #tpu.memory_space<semaphore_mem>>)
    %mul3A_85 = arith.constant 640 : i32
    %mul3A_86 = arith.muli %arg1, %mul3A_85 : i32
    %add3A_87 = arith.constant 192 : i32
    %add3A_88 = arith.addi %mul3A_86, %add3A_87 : i32
    %dma_start3A_89 = arith.constant 0 : i32
    %dma_start3A_90 = tpu.memref_slice %arg25[%add3A_88, %dma_start3A_89] : memref<10240x128xf32, #tpu.memory_space<vmem_shared>> -> memref<32x128xf32, #tpu.memory_space<vmem_shared>>
    %dma_start3A_91 = arith.constant 0 : i32
    %dma_start3A_92 = tpu.memref_slice %arg25[%add3A_88, %dma_start3A_91] : memref<10240x128xf32, #tpu.memory_space<vmem_shared>> -> memref<32x128xf32, #tpu.memory_space<vmem_shared>>
    tpu.enqueue_dma source(%arg17 : memref<32x128xf32, #tpu.memory_space<vmem>>) target(%dma_start3A_92 : memref<32x128xf32, #tpu.memory_space<vmem_shared>>) target_semaphore(%arg20 : memref<!tpu.dma_semaphore, #tpu.memory_space<semaphore_mem>>)
    %dma_wait3A_93 = arith.constant 0 : i32
    %dma_wait3A_94 = arith.constant 0 : i32
    %dma_wait3A_95 = tpu.memref_slice %arg25[%dma_wait3A_93, %dma_wait3A_94] : memref<10240x128xf32, #tpu.memory_space<vmem_shared>> -> memref<32x128xf32, #tpu.memory_space<vmem_shared>>
    %dma_wait3A_96 = arith.constant 0 : i32
    %dma_wait3A_97 = arith.constant 0 : i32
    %dma_wait3A_98 = tpu.memref_slice %arg25[%dma_wait3A_96, %dma_wait3A_97] : memref<10240x128xf32, #tpu.memory_space<vmem_shared>> -> memref<32x128xf32, #tpu.memory_space<vmem_shared>>
    tpu.wait_dma2 semaphore(%arg18 : memref<!tpu.dma_semaphore, #tpu.memory_space<semaphore_mem>>) src(%arg15 : memref<32x128xf32, #tpu.memory_space<vmem>>) dst(%dma_wait3A_98 : memref<32x128xf32, #tpu.memory_space<vmem_shared>>)
    %mul3A_99 = arith.constant 640 : i32
    %mul3A_100 = arith.muli %arg1, %mul3A_99 : i32
    %add3A_101 = arith.constant 224 : i32
    %add3A_102 = arith.addi %mul3A_100, %add3A_101 : i32
    %dma_start3A_103 = arith.constant 0 : i32
    %dma_start3A_104 = tpu.memref_slice %arg25[%add3A_102, %dma_start3A_103] : memref<10240x128xf32, #tpu.memory_space<vmem_shared>> -> memref<32x128xf32, #tpu.memory_space<vmem_shared>>
    %dma_start3A_105 = arith.constant 0 : i32
    %dma_start3A_106 = tpu.memref_slice %arg25[%add3A_102, %dma_start3A_105] : memref<10240x128xf32, #tpu.memory_space<vmem_shared>> -> memref<32x128xf32, #tpu.memory_space<vmem_shared>>
    tpu.enqueue_dma source(%arg15 : memref<32x128xf32, #tpu.memory_space<vmem>>) target(%dma_start3A_106 : memref<32x128xf32, #tpu.memory_space<vmem_shared>>) target_semaphore(%arg18 : memref<!tpu.dma_semaphore, #tpu.memory_space<semaphore_mem>>)
    %dma_wait3A_107 = arith.constant 0 : i32
    %dma_wait3A_108 = arith.constant 0 : i32
    %dma_wait3A_109 = tpu.memref_slice %arg25[%dma_wait3A_107, %dma_wait3A_108] : memref<10240x128xf32, #tpu.memory_space<vmem_shared>> -> memref<32x128xf32, #tpu.memory_space<vmem_shared>>
    %dma_wait3A_110 = arith.constant 0 : i32
    %dma_wait3A_111 = arith.constant 0 : i32
    %dma_wait3A_112 = tpu.memref_slice %arg25[%dma_wait3A_110, %dma_wait3A_111] : memref<10240x128xf32, #tpu.memory_space<vmem_shared>> -> memref<32x128xf32, #tpu.memory_space<vmem_shared>>
    tpu.wait_dma2 semaphore(%arg18 : memref<!tpu.dma_semaphore, #tpu.memory_space<semaphore_mem>>) src(%arg15 : memref<32x128xf32, #tpu.memory_space<vmem>>) dst(%dma_wait3A_112 : memref<32x128xf32, #tpu.memory_space<vmem_shared>>)
    %dma_wait3A_113 = arith.constant 0 : i32
    %dma_wait3A_114 = arith.constant 0 : i32
    %dma_wait3A_115 = tpu.memref_slice %arg25[%dma_wait3A_113, %dma_wait3A_114] : memref<10240x128xf32, #tpu.memory_space<vmem_shared>> -> memref<32x128xf32, #tpu.memory_space<vmem_shared>>
    %dma_wait3A_116 = arith.constant 0 : i32
    %dma_wait3A_117 = arith.constant 0 : i32
    %dma_wait3A_118 = tpu.memref_slice %arg25[%dma_wait3A_116, %dma_wait3A_117] : memref<10240x128xf32, #tpu.memory_space<vmem_shared>> -> memref<32x128xf32, #tpu.memory_space<vmem_shared>>
    tpu.wait_dma2 semaphore(%arg19 : memref<!tpu.dma_semaphore, #tpu.memory_space<semaphore_mem>>) src(%arg16 : memref<32x128xf32, #tpu.memory_space<vmem>>) dst(%dma_wait3A_118 : memref<32x128xf32, #tpu.memory_space<vmem_shared>>)
    %dma_wait3A_119 = arith.constant 0 : i32
    %dma_wait3A_120 = arith.constant 0 : i32
    %dma_wait3A_121 = tpu.memref_slice %arg25[%dma_wait3A_119, %dma_wait3A_120] : memref<10240x128xf32, #tpu.memory_space<vmem_shared>> -> memref<32x128xf32, #tpu.memory_space<vmem_shared>>
    %dma_wait3A_122 = arith.constant 0 : i32
    %dma_wait3A_123 = arith.constant 0 : i32
    %dma_wait3A_124 = tpu.memref_slice %arg25[%dma_wait3A_122, %dma_wait3A_123] : memref<10240x128xf32, #tpu.memory_space<vmem_shared>> -> memref<32x128xf32, #tpu.memory_space<vmem_shared>>
    tpu.wait_dma2 semaphore(%arg20 : memref<!tpu.dma_semaphore, #tpu.memory_space<semaphore_mem>>) src(%arg17 : memref<32x128xf32, #tpu.memory_space<vmem>>) dst(%dma_wait3A_124 : memref<32x128xf32, #tpu.memory_space<vmem_shared>>)
    %mul3A_125 = arith.constant 640 : i32
    %mul3A_126 = arith.muli %arg1, %mul3A_125 : i32
    %add3A_127 = arith.constant 256 : i32
    %add3A_128 = arith.addi %mul3A_126, %add3A_127 : i32
    %dma_start3A_129 = arith.constant 0 : i32
    %dma_start3A_130 = tpu.memref_slice %arg25[%add3A_128, %dma_start3A_129] : memref<10240x128xf32, #tpu.memory_space<vmem_shared>> -> memref<32x128xf32, #tpu.memory_space<vmem_shared>>
    %dma_start3A_131 = arith.constant 0 : i32
    %dma_start3A_132 = tpu.memref_slice %arg25[%add3A_128, %dma_start3A_131] : memref<10240x128xf32, #tpu.memory_space<vmem_shared>> -> memref<32x128xf32, #tpu.memory_space<vmem_shared>>
    tpu.enqueue_dma source(%arg15 : memref<32x128xf32, #tpu.memory_space<vmem>>) target(%dma_start3A_132 : memref<32x128xf32, #tpu.memory_space<vmem_shared>>) target_semaphore(%arg18 : memref<!tpu.dma_semaphore, #tpu.memory_space<semaphore_mem>>)
    %mul3A_133 = arith.constant 640 : i32
    %mul3A_134 = arith.muli %arg1, %mul3A_133 : i32
    %add3A_135 = arith.constant 288 : i32
    %add3A_136 = arith.addi %mul3A_134, %add3A_135 : i32
    %dma_start3A_137 = arith.constant 0 : i32
    %dma_start3A_138 = tpu.memref_slice %arg25[%add3A_136, %dma_start3A_137] : memref<10240x128xf32, #tpu.memory_space<vmem_shared>> -> memref<32x128xf32, #tpu.memory_space<vmem_shared>>
    %dma_start3A_139 = arith.constant 0 : i32
    %dma_start3A_140 = tpu.memref_slice %arg25[%add3A_136, %dma_start3A_139] : memref<10240x128xf32, #tpu.memory_space<vmem_shared>> -> memref<32x128xf32, #tpu.memory_space<vmem_shared>>
    tpu.enqueue_dma source(%arg16 : memref<32x128xf32, #tpu.memory_space<vmem>>) target(%dma_start3A_140 : memref<32x128xf32, #tpu.memory_space<vmem_shared>>) target_semaphore(%arg19 : memref<!tpu.dma_semaphore, #tpu.memory_space<semaphore_mem>>)
    %mul3A_141 = arith.constant 640 : i32
    %mul3A_142 = arith.muli %arg1, %mul3A_141 : i32
    %add3A_143 = arith.constant 320 : i32
    %add3A_144 = arith.addi %mul3A_142, %add3A_143 : i32
    %dma_start3A_145 = arith.constant 0 : i32
    %dma_start3A_146 = tpu.memref_slice %arg25[%add3A_144, %dma_start3A_145] : memref<10240x128xf32, #tpu.memory_space<vmem_shared>> -> memref<32x128xf32, #tpu.memory_space<vmem_shared>>
    %dma_start3A_147 = arith.constant 0 : i32
    %dma_start3A_148 = tpu.memref_slice %arg25[%add3A_144, %dma_start3A_147] : memref<10240x128xf32, #tpu.memory_space<vmem_shared>> -> memref<32x128xf32, #tpu.memory_space<vmem_shared>>
    tpu.enqueue_dma source(%arg17 : memref<32x128xf32, #tpu.memory_space<vmem>>) target(%dma_start3A_148 : memref<32x128xf32, #tpu.memory_space<vmem_shared>>) target_semaphore(%arg20 : memref<!tpu.dma_semaphore, #tpu.memory_space<semaphore_mem>>)
    %dma_wait3A_149 = arith.constant 0 : i32
    %dma_wait3A_150 = arith.constant 0 : i32
    %dma_wait3A_151 = tpu.memref_slice %arg25[%dma_wait3A_149, %dma_wait3A_150] : memref<10240x128xf32, #tpu.memory_space<vmem_shared>> -> memref<32x128xf32, #tpu.memory_space<vmem_shared>>
    %dma_wait3A_152 = arith.constant 0 : i32
    %dma_wait3A_153 = arith.constant 0 : i32
    %dma_wait3A_154 = tpu.memref_slice %arg25[%dma_wait3A_152, %dma_wait3A_153] : memref<10240x128xf32, #tpu.memory_space<vmem_shared>> -> memref<32x128xf32, #tpu.memory_space<vmem_shared>>
    tpu.wait_dma2 semaphore(%arg18 : memref<!tpu.dma_semaphore, #tpu.memory_space<semaphore_mem>>) src(%arg15 : memref<32x128xf32, #tpu.memory_space<vmem>>) dst(%dma_wait3A_154 : memref<32x128xf32, #tpu.memory_space<vmem_shared>>)
    %mul3A_155 = arith.constant 640 : i32
    %mul3A_156 = arith.muli %arg1, %mul3A_155 : i32
    %add3A_157 = arith.constant 352 : i32
    %add3A_158 = arith.addi %mul3A_156, %add3A_157 : i32
    %dma_start3A_159 = arith.constant 0 : i32
    %dma_start3A_160 = tpu.memref_slice %arg25[%add3A_158, %dma_start3A_159] : memref<10240x128xf32, #tpu.memory_space<vmem_shared>> -> memref<32x128xf32, #tpu.memory_space<vmem_shared>>
    %dma_start3A_161 = arith.constant 0 : i32
    %dma_start3A_162 = tpu.memref_slice %arg25[%add3A_158, %dma_start3A_161] : memref<10240x128xf32, #tpu.memory_space<vmem_shared>> -> memref<32x128xf32, #tpu.memory_space<vmem_shared>>
    tpu.enqueue_dma source(%arg15 : memref<32x128xf32, #tpu.memory_space<vmem>>) target(%dma_start3A_162 : memref<32x128xf32, #tpu.memory_space<vmem_shared>>) target_semaphore(%arg18 : memref<!tpu.dma_semaphore, #tpu.memory_space<semaphore_mem>>)
    %dma_wait3A_163 = arith.constant 0 : i32
    %dma_wait3A_164 = arith.constant 0 : i32
    %dma_wait3A_165 = tpu.memref_slice %arg25[%dma_wait3A_163, %dma_wait3A_164] : memref<10240x128xf32, #tpu.memory_space<vmem_shared>> -> memref<32x128xf32, #tpu.memory_space<vmem_shared>>
    %dma_wait3A_166 = arith.constant 0 : i32
    %dma_wait3A_167 = arith.constant 0 : i32
    %dma_wait3A_168 = tpu.memref_slice %arg25[%dma_wait3A_166, %dma_wait3A_167] : memref<10240x128xf32, #tpu.memory_space<vmem_shared>> -> memref<32x128xf32, #tpu.memory_space<vmem_shared>>
    tpu.wait_dma2 semaphore(%arg18 : memref<!tpu.dma_semaphore, #tpu.memory_space<semaphore_mem>>) src(%arg15 : memref<32x128xf32, #tpu.memory_space<vmem>>) dst(%dma_wait3A_168 : memref<32x128xf32, #tpu.memory_space<vmem_shared>>)
    %dma_wait3A_169 = arith.constant 0 : i32
    %dma_wait3A_170 = arith.constant 0 : i32
    %dma_wait3A_171 = tpu.memref_slice %arg25[%dma_wait3A_169, %dma_wait3A_170] : memref<10240x128xf32, #tpu.memory_space<vmem_shared>> -> memref<32x128xf32, #tpu.memory_space<vmem_shared>>
    %dma_wait3A_172 = arith.constant 0 : i32
    %dma_wait3A_173 = arith.constant 0 : i32
    %dma_wait3A_174 = tpu.memref_slice %arg25[%dma_wait3A_172, %dma_wait3A_173] : memref<10240x128xf32, #tpu.memory_space<vmem_shared>> -> memref<32x128xf32, #tpu.memory_space<vmem_shared>>
    tpu.wait_dma2 semaphore(%arg19 : memref<!tpu.dma_semaphore, #tpu.memory_space<semaphore_mem>>) src(%arg16 : memref<32x128xf32, #tpu.memory_space<vmem>>) dst(%dma_wait3A_174 : memref<32x128xf32, #tpu.memory_space<vmem_shared>>)
    %dma_wait3A_175 = arith.constant 0 : i32
    %dma_wait3A_176 = arith.constant 0 : i32
    %dma_wait3A_177 = tpu.memref_slice %arg25[%dma_wait3A_175, %dma_wait3A_176] : memref<10240x128xf32, #tpu.memory_space<vmem_shared>> -> memref<32x128xf32, #tpu.memory_space<vmem_shared>>
    %dma_wait3A_178 = arith.constant 0 : i32
    %dma_wait3A_179 = arith.constant 0 : i32
    %dma_wait3A_180 = tpu.memref_slice %arg25[%dma_wait3A_178, %dma_wait3A_179] : memref<10240x128xf32, #tpu.memory_space<vmem_shared>> -> memref<32x128xf32, #tpu.memory_space<vmem_shared>>
    tpu.wait_dma2 semaphore(%arg20 : memref<!tpu.dma_semaphore, #tpu.memory_space<semaphore_mem>>) src(%arg17 : memref<32x128xf32, #tpu.memory_space<vmem>>) dst(%dma_wait3A_180 : memref<32x128xf32, #tpu.memory_space<vmem_shared>>)
    %mul3A_181 = arith.constant 640 : i32
    %mul3A_182 = arith.muli %arg1, %mul3A_181 : i32
    %add3A_183 = arith.constant 384 : i32
    %add3A_184 = arith.addi %mul3A_182, %add3A_183 : i32
    %dma_start3A_185 = arith.constant 0 : i32
    %dma_start3A_186 = tpu.memref_slice %arg25[%add3A_184, %dma_start3A_185] : memref<10240x128xf32, #tpu.memory_space<vmem_shared>> -> memref<32x128xf32, #tpu.memory_space<vmem_shared>>
    %dma_start3A_187 = arith.constant 0 : i32
    %dma_start3A_188 = tpu.memref_slice %arg25[%add3A_184, %dma_start3A_187] : memref<10240x128xf32, #tpu.memory_space<vmem_shared>> -> memref<32x128xf32, #tpu.memory_space<vmem_shared>>
    tpu.enqueue_dma source(%arg15 : memref<32x128xf32, #tpu.memory_space<vmem>>) target(%dma_start3A_188 : memref<32x128xf32, #tpu.memory_space<vmem_shared>>) target_semaphore(%arg18 : memref<!tpu.dma_semaphore, #tpu.memory_space<semaphore_mem>>)
    %mul3A_189 = arith.constant 640 : i32
    %mul3A_190 = arith.muli %arg1, %mul3A_189 : i32
    %add3A_191 = arith.constant 416 : i32
    %add3A_192 = arith.addi %mul3A_190, %add3A_191 : i32
    %dma_start3A_193 = arith.constant 0 : i32
    %dma_start3A_194 = tpu.memref_slice %arg25[%add3A_192, %dma_start3A_193] : memref<10240x128xf32, #tpu.memory_space<vmem_shared>> -> memref<32x128xf32, #tpu.memory_space<vmem_shared>>
    %dma_start3A_195 = arith.constant 0 : i32
    %dma_start3A_196 = tpu.memref_slice %arg25[%add3A_192, %dma_start3A_195] : memref<10240x128xf32, #tpu.memory_space<vmem_shared>> -> memref<32x128xf32, #tpu.memory_space<vmem_shared>>
    tpu.enqueue_dma source(%arg16 : memref<32x128xf32, #tpu.memory_space<vmem>>) target(%dma_start3A_196 : memref<32x128xf32, #tpu.memory_space<vmem_shared>>) target_semaphore(%arg19 : memref<!tpu.dma_semaphore, #tpu.memory_space<semaphore_mem>>)
    %mul3A_197 = arith.constant 640 : i32
    %mul3A_198 = arith.muli %arg1, %mul3A_197 : i32
    %add3A_199 = arith.constant 448 : i32
    %add3A_200 = arith.addi %mul3A_198, %add3A_199 : i32
    %dma_start3A_201 = arith.constant 0 : i32
    %dma_start3A_202 = tpu.memref_slice %arg25[%add3A_200, %dma_start3A_201] : memref<10240x128xf32, #tpu.memory_space<vmem_shared>> -> memref<32x128xf32, #tpu.memory_space<vmem_shared>>
    %dma_start3A_203 = arith.constant 0 : i32
    %dma_start3A_204 = tpu.memref_slice %arg25[%add3A_200, %dma_start3A_203] : memref<10240x128xf32, #tpu.memory_space<vmem_shared>> -> memref<32x128xf32, #tpu.memory_space<vmem_shared>>
    tpu.enqueue_dma source(%arg17 : memref<32x128xf32, #tpu.memory_space<vmem>>) target(%dma_start3A_204 : memref<32x128xf32, #tpu.memory_space<vmem_shared>>) target_semaphore(%arg20 : memref<!tpu.dma_semaphore, #tpu.memory_space<semaphore_mem>>)
    %dma_wait3A_205 = arith.constant 0 : i32
    %dma_wait3A_206 = arith.constant 0 : i32
    %dma_wait3A_207 = tpu.memref_slice %arg25[%dma_wait3A_205, %dma_wait3A_206] : memref<10240x128xf32, #tpu.memory_space<vmem_shared>> -> memref<32x128xf32, #tpu.memory_space<vmem_shared>>
    %dma_wait3A_208 = arith.constant 0 : i32
    %dma_wait3A_209 = arith.constant 0 : i32
    %dma_wait3A_210 = tpu.memref_slice %arg25[%dma_wait3A_208, %dma_wait3A_209] : memref<10240x128xf32, #tpu.memory_space<vmem_shared>> -> memref<32x128xf32, #tpu.memory_space<vmem_shared>>
    tpu.wait_dma2 semaphore(%arg18 : memref<!tpu.dma_semaphore, #tpu.memory_space<semaphore_mem>>) src(%arg15 : memref<32x128xf32, #tpu.memory_space<vmem>>) dst(%dma_wait3A_210 : memref<32x128xf32, #tpu.memory_space<vmem_shared>>)
    %mul3A_211 = arith.constant 640 : i32
    %mul3A_212 = arith.muli %arg1, %mul3A_211 : i32
    %add3A_213 = arith.constant 480 : i32
    %add3A_214 = arith.addi %mul3A_212, %add3A_213 : i32
    %dma_start3A_215 = arith.constant 0 : i32
    %dma_start3A_216 = tpu.memref_slice %arg25[%add3A_214, %dma_start3A_215] : memref<10240x128xf32, #tpu.memory_space<vmem_shared>> -> memref<32x128xf32, #tpu.memory_space<vmem_shared>>
    %dma_start3A_217 = arith.constant 0 : i32
    %dma_start3A_218 = tpu.memref_slice %arg25[%add3A_214, %dma_start3A_217] : memref<10240x128xf32, #tpu.memory_space<vmem_shared>> -> memref<32x128xf32, #tpu.memory_space<vmem_shared>>
    tpu.enqueue_dma source(%arg15 : memref<32x128xf32, #tpu.memory_space<vmem>>) target(%dma_start3A_218 : memref<32x128xf32, #tpu.memory_space<vmem_shared>>) target_semaphore(%arg18 : memref<!tpu.dma_semaphore, #tpu.memory_space<semaphore_mem>>)
    %dma_wait3A_219 = arith.constant 0 : i32
    %dma_wait3A_220 = arith.constant 0 : i32
    %dma_wait3A_221 = tpu.memref_slice %arg25[%dma_wait3A_219, %dma_wait3A_220] : memref<10240x128xf32, #tpu.memory_space<vmem_shared>> -> memref<32x128xf32, #tpu.memory_space<vmem_shared>>
    %dma_wait3A_222 = arith.constant 0 : i32
    %dma_wait3A_223 = arith.constant 0 : i32
    %dma_wait3A_224 = tpu.memref_slice %arg25[%dma_wait3A_222, %dma_wait3A_223] : memref<10240x128xf32, #tpu.memory_space<vmem_shared>> -> memref<32x128xf32, #tpu.memory_space<vmem_shared>>
    tpu.wait_dma2 semaphore(%arg18 : memref<!tpu.dma_semaphore, #tpu.memory_space<semaphore_mem>>) src(%arg15 : memref<32x128xf32, #tpu.memory_space<vmem>>) dst(%dma_wait3A_224 : memref<32x128xf32, #tpu.memory_space<vmem_shared>>)
    %dma_wait3A_225 = arith.constant 0 : i32
    %dma_wait3A_226 = arith.constant 0 : i32
    %dma_wait3A_227 = tpu.memref_slice %arg25[%dma_wait3A_225, %dma_wait3A_226] : memref<10240x128xf32, #tpu.memory_space<vmem_shared>> -> memref<32x128xf32, #tpu.memory_space<vmem_shared>>
    %dma_wait3A_228 = arith.constant 0 : i32
    %dma_wait3A_229 = arith.constant 0 : i32
    %dma_wait3A_230 = tpu.memref_slice %arg25[%dma_wait3A_228, %dma_wait3A_229] : memref<10240x128xf32, #tpu.memory_space<vmem_shared>> -> memref<32x128xf32, #tpu.memory_space<vmem_shared>>
    tpu.wait_dma2 semaphore(%arg19 : memref<!tpu.dma_semaphore, #tpu.memory_space<semaphore_mem>>) src(%arg16 : memref<32x128xf32, #tpu.memory_space<vmem>>) dst(%dma_wait3A_230 : memref<32x128xf32, #tpu.memory_space<vmem_shared>>)
    %dma_wait3A_231 = arith.constant 0 : i32
    %dma_wait3A_232 = arith.constant 0 : i32
    %dma_wait3A_233 = tpu.memref_slice %arg25[%dma_wait3A_231, %dma_wait3A_232] : memref<10240x128xf32, #tpu.memory_space<vmem_shared>> -> memref<32x128xf32, #tpu.memory_space<vmem_shared>>
    %dma_wait3A_234 = arith.constant 0 : i32
    %dma_wait3A_235 = arith.constant 0 : i32
    %dma_wait3A_236 = tpu.memref_slice %arg25[%dma_wait3A_234, %dma_wait3A_235] : memref<10240x128xf32, #tpu.memory_space<vmem_shared>> -> memref<32x128xf32, #tpu.memory_space<vmem_shared>>
    tpu.wait_dma2 semaphore(%arg20 : memref<!tpu.dma_semaphore, #tpu.memory_space<semaphore_mem>>) src(%arg17 : memref<32x128xf32, #tpu.memory_space<vmem>>) dst(%dma_wait3A_236 : memref<32x128xf32, #tpu.memory_space<vmem_shared>>)
    %mul3A_237 = arith.constant 640 : i32
    %mul3A_238 = arith.muli %arg1, %mul3A_237 : i32
    %add3A_239 = arith.constant 512 : i32
    %add3A_240 = arith.addi %mul3A_238, %add3A_239 : i32
    %dma_start3A_241 = arith.constant 0 : i32
    %dma_start3A_242 = tpu.memref_slice %arg25[%add3A_240, %dma_start3A_241] : memref<10240x128xf32, #tpu.memory_space<vmem_shared>> -> memref<32x128xf32, #tpu.memory_space<vmem_shared>>
    %dma_start3A_243 = arith.constant 0 : i32
    %dma_start3A_244 = tpu.memref_slice %arg25[%add3A_240, %dma_start3A_243] : memref<10240x128xf32, #tpu.memory_space<vmem_shared>> -> memref<32x128xf32, #tpu.memory_space<vmem_shared>>
    tpu.enqueue_dma source(%arg15 : memref<32x128xf32, #tpu.memory_space<vmem>>) target(%dma_start3A_244 : memref<32x128xf32, #tpu.memory_space<vmem_shared>>) target_semaphore(%arg18 : memref<!tpu.dma_semaphore, #tpu.memory_space<semaphore_mem>>)
    %mul3A_245 = arith.constant 640 : i32
    %mul3A_246 = arith.muli %arg1, %mul3A_245 : i32
    %add3A_247 = arith.constant 544 : i32
    %add3A_248 = arith.addi %mul3A_246, %add3A_247 : i32
    %dma_start3A_249 = arith.constant 0 : i32
    %dma_start3A_250 = tpu.memref_slice %arg25[%add3A_248, %dma_start3A_249] : memref<10240x128xf32, #tpu.memory_space<vmem_shared>> -> memref<32x128xf32, #tpu.memory_space<vmem_shared>>
    %dma_start3A_251 = arith.constant 0 : i32
    %dma_start3A_252 = tpu.memref_slice %arg25[%add3A_248, %dma_start3A_251] : memref<10240x128xf32, #tpu.memory_space<vmem_shared>> -> memref<32x128xf32, #tpu.memory_space<vmem_shared>>
    tpu.enqueue_dma source(%arg16 : memref<32x128xf32, #tpu.memory_space<vmem>>) target(%dma_start3A_252 : memref<32x128xf32, #tpu.memory_space<vmem_shared>>) target_semaphore(%arg19 : memref<!tpu.dma_semaphore, #tpu.memory_space<semaphore_mem>>)
    %mul3A_253 = arith.constant 640 : i32
    %mul3A_254 = arith.muli %arg1, %mul3A_253 : i32
    %add3A_255 = arith.constant 576 : i32
    %add3A_256 = arith.addi %mul3A_254, %add3A_255 : i32
    %dma_start3A_257 = arith.constant 0 : i32
    %dma_start3A_258 = tpu.memref_slice %arg25[%add3A_256, %dma_start3A_257] : memref<10240x128xf32, #tpu.memory_space<vmem_shared>> -> memref<32x128xf32, #tpu.memory_space<vmem_shared>>
    %dma_start3A_259 = arith.constant 0 : i32
    %dma_start3A_260 = tpu.memref_slice %arg25[%add3A_256, %dma_start3A_259] : memref<10240x128xf32, #tpu.memory_space<vmem_shared>> -> memref<32x128xf32, #tpu.memory_space<vmem_shared>>
    tpu.enqueue_dma source(%arg17 : memref<32x128xf32, #tpu.memory_space<vmem>>) target(%dma_start3A_260 : memref<32x128xf32, #tpu.memory_space<vmem_shared>>) target_semaphore(%arg20 : memref<!tpu.dma_semaphore, #tpu.memory_space<semaphore_mem>>)
    %dma_wait3A_261 = arith.constant 0 : i32
    %dma_wait3A_262 = arith.constant 0 : i32
    %dma_wait3A_263 = tpu.memref_slice %arg25[%dma_wait3A_261, %dma_wait3A_262] : memref<10240x128xf32, #tpu.memory_space<vmem_shared>> -> memref<32x128xf32, #tpu.memory_space<vmem_shared>>
    %dma_wait3A_264 = arith.constant 0 : i32
    %dma_wait3A_265 = arith.constant 0 : i32
    %dma_wait3A_266 = tpu.memref_slice %arg25[%dma_wait3A_264, %dma_wait3A_265] : memref<10240x128xf32, #tpu.memory_space<vmem_shared>> -> memref<32x128xf32, #tpu.memory_space<vmem_shared>>
    tpu.wait_dma2 semaphore(%arg18 : memref<!tpu.dma_semaphore, #tpu.memory_space<semaphore_mem>>) src(%arg15 : memref<32x128xf32, #tpu.memory_space<vmem>>) dst(%dma_wait3A_266 : memref<32x128xf32, #tpu.memory_space<vmem_shared>>)
    %mul3A_267 = arith.constant 640 : i32
    %mul3A_268 = arith.muli %arg1, %mul3A_267 : i32
    %add3A_269 = arith.constant 608 : i32
    %add3A_270 = arith.addi %mul3A_268, %add3A_269 : i32
    %dma_start3A_271 = arith.constant 0 : i32
    %dma_start3A_272 = tpu.memref_slice %arg25[%add3A_270, %dma_start3A_271] : memref<10240x128xf32, #tpu.memory_space<vmem_shared>> -> memref<32x128xf32, #tpu.memory_space<vmem_shared>>
    %dma_start3A_273 = arith.constant 0 : i32
    %dma_start3A_274 = tpu.memref_slice %arg25[%add3A_270, %dma_start3A_273] : memref<10240x128xf32, #tpu.memory_space<vmem_shared>> -> memref<32x128xf32, #tpu.memory_space<vmem_shared>>
    tpu.enqueue_dma source(%arg15 : memref<32x128xf32, #tpu.memory_space<vmem>>) target(%dma_start3A_274 : memref<32x128xf32, #tpu.memory_space<vmem_shared>>) target_semaphore(%arg18 : memref<!tpu.dma_semaphore, #tpu.memory_space<semaphore_mem>>)
    %dma_wait3A_275 = arith.constant 0 : i32
    %dma_wait3A_276 = arith.constant 0 : i32
    %dma_wait3A_277 = tpu.memref_slice %arg25[%dma_wait3A_275, %dma_wait3A_276] : memref<10240x128xf32, #tpu.memory_space<vmem_shared>> -> memref<32x128xf32, #tpu.memory_space<vmem_shared>>
    %dma_wait3A_278 = arith.constant 0 : i32
    %dma_wait3A_279 = arith.constant 0 : i32
    %dma_wait3A_280 = tpu.memref_slice %arg25[%dma_wait3A_278, %dma_wait3A_279] : memref<10240x128xf32, #tpu.memory_space<vmem_shared>> -> memref<32x128xf32, #tpu.memory_space<vmem_shared>>
    tpu.wait_dma2 semaphore(%arg18 : memref<!tpu.dma_semaphore, #tpu.memory_space<semaphore_mem>>) src(%arg15 : memref<32x128xf32, #tpu.memory_space<vmem>>) dst(%dma_wait3A_280 : memref<32x128xf32, #tpu.memory_space<vmem_shared>>)
    %dma_wait3A_281 = arith.constant 0 : i32
    %dma_wait3A_282 = arith.constant 0 : i32
    %dma_wait3A_283 = tpu.memref_slice %arg25[%dma_wait3A_281, %dma_wait3A_282] : memref<10240x128xf32, #tpu.memory_space<vmem_shared>> -> memref<32x128xf32, #tpu.memory_space<vmem_shared>>
    %dma_wait3A_284 = arith.constant 0 : i32
    %dma_wait3A_285 = arith.constant 0 : i32
    %dma_wait3A_286 = tpu.memref_slice %arg25[%dma_wait3A_284, %dma_wait3A_285] : memref<10240x128xf32, #tpu.memory_space<vmem_shared>> -> memref<32x128xf32, #tpu.memory_space<vmem_shared>>
    tpu.wait_dma2 semaphore(%arg19 : memref<!tpu.dma_semaphore, #tpu.memory_space<semaphore_mem>>) src(%arg16 : memref<32x128xf32, #tpu.memory_space<vmem>>) dst(%dma_wait3A_286 : memref<32x128xf32, #tpu.memory_space<vmem_shared>>)
    %dma_wait3A_287 = arith.constant 0 : i32
    %dma_wait3A_288 = arith.constant 0 : i32
    %dma_wait3A_289 = tpu.memref_slice %arg25[%dma_wait3A_287, %dma_wait3A_288] : memref<10240x128xf32, #tpu.memory_space<vmem_shared>> -> memref<32x128xf32, #tpu.memory_space<vmem_shared>>
    %dma_wait3A_290 = arith.constant 0 : i32
    %dma_wait3A_291 = arith.constant 0 : i32
    %dma_wait3A_292 = tpu.memref_slice %arg25[%dma_wait3A_290, %dma_wait3A_291] : memref<10240x128xf32, #tpu.memory_space<vmem_shared>> -> memref<32x128xf32, #tpu.memory_space<vmem_shared>>
    tpu.wait_dma2 semaphore(%arg20 : memref<!tpu.dma_semaphore, #tpu.memory_space<semaphore_mem>>) src(%arg17 : memref<32x128xf32, #tpu.memory_space<vmem>>) dst(%dma_wait3A_292 : memref<32x128xf32, #tpu.memory_space<vmem_shared>>)
    %barrier3A = arith.constant 0 : index
    tpu.barrier barrier_id(%barrier3A)
    %mul3A_293 = arith.constant 10 : i32
    %mul3A_294 = arith.muli %add3A, %mul3A_293 : i32
    %mul3A_295 = arith.constant 1024 : i32
    %mul3A_296 = arith.muli %mul3A_294, %mul3A_295 : i32
    %dma_start3A_297 = arith.constant 0 : i32
    %dma_start3A_298 = arith.constant 0 : i32
    %dma_start3A_299 = tpu.memref_slice %arg12[%dma_start3A_297, %dma_start3A_298] : memref<2x1024xi32, #tpu.memory_space<vmem>> -> memref<1x1024xi32, #tpu.memory_space<vmem>>
    %dma_start3A_300 = tpu.memref_squeeze %dma_start3A_299 : memref<1x1024xi32, #tpu.memory_space<vmem>> -> memref<1024xi32, #tpu.memory_space<vmem>>
    %dma_start3A_301 = tpu.memref_slice %arg2[%mul3A_296] : memref<327680xi32, #tpu.memory_space<hbm>> -> memref<1024xi32, #tpu.memory_space<hbm>>
    %dma_start3A_302 = arith.constant 0 : i32
    %dma_start3A_303 = tpu.memref_slice %arg12[%dma_start3A_297, %dma_start3A_302] : memref<2x1024xi32, #tpu.memory_space<vmem>> -> memref<1x1024xi32, #tpu.memory_space<vmem>>
    %dma_start3A_304 = tpu.memref_squeeze %dma_start3A_303 : memref<1x1024xi32, #tpu.memory_space<vmem>> -> memref<1024xi32, #tpu.memory_space<vmem>>
    %dma_start3A_305 = tpu.memref_slice %arg2[%mul3A_296] : memref<327680xi32, #tpu.memory_space<hbm>> -> memref<1024xi32, #tpu.memory_space<hbm>>
    tpu.enqueue_dma source(%dma_start3A_305 : memref<1024xi32, #tpu.memory_space<hbm>>) target(%dma_start3A_304 : memref<1024xi32, #tpu.memory_space<vmem>>) target_semaphore(%arg24 : memref<!tpu.dma_semaphore, #tpu.memory_space<semaphore_mem>>)
    %dma_start3A_306 = arith.constant 0 : i32
    %dma_start3A_307 = arith.constant 0 : i32
    %dma_start3A_308 = tpu.memref_slice %arg13[%dma_start3A_306, %dma_start3A_307] : memref<2x1024xi32, #tpu.memory_space<vmem>> -> memref<1x1024xi32, #tpu.memory_space<vmem>>
    %dma_start3A_309 = tpu.memref_squeeze %dma_start3A_308 : memref<1x1024xi32, #tpu.memory_space<vmem>> -> memref<1024xi32, #tpu.memory_space<vmem>>
    %dma_start3A_310 = tpu.memref_slice %arg3[%mul3A_296] : memref<327680xi32, #tpu.memory_space<hbm>> -> memref<1024xi32, #tpu.memory_space<hbm>>
    %dma_start3A_311 = arith.constant 0 : i32
    %dma_start3A_312 = tpu.memref_slice %arg13[%dma_start3A_306, %dma_start3A_311] : memref<2x1024xi32, #tpu.memory_space<vmem>> -> memref<1x1024xi32, #tpu.memory_space<vmem>>
    %dma_start3A_313 = tpu.memref_squeeze %dma_start3A_312 : memref<1x1024xi32, #tpu.memory_space<vmem>> -> memref<1024xi32, #tpu.memory_space<vmem>>
    %dma_start3A_314 = tpu.memref_slice %arg3[%mul3A_296] : memref<327680xi32, #tpu.memory_space<hbm>> -> memref<1024xi32, #tpu.memory_space<hbm>>
    tpu.enqueue_dma source(%dma_start3A_314 : memref<1024xi32, #tpu.memory_space<hbm>>) target(%dma_start3A_313 : memref<1024xi32, #tpu.memory_space<vmem>>) target_semaphore(%arg24 : memref<!tpu.dma_semaphore, #tpu.memory_space<semaphore_mem>>)
    %scan3A_315 = arith.constant 0 : i32
    %scan3A_316 = arith.constant 0 : i32
    %scan3A_317 = arith.constant 10 : i32
    %scan3A_318 = arith.addi %scan3A_316, %scan3A_317 : i32
    %scan3A_319 = arith.constant 1 : i32
    %scan3A_320 = scf.for %scan3A_348 = %scan3A_316 to %scan3A_318 step %scan3A_319 iter_args(%scan3A_349 = %scan3A_315) -> (i32)  : i32 {
      %dma_wait3A_350 = arith.constant 0 : i32
      %dma_wait3A_351 = arith.constant 0 : i32
      %dma_wait3A_352 = tpu.memref_slice %arg12[%dma_wait3A_350, %dma_wait3A_351] : memref<2x1024xi32, #tpu.memory_space<vmem>> -> memref<1x1024xi32, #tpu.memory_space<vmem>>
      %dma_wait3A_353 = tpu.memref_squeeze %dma_wait3A_352 : memref<1x1024xi32, #tpu.memory_space<vmem>> -> memref<1024xi32, #tpu.memory_space<vmem>>
      %dma_wait3A_354 = arith.constant 0 : i32
      %dma_wait3A_355 = tpu.memref_slice %arg2[%dma_wait3A_354] : memref<327680xi32, #tpu.memory_space<hbm>> -> memref<1024xi32, #tpu.memory_space<hbm>>
      %dma_wait3A_356 = arith.constant 0 : i32
      %dma_wait3A_357 = tpu.memref_slice %arg12[%dma_wait3A_350, %dma_wait3A_356] : memref<2x1024xi32, #tpu.memory_space<vmem>> -> memref<1x1024xi32, #tpu.memory_space<vmem>>
      %dma_wait3A_358 = tpu.memref_squeeze %dma_wait3A_357 : memref<1x1024xi32, #tpu.memory_space<vmem>> -> memref<1024xi32, #tpu.memory_space<vmem>>
      %dma_wait3A_359 = arith.constant 0 : i32
      %dma_wait3A_360 = tpu.memref_slice %arg2[%dma_wait3A_359] : memref<327680xi32, #tpu.memory_space<hbm>> -> memref<1024xi32, #tpu.memory_space<hbm>>
      tpu.wait_dma2 semaphore(%arg24 : memref<!tpu.dma_semaphore, #tpu.memory_space<semaphore_mem>>) src(%dma_wait3A_360 : memref<1024xi32, #tpu.memory_space<hbm>>) dst(%dma_wait3A_358 : memref<1024xi32, #tpu.memory_space<vmem>>)
      %dma_wait3A_361 = arith.constant 0 : i32
      %dma_wait3A_362 = arith.constant 0 : i32
      %dma_wait3A_363 = tpu.memref_slice %arg13[%dma_wait3A_361, %dma_wait3A_362] : memref<2x1024xi32, #tpu.memory_space<vmem>> -> memref<1x1024xi32, #tpu.memory_space<vmem>>
      %dma_wait3A_364 = tpu.memref_squeeze %dma_wait3A_363 : memref<1x1024xi32, #tpu.memory_space<vmem>> -> memref<1024xi32, #tpu.memory_space<vmem>>
      %dma_wait3A_365 = arith.constant 0 : i32
      %dma_wait3A_366 = tpu.memref_slice %arg3[%dma_wait3A_365] : memref<327680xi32, #tpu.memory_space<hbm>> -> memref<1024xi32, #tpu.memory_space<hbm>>
      %dma_wait3A_367 = arith.constant 0 : i32
      %dma_wait3A_368 = tpu.memref_slice %arg13[%dma_wait3A_361, %dma_wait3A_367] : memref<2x1024xi32, #tpu.memory_space<vmem>> -> memref<1x1024xi32, #tpu.memory_space<vmem>>
      %dma_wait3A_369 = tpu.memref_squeeze %dma_wait3A_368 : memref<1x1024xi32, #tpu.memory_space<vmem>> -> memref<1024xi32, #tpu.memory_space<vmem>>
      %dma_wait3A_370 = arith.constant 0 : i32
      %dma_wait3A_371 = tpu.memref_slice %arg3[%dma_wait3A_370] : memref<327680xi32, #tpu.memory_space<hbm>> -> memref<1024xi32, #tpu.memory_space<hbm>>
      tpu.wait_dma2 semaphore(%arg24 : memref<!tpu.dma_semaphore, #tpu.memory_space<semaphore_mem>>) src(%dma_wait3A_371 : memref<1024xi32, #tpu.memory_space<hbm>>) dst(%dma_wait3A_369 : memref<1024xi32, #tpu.memory_space<vmem>>)
      %jit3A = arith.constant 2 : i32
      %eq3A = arith.constant 0 : i32
      %eq3A_372 = arith.cmpi eq, %jit3A, %eq3A : i32
      %jit3A_373 = arith.constant 1 : i32
      %select_n3A = arith.select %eq3A_372, %jit3A_373, %jit3A : i32
      %rem3A = arith.remsi %scan3A_348, %select_n3A : i32
      %ne3A = arith.constant 0 : i32
      %ne3A_374 = arith.cmpi ne, %rem3A, %ne3A : i32
      %lt3A = arith.constant 0 : i32
      %lt3A_375 = arith.cmpi slt, %rem3A, %lt3A : i32
      %lt3A_376 = arith.constant 0 : i32
      %lt3A_377 = arith.cmpi slt, %select_n3A, %lt3A_376 : i32
      %ne3A_378 = arith.xori %lt3A_375, %lt3A_377 : i1
      %and3A = arith.andi %ne3A_378, %ne3A_374 : i1
      %add3A_379 = arith.addi %rem3A, %select_n3A : i32
      %select_n3A_380 = arith.select %and3A, %add3A_379, %rem3A : i32
      %gt3A = arith.constant 0 : i32
      %gt3A_381 = arith.cmpi sgt, %scan3A_348, %gt3A : i32
      %convert_element_type3A = arith.extui %gt3A_381 : i1 to i32
      %cond3A = arith.constant 0 : i32
      %cond3A_382 = arith.cmpi ne, %convert_element_type3A, %cond3A : i32
      scf.if %cond3A_382 {
        %dma_wait3A_410 = arith.constant 0 : i32
        %dma_wait3A_411 = tpu.memref_slice %arg12[%select_n3A_380, %dma_wait3A_410] : memref<2x1024xi32, #tpu.memory_space<vmem>> -> memref<1x32xi32, #tpu.memory_space<vmem>>
        %dma_wait3A_412 = tpu.memref_squeeze %dma_wait3A_411 : memref<1x32xi32, #tpu.memory_space<vmem>> -> memref<32xi32, #tpu.memory_space<vmem>>
        %dma_wait3A_413 = arith.constant 0 : i32
        %dma_wait3A_414 = arith.constant 0 : i32
        %dma_wait3A_415 = tpu.memref_slice %arg25[%dma_wait3A_413, %dma_wait3A_414] : memref<10240x128xf32, #tpu.memory_space<vmem_shared>> -> memref<10240x128xf32, #tpu.memory_space<vmem_shared>>
        tpu.wait_indirect_dma semaphore(%arg21 : memref<!tpu.dma_semaphore, #tpu.memory_space<semaphore_mem>>) src(%arg15 : memref<32x128xf32, #tpu.memory_space<vmem>>) dst(%dma_wait3A_415 : memref<10240x128xf32, #tpu.memory_space<vmem_shared>>)
        %dma_wait3A_416 = arith.constant 0 : i32
        %dma_wait3A_417 = tpu.memref_slice %arg12[%select_n3A_380, %dma_wait3A_416] : memref<2x1024xi32, #tpu.memory_space<vmem>> -> memref<1x32xi32, #tpu.memory_space<vmem>>
        %dma_wait3A_418 = tpu.memref_squeeze %dma_wait3A_417 : memref<1x32xi32, #tpu.memory_space<vmem>> -> memref<32xi32, #tpu.memory_space<vmem>>
        %dma_wait3A_419 = arith.constant 0 : i32
        %dma_wait3A_420 = arith.constant 0 : i32
        %dma_wait3A_421 = tpu.memref_slice %arg25[%dma_wait3A_419, %dma_wait3A_420] : memref<10240x128xf32, #tpu.memory_space<vmem_shared>> -> memref<10240x128xf32, #tpu.memory_space<vmem_shared>>
        tpu.wait_indirect_dma semaphore(%arg22 : memref<!tpu.dma_semaphore, #tpu.memory_space<semaphore_mem>>) src(%arg16 : memref<32x128xf32, #tpu.memory_space<vmem>>) dst(%dma_wait3A_421 : memref<10240x128xf32, #tpu.memory_space<vmem_shared>>)
        %dma_wait3A_422 = arith.constant 0 : i32
        %dma_wait3A_423 = tpu.memref_slice %arg12[%select_n3A_380, %dma_wait3A_422] : memref<2x1024xi32, #tpu.memory_space<vmem>> -> memref<1x32xi32, #tpu.memory_space<vmem>>
        %dma_wait3A_424 = tpu.memref_squeeze %dma_wait3A_423 : memref<1x32xi32, #tpu.memory_space<vmem>> -> memref<32xi32, #tpu.memory_space<vmem>>
        %dma_wait3A_425 = arith.constant 0 : i32
        %dma_wait3A_426 = arith.constant 0 : i32
        %dma_wait3A_427 = tpu.memref_slice %arg25[%dma_wait3A_425, %dma_wait3A_426] : memref<10240x128xf32, #tpu.memory_space<vmem_shared>> -> memref<10240x128xf32, #tpu.memory_space<vmem_shared>>
        tpu.wait_indirect_dma semaphore(%arg23 : memref<!tpu.dma_semaphore, #tpu.memory_space<semaphore_mem>>) src(%arg17 : memref<32x128xf32, #tpu.memory_space<vmem>>) dst(%dma_wait3A_427 : memref<10240x128xf32, #tpu.memory_space<vmem_shared>>)
      } else {
      }
      %add3A_383 = arith.constant 1 : i32
      %add3A_384 = arith.addi %scan3A_348, %add3A_383 : i32
      %lt3A_385 = arith.constant 10 : i32
      %lt3A_386 = arith.cmpi slt, %add3A_384, %lt3A_385 : i32
      %convert_element_type3A_387 = arith.extui %lt3A_386 : i1 to i32
      %cond3A_388 = arith.constant 0 : i32
      %cond3A_389 = arith.cmpi ne, %convert_element_type3A_387, %cond3A_388 : i32
      scf.if %cond3A_389 {
        %add3A_410 = arith.constant 1 : i32
        %add3A_411 = arith.addi %scan3A_348, %add3A_410 : i32
        %mul3A_412 = arith.constant 1024 : i32
        %mul3A_413 = arith.muli %add3A_411, %mul3A_412 : i32
        %add3A_414 = arith.addi %mul3A_296, %mul3A_413 : i32
        %add3A_415 = arith.constant 1 : i32
        %add3A_416 = arith.addi %scan3A_348, %add3A_415 : i32
        %jit3A_417 = arith.constant 2 : i32
        %eq3A_418 = arith.constant 0 : i32
        %eq3A_419 = arith.cmpi eq, %jit3A_417, %eq3A_418 : i32
        %jit3A_420 = arith.constant 1 : i32
        %select_n3A_421 = arith.select %eq3A_419, %jit3A_420, %jit3A_417 : i32
        %rem3A_422 = arith.remsi %add3A_416, %select_n3A_421 : i32
        %ne3A_423 = arith.constant 0 : i32
        %ne3A_424 = arith.cmpi ne, %rem3A_422, %ne3A_423 : i32
        %lt3A_425 = arith.constant 0 : i32
        %lt3A_426 = arith.cmpi slt, %rem3A_422, %lt3A_425 : i32
        %lt3A_427 = arith.constant 0 : i32
        %lt3A_428 = arith.cmpi slt, %select_n3A_421, %lt3A_427 : i32
        %ne3A_429 = arith.xori %lt3A_426, %lt3A_428 : i1
        %and3A_430 = arith.andi %ne3A_429, %ne3A_424 : i1
        %add3A_431 = arith.addi %rem3A_422, %select_n3A_421 : i32
        %select_n3A_432 = arith.select %and3A_430, %add3A_431, %rem3A_422 : i32
        %dma_start3A_433 = arith.constant 0 : i32
        %dma_start3A_434 = tpu.memref_slice %arg12[%select_n3A_432, %dma_start3A_433] : memref<2x1024xi32, #tpu.memory_space<vmem>> -> memref<1x1024xi32, #tpu.memory_space<vmem>>
        %dma_start3A_435 = tpu.memref_squeeze %dma_start3A_434 : memref<1x1024xi32, #tpu.memory_space<vmem>> -> memref<1024xi32, #tpu.memory_space<vmem>>
        %dma_start3A_436 = tpu.memref_slice %arg2[%add3A_414] : memref<327680xi32, #tpu.memory_space<hbm>> -> memref<1024xi32, #tpu.memory_space<hbm>>
        %dma_start3A_437 = arith.constant 0 : i32
        %dma_start3A_438 = tpu.memref_slice %arg12[%select_n3A_432, %dma_start3A_437] : memref<2x1024xi32, #tpu.memory_space<vmem>> -> memref<1x1024xi32, #tpu.memory_space<vmem>>
        %dma_start3A_439 = tpu.memref_squeeze %dma_start3A_438 : memref<1x1024xi32, #tpu.memory_space<vmem>> -> memref<1024xi32, #tpu.memory_space<vmem>>
        %dma_start3A_440 = tpu.memref_slice %arg2[%add3A_414] : memref<327680xi32, #tpu.memory_space<hbm>> -> memref<1024xi32, #tpu.memory_space<hbm>>
        tpu.enqueue_dma source(%dma_start3A_440 : memref<1024xi32, #tpu.memory_space<hbm>>) target(%dma_start3A_439 : memref<1024xi32, #tpu.memory_space<vmem>>) target_semaphore(%arg24 : memref<!tpu.dma_semaphore, #tpu.memory_space<semaphore_mem>>)
        %dma_start3A_441 = arith.constant 0 : i32
        %dma_start3A_442 = tpu.memref_slice %arg13[%select_n3A_432, %dma_start3A_441] : memref<2x1024xi32, #tpu.memory_space<vmem>> -> memref<1x1024xi32, #tpu.memory_space<vmem>>
        %dma_start3A_443 = tpu.memref_squeeze %dma_start3A_442 : memref<1x1024xi32, #tpu.memory_space<vmem>> -> memref<1024xi32, #tpu.memory_space<vmem>>
        %dma_start3A_444 = tpu.memref_slice %arg3[%add3A_414] : memref<327680xi32, #tpu.memory_space<hbm>> -> memref<1024xi32, #tpu.memory_space<hbm>>
        %dma_start3A_445 = arith.constant 0 : i32
        %dma_start3A_446 = tpu.memref_slice %arg13[%select_n3A_432, %dma_start3A_445] : memref<2x1024xi32, #tpu.memory_space<vmem>> -> memref<1x1024xi32, #tpu.memory_space<vmem>>
        %dma_start3A_447 = tpu.memref_squeeze %dma_start3A_446 : memref<1x1024xi32, #tpu.memory_space<vmem>> -> memref<1024xi32, #tpu.memory_space<vmem>>
        %dma_start3A_448 = tpu.memref_slice %arg3[%add3A_414] : memref<327680xi32, #tpu.memory_space<hbm>> -> memref<1024xi32, #tpu.memory_space<hbm>>
        tpu.enqueue_dma source(%dma_start3A_448 : memref<1024xi32, #tpu.memory_space<hbm>>) target(%dma_start3A_447 : memref<1024xi32, #tpu.memory_space<vmem>>) target_semaphore(%arg24 : memref<!tpu.dma_semaphore, #tpu.memory_space<semaphore_mem>>)
      } else {
      }
      %dma_start3A_390 = arith.constant 0 : i32
      %dma_start3A_391 = tpu.memref_slice %arg13[%select_n3A_380, %dma_start3A_390] : memref<2x1024xi32, #tpu.memory_space<vmem>> -> memref<1x32xi32, #tpu.memory_space<vmem>>
      %dma_start3A_392 = tpu.memref_squeeze %dma_start3A_391 : memref<1x32xi32, #tpu.memory_space<vmem>> -> memref<32xi32, #tpu.memory_space<vmem>>
      %dma_start3A_393 = arith.constant 0 : i32
      %dma_start3A_394 = arith.constant 0 : i32
      %dma_start3A_395 = tpu.memref_slice %arg6[%dma_start3A_393, %dma_start3A_394] : memref<10000x128xf32, #tpu.memory_space<hbm>> -> memref<10000x128xf32, #tpu.memory_space<hbm>>
      tpu.enqueue_indirect_dma source(%dma_start3A_395 : memref<10000x128xf32, #tpu.memory_space<hbm>>) target(%arg15 : memref<32x128xf32, #tpu.memory_space<vmem>>) offsets(%dma_start3A_392 : memref<32xi32, #tpu.memory_space<vmem>>) semaphore(%arg18 : memref<!tpu.dma_semaphore, #tpu.memory_space<semaphore_mem>>)
      %dma_start3A_396 = arith.constant 32 : i32
      %dma_start3A_397 = tpu.memref_slice %arg13[%select_n3A_380, %dma_start3A_396] : memref<2x1024xi32, #tpu.memory_space<vmem>> -> memref<1x32xi32, #tpu.memory_space<vmem>>
      %dma_start3A_398 = tpu.memref_squeeze %dma_start3A_397 : memref<1x32xi32, #tpu.memory_space<vmem>> -> memref<32xi32, #tpu.memory_space<vmem>>
      %dma_start3A_399 = arith.constant 0 : i32
      %dma_start3A_400 = arith.constant 0 : i32
      %dma_start3A_401 = tpu.memref_slice %arg6[%dma_start3A_399, %dma_start3A_400] : memref<10000x128xf32, #tpu.memory_space<hbm>> -> memref<10000x128xf32, #tpu.memory_space<hbm>>
      tpu.enqueue_indirect_dma source(%dma_start3A_401 : memref<10000x128xf32, #tpu.memory_space<hbm>>) target(%arg16 : memref<32x128xf32, #tpu.memory_space<vmem>>) offsets(%dma_start3A_398 : memref<32xi32, #tpu.memory_space<vmem>>) semaphore(%arg19 : memref<!tpu.dma_semaphore, #tpu.memory_space<semaphore_mem>>)
      %scan3A_402 = arith.constant 0 : i32
      %scan3A_403 = arith.constant 0 : i32
      %scan3A_404 = arith.constant 32 : i32
      %scan3A_405 = arith.addi %scan3A_403, %scan3A_404 : i32
      %scan3A_406 = arith.constant 1 : i32
      %scan3A_407 = scf.for %scan3A_410 = %scan3A_403 to %scan3A_405 step %scan3A_406 iter_args(%scan3A_411 = %scan3A_402) -> (i32)  : i32 {
        %mul3A_412 = arith.constant 32 : i32
        %mul3A_413 = arith.muli %scan3A_410, %mul3A_412 : i32
        %mul3A_414 = arith.constant 32 : i32
        %mul3A_415 = arith.muli %scan3A_410, %mul3A_414 : i32
        %add3A_416 = arith.constant 0 : i32
        %add3A_417 = arith.addi %mul3A_415, %add3A_416 : i32
        %get3A = arith.index_cast %select_n3A_380 : i32 to index
        %get3A_418 = arith.index_cast %add3A_417 : i32 to index
        %get3A_419 = tpu.vector_load %arg12[%get3A, %get3A_418] {strides = array<i32>} : memref<2x1024xi32, #tpu.memory_space<vmem>>, vector<16xi32>,
        %mul3A_420 = arith.constant 32 : i32
        %mul3A_421 = arith.muli %scan3A_410, %mul3A_420 : i32
        %add3A_422 = arith.constant 0 : i32
        %add3A_423 = arith.addi %mul3A_421, %add3A_422 : i32
        %get3A_424 = arith.index_cast %select_n3A_380 : i32 to index
        %get3A_425 = arith.index_cast %add3A_423 : i32 to index
        %get3A_426 = tpu.vector_load %arg13[%get3A_424, %get3A_425] {strides = array<i32>} : memref<2x1024xi32, #tpu.memory_space<vmem>>, vector<16xi32>,
        %gather3A = tpu.vector_load_idx %arg9[%get3A_419] : memref<10240xf32, #tpu.memory_space<vmem>>[vector<16xi32>], vector<16xf32>,
        %gather3A_427 = tpu.vector_load_idx %arg10[%get3A_426] : memref<10240xf32, #tpu.memory_space<vmem>>[vector<16xi32>], vector<16xf32>,
        %add3A_428 = arith.addf %gather3A, %gather3A_427 : vector<16xf32>
        %ge3A = arith.constant 0.000000e+00 : f32
        %ge3A_429 = vector.broadcast %ge3A : f32 to vector<16xf32>
        %ge3A_430 = arith.cmpf oge, %add3A_428, %ge3A_429 : vector<16xf32>
        %mul3A_431 = arith.constant 2.000000e-01 : f32
        %mul3A_432 = vector.broadcast %mul3A_431 : f32 to vector<16xf32>
        %mul3A_433 = arith.mulf %mul3A_432, %add3A_428 : vector<16xf32>
        %select_n3A_434 = arith.select %ge3A_430, %add3A_428, %mul3A_433 : vector<16xi1>, vector<16xf32>
        %exp3A = math.exp %select_n3A_434 : vector<16xf32>
        %shift_right_logical3A = arith.constant 7 : i32
        %shift_right_logical3A_435 = vector.broadcast %shift_right_logical3A : i32 to vector<16xi32>
        %shift_right_logical3A_436 = arith.shrui %get3A_419, %shift_right_logical3A_435 : vector<16xi32>
        %and3A_437 = arith.constant 127 : i32
        %and3A_438 = vector.broadcast %and3A_437 : i32 to vector<16xi32>
        %and3A_439 = arith.andi %get3A_419, %and3A_438 : vector<16xi32>
        tpu.vector_store_idx %arg11[%shift_right_logical3A_436, %and3A_439], %exp3A {add = true} : memref<80x128xf32, #tpu.memory_space<vmem>>[vector<16xi32>, vector<16xi32>], vector<16xf32>,
        %swap3A = arith.constant 0 : index
        %swap3A_440 = tpu.vector_load %arg14[%swap3A] {strides = array<i32>} : memref<32xf32, #tpu.memory_space<vmem>>, vector<16xf32>,
        tpu.vector_store %arg14[%swap3A], %exp3A {strides = array<i32>} : memref<32xf32, #tpu.memory_space<vmem>>, vector<16xf32>,
        %mul3A_441 = arith.constant 32 : i32
        %mul3A_442 = arith.muli %scan3A_410, %mul3A_441 : i32
        %add3A_443 = arith.constant 16 : i32
        %add3A_444 = arith.addi %mul3A_442, %add3A_443 : i32
        %get3A_445 = arith.index_cast %select_n3A_380 : i32 to index
        %get3A_446 = arith.index_cast %add3A_444 : i32 to index
        %get3A_447 = tpu.vector_load %arg12[%get3A_445, %get3A_446] {strides = array<i32>} : memref<2x1024xi32, #tpu.memory_space<vmem>>, vector<16xi32>,
        %mul3A_448 = arith.constant 32 : i32
        %mul3A_449 = arith.muli %scan3A_410, %mul3A_448 : i32
        %add3A_450 = arith.constant 16 : i32
        %add3A_451 = arith.addi %mul3A_449, %add3A_450 : i32
        %get3A_452 = arith.index_cast %select_n3A_380 : i32 to index
        %get3A_453 = arith.index_cast %add3A_451 : i32 to index
        %get3A_454 = tpu.vector_load %arg13[%get3A_452, %get3A_453] {strides = array<i32>} : memref<2x1024xi32, #tpu.memory_space<vmem>>, vector<16xi32>,
        %gather3A_455 = tpu.vector_load_idx %arg9[%get3A_447] : memref<10240xf32, #tpu.memory_space<vmem>>[vector<16xi32>], vector<16xf32>,
        %gather3A_456 = tpu.vector_load_idx %arg10[%get3A_454] : memref<10240xf32, #tpu.memory_space<vmem>>[vector<16xi32>], vector<16xf32>,
        %add3A_457 = arith.addf %gather3A_455, %gather3A_456 : vector<16xf32>
        %ge3A_458 = arith.constant 0.000000e+00 : f32
        %ge3A_459 = vector.broadcast %ge3A_458 : f32 to vector<16xf32>
        %ge3A_460 = arith.cmpf oge, %add3A_457, %ge3A_459 : vector<16xf32>
        %mul3A_461 = arith.constant 2.000000e-01 : f32
        %mul3A_462 = vector.broadcast %mul3A_461 : f32 to vector<16xf32>
        %mul3A_463 = arith.mulf %mul3A_462, %add3A_457 : vector<16xf32>
        %select_n3A_464 = arith.select %ge3A_460, %add3A_457, %mul3A_463 : vector<16xi1>, vector<16xf32>
        %exp3A_465 = math.exp %select_n3A_464 : vector<16xf32>
        %shift_right_logical3A_466 = arith.constant 7 : i32
        %shift_right_logical3A_467 = vector.broadcast %shift_right_logical3A_466 : i32 to vector<16xi32>
        %shift_right_logical3A_468 = arith.shrui %get3A_447, %shift_right_logical3A_467 : vector<16xi32>
        %and3A_469 = arith.constant 127 : i32
        %and3A_470 = vector.broadcast %and3A_469 : i32 to vector<16xi32>
        %and3A_471 = arith.andi %get3A_447, %and3A_470 : vector<16xi32>
        tpu.vector_store_idx %arg11[%shift_right_logical3A_468, %and3A_471], %exp3A_465 {add = true} : memref<80x128xf32, #tpu.memory_space<vmem>>[vector<16xi32>, vector<16xi32>], vector<16xf32>,
        %swap3A_472 = arith.constant 16 : index
        %swap3A_473 = tpu.vector_load %arg14[%swap3A_472] {strides = array<i32>} : memref<32xf32, #tpu.memory_space<vmem>>, vector<16xf32>,
        tpu.vector_store %arg14[%swap3A_472], %exp3A_465 {strides = array<i32>} : memref<32xf32, #tpu.memory_space<vmem>>, vector<16xf32>,
        %jit3A_474 = arith.constant 3 : i32
        %eq3A_475 = arith.constant 0 : i32
        %eq3A_476 = arith.cmpi eq, %jit3A_474, %eq3A_475 : i32
        %jit3A_477 = arith.constant 1 : i32
        %select_n3A_478 = arith.select %eq3A_476, %jit3A_477, %jit3A_474 : i32
        %rem3A_479 = arith.remsi %scan3A_410, %select_n3A_478 : i32
        %ne3A_480 = arith.constant 0 : i32
        %ne3A_481 = arith.cmpi ne, %rem3A_479, %ne3A_480 : i32
        %lt3A_482 = arith.constant 0 : i32
        %lt3A_483 = arith.cmpi slt, %rem3A_479, %lt3A_482 : i32
        %lt3A_484 = arith.constant 0 : i32
        %lt3A_485 = arith.cmpi slt, %select_n3A_478, %lt3A_484 : i32
        %ne3A_486 = arith.xori %lt3A_483, %lt3A_485 : i1
        %and3A_487 = arith.andi %ne3A_486, %ne3A_481 : i1
        %add3A_488 = arith.addi %rem3A_479, %select_n3A_478 : i32
        %select_n3A_489 = arith.select %and3A_487, %add3A_488, %rem3A_479 : i32
        %eq3A_490 = arith.constant 0 : i32
        %eq3A_491 = arith.cmpi eq, %select_n3A_489, %eq3A_490 : i32
        %convert_element_type3A_492 = arith.extui %eq3A_491 : i1 to i32
        %cond3A_493 = arith.constant 0 : i32
        %cond3A_494 = arith.cmpi ne, %convert_element_type3A_492, %cond3A_493 : i32
        scf.if %cond3A_494 {
          %dma_wait3A_538 = tpu.memref_slice %arg12[%select_n3A_380, %mul3A_413] : memref<2x1024xi32, #tpu.memory_space<vmem>> -> memref<1x32xi32, #tpu.memory_space<vmem>>
          %dma_wait3A_539 = tpu.memref_squeeze %dma_wait3A_538 : memref<1x32xi32, #tpu.memory_space<vmem>> -> memref<32xi32, #tpu.memory_space<vmem>>
          %dma_wait3A_540 = arith.constant 0 : i32
          %dma_wait3A_541 = arith.constant 0 : i32
          %dma_wait3A_542 = tpu.memref_slice %arg6[%dma_wait3A_540, %dma_wait3A_541] : memref<10000x128xf32, #tpu.memory_space<hbm>> -> memref<10000x128xf32, #tpu.memory_space<hbm>>
          tpu.wait_indirect_dma semaphore(%arg18 : memref<!tpu.dma_semaphore, #tpu.memory_space<semaphore_mem>>) src(%dma_wait3A_542 : memref<10000x128xf32, #tpu.memory_space<hbm>>) dst(%arg15 : memref<32x128xf32, #tpu.memory_space<vmem>>)
          %scan3A_543 = arith.constant 0 : i32
          %scan3A_544 = arith.constant 0 : i32
          %scan3A_545 = arith.constant 16 : i32
          %scan3A_546 = arith.addi %scan3A_544, %scan3A_545 : i32
          %scan3A_547 = arith.constant 1 : i32
          %scan3A_548 = scf.for %scan3A_572 = %scan3A_544 to %scan3A_546 step %scan3A_547 iter_args(%scan3A_573 = %scan3A_543) -> (i32)  : i32 {
            %mul3A_574 = arith.constant 2 : i32
            %mul3A_575 = arith.muli %scan3A_572, %mul3A_574 : i32
            %broadcast_in_dim3A_576 = vector.broadcast %mul3A_575 : i32 to vector<16xi32>
            %gather3A_577 = tpu.vector_load_idx %arg14[%broadcast_in_dim3A_576] : memref<32xf32, #tpu.memory_space<vmem>>[vector<16xi32>], vector<16xf32>,
            %add3A_578 = arith.constant 1 : i32
            %add3A_579 = arith.addi %mul3A_575, %add3A_578 : i32
            %broadcast_in_dim3A_580 = vector.broadcast %add3A_579 : i32 to vector<16xi32>
            %gather3A_581 = tpu.vector_load_idx %arg14[%broadcast_in_dim3A_580] : memref<32xf32, #tpu.memory_space<vmem>>[vector<16xi32>], vector<16xf32>,
            %get3A_582 = arith.index_cast %mul3A_575 : i32 to index
            %get3A_583 = arith.constant 0 : index
            %get3A_584 = tpu.vector_load %arg15[%get3A_582, %get3A_583] {strides = array<i32>} : memref<32x128xf32, #tpu.memory_space<vmem>>, vector<16xf32>,
            %mul3A_585 = arith.mulf %get3A_584, %gather3A_577 : vector<16xf32>
            %swap3A_586 = arith.index_cast %mul3A_575 : i32 to index
            %swap3A_587 = arith.constant 0 : index
            %swap3A_588 = tpu.vector_load %arg15[%swap3A_586, %swap3A_587] {strides = array<i32>} : memref<32x128xf32, #tpu.memory_space<vmem>>, vector<16xf32>,
            tpu.vector_store %arg15[%swap3A_586, %swap3A_587], %mul3A_585 {strides = array<i32>} : memref<32x128xf32, #tpu.memory_space<vmem>>, vector<16xf32>,
            %get3A_589 = arith.index_cast %mul3A_575 : i32 to index
            %get3A_590 = arith.constant 16 : index
            %get3A_591 = tpu.vector_load %arg15[%get3A_589, %get3A_590] {strides = array<i32>} : memref<32x128xf32, #tpu.memory_space<vmem>>, vector<16xf32>,
            %mul3A_592 = arith.mulf %get3A_591, %gather3A_577 : vector<16xf32>
            %swap3A_593 = arith.index_cast %mul3A_575 : i32 to index
            %swap3A_594 = arith.constant 16 : index
            %swap3A_595 = tpu.vector_load %arg15[%swap3A_593, %swap3A_594] {strides = array<i32>} : memref<32x128xf32, #tpu.memory_space<vmem>>, vector<16xf32>,
            tpu.vector_store %arg15[%swap3A_593, %swap3A_594], %mul3A_592 {strides = array<i32>} : memref<32x128xf32, #tpu.memory_space<vmem>>, vector<16xf32>,
            %get3A_596 = arith.index_cast %mul3A_575 : i32 to index
            %get3A_597 = arith.constant 32 : index
            %get3A_598 = tpu.vector_load %arg15[%get3A_596, %get3A_597] {strides = array<i32>} : memref<32x128xf32, #tpu.memory_space<vmem>>, vector<16xf32>,
            %mul3A_599 = arith.mulf %get3A_598, %gather3A_577 : vector<16xf32>
            %swap3A_600 = arith.index_cast %mul3A_575 : i32 to index
            %swap3A_601 = arith.constant 32 : index
            %swap3A_602 = tpu.vector_load %arg15[%swap3A_600, %swap3A_601] {strides = array<i32>} : memref<32x128xf32, #tpu.memory_space<vmem>>, vector<16xf32>,
            tpu.vector_store %arg15[%swap3A_600, %swap3A_601], %mul3A_599 {strides = array<i32>} : memref<32x128xf32, #tpu.memory_space<vmem>>, vector<16xf32>,
            %get3A_603 = arith.index_cast %mul3A_575 : i32 to index
            %get3A_604 = arith.constant 48 : index
            %get3A_605 = tpu.vector_load %arg15[%get3A_603, %get3A_604] {strides = array<i32>} : memref<32x128xf32, #tpu.memory_space<vmem>>, vector<16xf32>,
            %mul3A_606 = arith.mulf %get3A_605, %gather3A_577 : vector<16xf32>
            %swap3A_607 = arith.index_cast %mul3A_575 : i32 to index
            %swap3A_608 = arith.constant 48 : index
            %swap3A_609 = tpu.vector_load %arg15[%swap3A_607, %swap3A_608] {strides = array<i32>} : memref<32x128xf32, #tpu.memory_space<vmem>>, vector<16xf32>,
            tpu.vector_store %arg15[%swap3A_607, %swap3A_608], %mul3A_606 {strides = array<i32>} : memref<32x128xf32, #tpu.memory_space<vmem>>, vector<16xf32>,
            %get3A_610 = arith.index_cast %mul3A_575 : i32 to index
            %get3A_611 = arith.constant 64 : index
            %get3A_612 = tpu.vector_load %arg15[%get3A_610, %get3A_611] {strides = array<i32>} : memref<32x128xf32, #tpu.memory_space<vmem>>, vector<16xf32>,
            %mul3A_613 = arith.mulf %get3A_612, %gather3A_577 : vector<16xf32>
            %swap3A_614 = arith.index_cast %mul3A_575 : i32 to index
            %swap3A_615 = arith.constant 64 : index
            %swap3A_616 = tpu.vector_load %arg15[%swap3A_614, %swap3A_615] {strides = array<i32>} : memref<32x128xf32, #tpu.memory_space<vmem>>, vector<16xf32>,
            tpu.vector_store %arg15[%swap3A_614, %swap3A_615], %mul3A_613 {strides = array<i32>} : memref<32x128xf32, #tpu.memory_space<vmem>>, vector<16xf32>,
            %get3A_617 = arith.index_cast %mul3A_575 : i32 to index
            %get3A_618 = arith.constant 80 : index
            %get3A_619 = tpu.vector_load %arg15[%get3A_617, %get3A_618] {strides = array<i32>} : memref<32x128xf32, #tpu.memory_space<vmem>>, vector<16xf32>,
            %mul3A_620 = arith.mulf %get3A_619, %gather3A_577 : vector<16xf32>
            %swap3A_621 = arith.index_cast %mul3A_575 : i32 to index
            %swap3A_622 = arith.constant 80 : index
            %swap3A_623 = tpu.vector_load %arg15[%swap3A_621, %swap3A_622] {strides = array<i32>} : memref<32x128xf32, #tpu.memory_space<vmem>>, vector<16xf32>,
            tpu.vector_store %arg15[%swap3A_621, %swap3A_622], %mul3A_620 {strides = array<i32>} : memref<32x128xf32, #tpu.memory_space<vmem>>, vector<16xf32>,
            %get3A_624 = arith.index_cast %mul3A_575 : i32 to index
            %get3A_625 = arith.constant 96 : index
            %get3A_626 = tpu.vector_load %arg15[%get3A_624, %get3A_625] {strides = array<i32>} : memref<32x128xf32, #tpu.memory_space<vmem>>, vector<16xf32>,
            %mul3A_627 = arith.mulf %get3A_626, %gather3A_577 : vector<16xf32>
            %swap3A_628 = arith.index_cast %mul3A_575 : i32 to index
            %swap3A_629 = arith.constant 96 : index
            %swap3A_630 = tpu.vector_load %arg15[%swap3A_628, %swap3A_629] {strides = array<i32>} : memref<32x128xf32, #tpu.memory_space<vmem>>, vector<16xf32>,
            tpu.vector_store %arg15[%swap3A_628, %swap3A_629], %mul3A_627 {strides = array<i32>} : memref<32x128xf32, #tpu.memory_space<vmem>>, vector<16xf32>,
            %get3A_631 = arith.index_cast %mul3A_575 : i32 to index
            %get3A_632 = arith.constant 112 : index
            %get3A_633 = tpu.vector_load %arg15[%get3A_631, %get3A_632] {strides = array<i32>} : memref<32x128xf32, #tpu.memory_space<vmem>>, vector<16xf32>,
            %mul3A_634 = arith.mulf %get3A_633, %gather3A_577 : vector<16xf32>
            %swap3A_635 = arith.index_cast %mul3A_575 : i32 to index
            %swap3A_636 = arith.constant 112 : index
            %swap3A_637 = tpu.vector_load %arg15[%swap3A_635, %swap3A_636] {strides = array<i32>} : memref<32x128xf32, #tpu.memory_space<vmem>>, vector<16xf32>,
            tpu.vector_store %arg15[%swap3A_635, %swap3A_636], %mul3A_634 {strides = array<i32>} : memref<32x128xf32, #tpu.memory_space<vmem>>, vector<16xf32>,
            %add3A_638 = arith.constant 1 : i32
            %add3A_639 = arith.addi %mul3A_575, %add3A_638 : i32
            %get3A_640 = arith.index_cast %add3A_639 : i32 to index
            %get3A_641 = arith.constant 0 : index
            %get3A_642 = tpu.vector_load %arg15[%get3A_640, %get3A_641] {strides = array<i32>} : memref<32x128xf32, #tpu.memory_space<vmem>>, vector<16xf32>,
            %mul3A_643 = arith.mulf %get3A_642, %gather3A_581 : vector<16xf32>
            %add3A_644 = arith.constant 1 : i32
            %add3A_645 = arith.addi %mul3A_575, %add3A_644 : i32
            %swap3A_646 = arith.index_cast %add3A_645 : i32 to index
            %swap3A_647 = arith.constant 0 : index
            %swap3A_648 = tpu.vector_load %arg15[%swap3A_646, %swap3A_647] {strides = array<i32>} : memref<32x128xf32, #tpu.memory_space<vmem>>, vector<16xf32>,
            tpu.vector_store %arg15[%swap3A_646, %swap3A_647], %mul3A_643 {strides = array<i32>} : memref<32x128xf32, #tpu.memory_space<vmem>>, vector<16xf32>,
            %add3A_649 = arith.constant 1 : i32
            %add3A_650 = arith.addi %mul3A_575, %add3A_649 : i32
            %get3A_651 = arith.index_cast %add3A_650 : i32 to index
            %get3A_652 = arith.constant 16 : index
            %get3A_653 = tpu.vector_load %arg15[%get3A_651, %get3A_652] {strides = array<i32>} : memref<32x128xf32, #tpu.memory_space<vmem>>, vector<16xf32>,
            %mul3A_654 = arith.mulf %get3A_653, %gather3A_581 : vector<16xf32>
            %add3A_655 = arith.constant 1 : i32
            %add3A_656 = arith.addi %mul3A_575, %add3A_655 : i32
            %swap3A_657 = arith.index_cast %add3A_656 : i32 to index
            %swap3A_658 = arith.constant 16 : index
            %swap3A_659 = tpu.vector_load %arg15[%swap3A_657, %swap3A_658] {strides = array<i32>} : memref<32x128xf32, #tpu.memory_space<vmem>>, vector<16xf32>,
            tpu.vector_store %arg15[%swap3A_657, %swap3A_658], %mul3A_654 {strides = array<i32>} : memref<32x128xf32, #tpu.memory_space<vmem>>, vector<16xf32>,
            %add3A_660 = arith.constant 1 : i32
            %add3A_661 = arith.addi %mul3A_575, %add3A_660 : i32
            %get3A_662 = arith.index_cast %add3A_661 : i32 to index
            %get3A_663 = arith.constant 32 : index
            %get3A_664 = tpu.vector_load %arg15[%get3A_662, %get3A_663] {strides = array<i32>} : memref<32x128xf32, #tpu.memory_space<vmem>>, vector<16xf32>,
            %mul3A_665 = arith.mulf %get3A_664, %gather3A_581 : vector<16xf32>
            %add3A_666 = arith.constant 1 : i32
            %add3A_667 = arith.addi %mul3A_575, %add3A_666 : i32
            %swap3A_668 = arith.index_cast %add3A_667 : i32 to index
            %swap3A_669 = arith.constant 32 : index
            %swap3A_670 = tpu.vector_load %arg15[%swap3A_668, %swap3A_669] {strides = array<i32>} : memref<32x128xf32, #tpu.memory_space<vmem>>, vector<16xf32>,
            tpu.vector_store %arg15[%swap3A_668, %swap3A_669], %mul3A_665 {strides = array<i32>} : memref<32x128xf32, #tpu.memory_space<vmem>>, vector<16xf32>,
            %add3A_671 = arith.constant 1 : i32
            %add3A_672 = arith.addi %mul3A_575, %add3A_671 : i32
            %get3A_673 = arith.index_cast %add3A_672 : i32 to index
            %get3A_674 = arith.constant 48 : index
            %get3A_675 = tpu.vector_load %arg15[%get3A_673, %get3A_674] {strides = array<i32>} : memref<32x128xf32, #tpu.memory_space<vmem>>, vector<16xf32>,
            %mul3A_676 = arith.mulf %get3A_675, %gather3A_581 : vector<16xf32>
            %add3A_677 = arith.constant 1 : i32
            %add3A_678 = arith.addi %mul3A_575, %add3A_677 : i32
            %swap3A_679 = arith.index_cast %add3A_678 : i32 to index
            %swap3A_680 = arith.constant 48 : index
            %swap3A_681 = tpu.vector_load %arg15[%swap3A_679, %swap3A_680] {strides = array<i32>} : memref<32x128xf32, #tpu.memory_space<vmem>>, vector<16xf32>,
            tpu.vector_store %arg15[%swap3A_679, %swap3A_680], %mul3A_676 {strides = array<i32>} : memref<32x128xf32, #tpu.memory_space<vmem>>, vector<16xf32>,
            %add3A_682 = arith.constant 1 : i32
            %add3A_683 = arith.addi %mul3A_575, %add3A_682 : i32
            %get3A_684 = arith.index_cast %add3A_683 : i32 to index
            %get3A_685 = arith.constant 64 : index
            %get3A_686 = tpu.vector_load %arg15[%get3A_684, %get3A_685] {strides = array<i32>} : memref<32x128xf32, #tpu.memory_space<vmem>>, vector<16xf32>,
            %mul3A_687 = arith.mulf %get3A_686, %gather3A_581 : vector<16xf32>
            %add3A_688 = arith.constant 1 : i32
            %add3A_689 = arith.addi %mul3A_575, %add3A_688 : i32
            %swap3A_690 = arith.index_cast %add3A_689 : i32 to index
            %swap3A_691 = arith.constant 64 : index
            %swap3A_692 = tpu.vector_load %arg15[%swap3A_690, %swap3A_691] {strides = array<i32>} : memref<32x128xf32, #tpu.memory_space<vmem>>, vector<16xf32>,
            tpu.vector_store %arg15[%swap3A_690, %swap3A_691], %mul3A_687 {strides = array<i32>} : memref<32x128xf32, #tpu.memory_space<vmem>>, vector<16xf32>,
            %add3A_693 = arith.constant 1 : i32
            %add3A_694 = arith.addi %mul3A_575, %add3A_693 : i32
            %get3A_695 = arith.index_cast %add3A_694 : i32 to index
            %get3A_696 = arith.constant 80 : index
            %get3A_697 = tpu.vector_load %arg15[%get3A_695, %get3A_696] {strides = array<i32>} : memref<32x128xf32, #tpu.memory_space<vmem>>, vector<16xf32>,
            %mul3A_698 = arith.mulf %get3A_697, %gather3A_581 : vector<16xf32>
            %add3A_699 = arith.constant 1 : i32
            %add3A_700 = arith.addi %mul3A_575, %add3A_699 : i32
            %swap3A_701 = arith.index_cast %add3A_700 : i32 to index
            %swap3A_702 = arith.constant 80 : index
            %swap3A_703 = tpu.vector_load %arg15[%swap3A_701, %swap3A_702] {strides = array<i32>} : memref<32x128xf32, #tpu.memory_space<vmem>>, vector<16xf32>,
            tpu.vector_store %arg15[%swap3A_701, %swap3A_702], %mul3A_698 {strides = array<i32>} : memref<32x128xf32, #tpu.memory_space<vmem>>, vector<16xf32>,
            %add3A_704 = arith.constant 1 : i32
            %add3A_705 = arith.addi %mul3A_575, %add3A_704 : i32
            %get3A_706 = arith.index_cast %add3A_705 : i32 to index
            %get3A_707 = arith.constant 96 : index
            %get3A_708 = tpu.vector_load %arg15[%get3A_706, %get3A_707] {strides = array<i32>} : memref<32x128xf32, #tpu.memory_space<vmem>>, vector<16xf32>,
            %mul3A_709 = arith.mulf %get3A_708, %gather3A_581 : vector<16xf32>
            %add3A_710 = arith.constant 1 : i32
            %add3A_711 = arith.addi %mul3A_575, %add3A_710 : i32
            %swap3A_712 = arith.index_cast %add3A_711 : i32 to index
            %swap3A_713 = arith.constant 96 : index
            %swap3A_714 = tpu.vector_load %arg15[%swap3A_712, %swap3A_713] {strides = array<i32>} : memref<32x128xf32, #tpu.memory_space<vmem>>, vector<16xf32>,
            tpu.vector_store %arg15[%swap3A_712, %swap3A_713], %mul3A_709 {strides = array<i32>} : memref<32x128xf32, #tpu.memory_space<vmem>>, vector<16xf32>,
            %add3A_715 = arith.constant 1 : i32
            %add3A_716 = arith.addi %mul3A_575, %add3A_715 : i32
            %get3A_717 = arith.index_cast %add3A_716 : i32 to index
            %get3A_718 = arith.constant 112 : index
            %get3A_719 = tpu.vector_load %arg15[%get3A_717, %get3A_718] {strides = array<i32>} : memref<32x128xf32, #tpu.memory_space<vmem>>, vector<16xf32>,
            %mul3A_720 = arith.mulf %get3A_719, %gather3A_581 : vector<16xf32>
            %add3A_721 = arith.constant 1 : i32
            %add3A_722 = arith.addi %mul3A_575, %add3A_721 : i32
            %swap3A_723 = arith.index_cast %add3A_722 : i32 to index
            %swap3A_724 = arith.constant 112 : index
            %swap3A_725 = tpu.vector_load %arg15[%swap3A_723, %swap3A_724] {strides = array<i32>} : memref<32x128xf32, #tpu.memory_space<vmem>>, vector<16xf32>,
            tpu.vector_store %arg15[%swap3A_723, %swap3A_724], %mul3A_720 {strides = array<i32>} : memref<32x128xf32, #tpu.memory_space<vmem>>, vector<16xf32>,
            %scan3A_726 = arith.constant 0 : i32
            scf.yield %scan3A_726 : i32
          }
          %scan3A_549 = arith.constant 16 : i32
          %dma_start3A_550 = tpu.memref_slice %arg12[%select_n3A_380, %mul3A_413] : memref<2x1024xi32, #tpu.memory_space<vmem>> -> memref<1x32xi32, #tpu.memory_space<vmem>>
          %dma_start3A_551 = tpu.memref_squeeze %dma_start3A_550 : memref<1x32xi32, #tpu.memory_space<vmem>> -> memref<32xi32, #tpu.memory_space<vmem>>
          %dma_start3A_552 = arith.constant 0 : i32
          %dma_start3A_553 = arith.constant 0 : i32
          %dma_start3A_554 = tpu.memref_slice %arg25[%dma_start3A_552, %dma_start3A_553] : memref<10240x128xf32, #tpu.memory_space<vmem_shared>> -> memref<10240x128xf32, #tpu.memory_space<vmem_shared>>
          tpu.enqueue_indirect_dma source(%arg15 : memref<32x128xf32, #tpu.memory_space<vmem>>) target(%dma_start3A_554 : memref<10240x128xf32, #tpu.memory_space<vmem_shared>>) offsets(%dma_start3A_551 : memref<32xi32, #tpu.memory_space<vmem>>) semaphore(%arg21 : memref<!tpu.dma_semaphore, #tpu.memory_space<semaphore_mem>>) {add = true}
          %ge3A_555 = arith.constant 1 : i32
          %ge3A_556 = arith.cmpi sge, %scan3A_410, %ge3A_555 : i32
          %add3A_557 = arith.constant 2 : i32
          %add3A_558 = arith.addi %scan3A_410, %add3A_557 : i32
          %lt3A_559 = arith.constant 32 : i32
          %lt3A_560 = arith.cmpi slt, %add3A_558, %lt3A_559 : i32
          %and3A_561 = arith.andi %ge3A_556, %lt3A_560 : i1
          %convert_element_type3A_562 = arith.extui %and3A_561 : i1 to i32
          %cond3A_563 = arith.constant 0 : i32
          %cond3A_564 = arith.cmpi ne, %convert_element_type3A_562, %cond3A_563 : i32
          scf.if %cond3A_564 {
            %dma_wait3A_572 = tpu.memref_slice %arg12[%select_n3A_380, %mul3A_413] : memref<2x1024xi32, #tpu.memory_space<vmem>> -> memref<1x32xi32, #tpu.memory_space<vmem>>
            %dma_wait3A_573 = tpu.memref_squeeze %dma_wait3A_572 : memref<1x32xi32, #tpu.memory_space<vmem>> -> memref<32xi32, #tpu.memory_space<vmem>>
            %dma_wait3A_574 = arith.constant 0 : i32
            %dma_wait3A_575 = arith.constant 0 : i32
            %dma_wait3A_576 = tpu.memref_slice %arg25[%dma_wait3A_574, %dma_wait3A_575] : memref<10240x128xf32, #tpu.memory_space<vmem_shared>> -> memref<10240x128xf32, #tpu.memory_space<vmem_shared>>
            tpu.wait_indirect_dma semaphore(%arg23 : memref<!tpu.dma_semaphore, #tpu.memory_space<semaphore_mem>>) src(%arg17 : memref<32x128xf32, #tpu.memory_space<vmem>>) dst(%dma_wait3A_576 : memref<10240x128xf32, #tpu.memory_space<vmem_shared>>)
          } else {
          }
          %add3A_565 = arith.constant 2 : i32
          %add3A_566 = arith.addi %scan3A_410, %add3A_565 : i32
          %lt3A_567 = arith.constant 32 : i32
          %lt3A_568 = arith.cmpi slt, %add3A_566, %lt3A_567 : i32
          %convert_element_type3A_569 = arith.extui %lt3A_568 : i1 to i32
          %cond3A_570 = arith.constant 0 : i32
          %cond3A_571 = arith.cmpi ne, %convert_element_type3A_569, %cond3A_570 : i32
          scf.if %cond3A_571 {
            %add3A_572 = arith.constant 2 : i32
            %add3A_573 = arith.addi %scan3A_410, %add3A_572 : i32
            %mul3A_574 = arith.constant 32 : i32
            %mul3A_575 = arith.muli %add3A_573, %mul3A_574 : i32
            %dma_start3A_576 = tpu.memref_slice %arg13[%select_n3A_380, %mul3A_575] : memref<2x1024xi32, #tpu.memory_space<vmem>> -> memref<1x32xi32, #tpu.memory_space<vmem>>
            %dma_start3A_577 = tpu.memref_squeeze %dma_start3A_576 : memref<1x32xi32, #tpu.memory_space<vmem>> -> memref<32xi32, #tpu.memory_space<vmem>>
            %dma_start3A_578 = arith.constant 0 : i32
            %dma_start3A_579 = arith.constant 0 : i32
            %dma_start3A_580 = tpu.memref_slice %arg6[%dma_start3A_578, %dma_start3A_579] : memref<10000x128xf32, #tpu.memory_space<hbm>> -> memref<10000x128xf32, #tpu.memory_space<hbm>>
            tpu.enqueue_indirect_dma source(%dma_start3A_580 : memref<10000x128xf32, #tpu.memory_space<hbm>>) target(%arg17 : memref<32x128xf32, #tpu.memory_space<vmem>>) offsets(%dma_start3A_577 : memref<32xi32, #tpu.memory_space<vmem>>) semaphore(%arg20 : memref<!tpu.dma_semaphore, #tpu.memory_space<semaphore_mem>>)
          } else {
          }
        } else {
        }
        %jit3A_495 = arith.constant 3 : i32
        %eq3A_496 = arith.constant 0 : i32
        %eq3A_497 = arith.cmpi eq, %jit3A_495, %eq3A_496 : i32
        %jit3A_498 = arith.constant 1 : i32
        %select_n3A_499 = arith.select %eq3A_497, %jit3A_498, %jit3A_495 : i32
        %rem3A_500 = arith.remsi %scan3A_410, %select_n3A_499 : i32
        %ne3A_501 = arith.constant 0 : i32
        %ne3A_502 = arith.cmpi ne, %rem3A_500, %ne3A_501 : i32
        %lt3A_503 = arith.constant 0 : i32
        %lt3A_504 = arith.cmpi slt, %rem3A_500, %lt3A_503 : i32
        %lt3A_505 = arith.constant 0 : i32
        %lt3A_506 = arith.cmpi slt, %select_n3A_499, %lt3A_505 : i32
        %ne3A_507 = arith.xori %lt3A_504, %lt3A_506 : i1
        %and3A_508 = arith.andi %ne3A_507, %ne3A_502 : i1
        %add3A_509 = arith.addi %rem3A_500, %select_n3A_499 : i32
        %select_n3A_510 = arith.select %and3A_508, %add3A_509, %rem3A_500 : i32
        %eq3A_511 = arith.constant 1 : i32
        %eq3A_512 = arith.cmpi eq, %select_n3A_510, %eq3A_511 : i32
        %convert_element_type3A_513 = arith.extui %eq3A_512 : i1 to i32
        %cond3A_514 = arith.constant 0 : i32
        %cond3A_515 = arith.cmpi ne, %convert_element_type3A_513, %cond3A_514 : i32
        scf.if %cond3A_515 {
          %dma_wait3A_538 = tpu.memref_slice %arg12[%select_n3A_380, %mul3A_413] : memref<2x1024xi32, #tpu.memory_space<vmem>> -> memref<1x32xi32, #tpu.memory_space<vmem>>
          %dma_wait3A_539 = tpu.memref_squeeze %dma_wait3A_538 : memref<1x32xi32, #tpu.memory_space<vmem>> -> memref<32xi32, #tpu.memory_space<vmem>>
          %dma_wait3A_540 = arith.constant 0 : i32
          %dma_wait3A_541 = arith.constant 0 : i32
          %dma_wait3A_542 = tpu.memref_slice %arg6[%dma_wait3A_540, %dma_wait3A_541] : memref<10000x128xf32, #tpu.memory_space<hbm>> -> memref<10000x128xf32, #tpu.memory_space<hbm>>
          tpu.wait_indirect_dma semaphore(%arg19 : memref<!tpu.dma_semaphore, #tpu.memory_space<semaphore_mem>>) src(%dma_wait3A_542 : memref<10000x128xf32, #tpu.memory_space<hbm>>) dst(%arg16 : memref<32x128xf32, #tpu.memory_space<vmem>>)
          %scan3A_543 = arith.constant 0 : i32
          %scan3A_544 = arith.constant 0 : i32
          %scan3A_545 = arith.constant 16 : i32
          %scan3A_546 = arith.addi %scan3A_544, %scan3A_545 : i32
          %scan3A_547 = arith.constant 1 : i32
          %scan3A_548 = scf.for %scan3A_572 = %scan3A_544 to %scan3A_546 step %scan3A_547 iter_args(%scan3A_573 = %scan3A_543) -> (i32)  : i32 {
            %mul3A_574 = arith.constant 2 : i32
            %mul3A_575 = arith.muli %scan3A_572, %mul3A_574 : i32
            %broadcast_in_dim3A_576 = vector.broadcast %mul3A_575 : i32 to vector<16xi32>
            %gather3A_577 = tpu.vector_load_idx %arg14[%broadcast_in_dim3A_576] : memref<32xf32, #tpu.memory_space<vmem>>[vector<16xi32>], vector<16xf32>,
            %add3A_578 = arith.constant 1 : i32
            %add3A_579 = arith.addi %mul3A_575, %add3A_578 : i32
            %broadcast_in_dim3A_580 = vector.broadcast %add3A_579 : i32 to vector<16xi32>
            %gather3A_581 = tpu.vector_load_idx %arg14[%broadcast_in_dim3A_580] : memref<32xf32, #tpu.memory_space<vmem>>[vector<16xi32>], vector<16xf32>,
            %get3A_582 = arith.index_cast %mul3A_575 : i32 to index
            %get3A_583 = arith.constant 0 : index
            %get3A_584 = tpu.vector_load %arg16[%get3A_582, %get3A_583] {strides = array<i32>} : memref<32x128xf32, #tpu.memory_space<vmem>>, vector<16xf32>,
            %mul3A_585 = arith.mulf %get3A_584, %gather3A_577 : vector<16xf32>
            %swap3A_586 = arith.index_cast %mul3A_575 : i32 to index
            %swap3A_587 = arith.constant 0 : index
            %swap3A_588 = tpu.vector_load %arg16[%swap3A_586, %swap3A_587] {strides = array<i32>} : memref<32x128xf32, #tpu.memory_space<vmem>>, vector<16xf32>,
            tpu.vector_store %arg16[%swap3A_586, %swap3A_587], %mul3A_585 {strides = array<i32>} : memref<32x128xf32, #tpu.memory_space<vmem>>, vector<16xf32>,
            %get3A_589 = arith.index_cast %mul3A_575 : i32 to index
            %get3A_590 = arith.constant 16 : index
            %get3A_591 = tpu.vector_load %arg16[%get3A_589, %get3A_590] {strides = array<i32>} : memref<32x128xf32, #tpu.memory_space<vmem>>, vector<16xf32>,
            %mul3A_592 = arith.mulf %get3A_591, %gather3A_577 : vector<16xf32>
            %swap3A_593 = arith.index_cast %mul3A_575 : i32 to index
            %swap3A_594 = arith.constant 16 : index
            %swap3A_595 = tpu.vector_load %arg16[%swap3A_593, %swap3A_594] {strides = array<i32>} : memref<32x128xf32, #tpu.memory_space<vmem>>, vector<16xf32>,
            tpu.vector_store %arg16[%swap3A_593, %swap3A_594], %mul3A_592 {strides = array<i32>} : memref<32x128xf32, #tpu.memory_space<vmem>>, vector<16xf32>,
            %get3A_596 = arith.index_cast %mul3A_575 : i32 to index
            %get3A_597 = arith.constant 32 : index
            %get3A_598 = tpu.vector_load %arg16[%get3A_596, %get3A_597] {strides = array<i32>} : memref<32x128xf32, #tpu.memory_space<vmem>>, vector<16xf32>,
            %mul3A_599 = arith.mulf %get3A_598, %gather3A_577 : vector<16xf32>
            %swap3A_600 = arith.index_cast %mul3A_575 : i32 to index
            %swap3A_601 = arith.constant 32 : index
            %swap3A_602 = tpu.vector_load %arg16[%swap3A_600, %swap3A_601] {strides = array<i32>} : memref<32x128xf32, #tpu.memory_space<vmem>>, vector<16xf32>,
            tpu.vector_store %arg16[%swap3A_600, %swap3A_601], %mul3A_599 {strides = array<i32>} : memref<32x128xf32, #tpu.memory_space<vmem>>, vector<16xf32>,
            %get3A_603 = arith.index_cast %mul3A_575 : i32 to index
            %get3A_604 = arith.constant 48 : index
            %get3A_605 = tpu.vector_load %arg16[%get3A_603, %get3A_604] {strides = array<i32>} : memref<32x128xf32, #tpu.memory_space<vmem>>, vector<16xf32>,
            %mul3A_606 = arith.mulf %get3A_605, %gather3A_577 : vector<16xf32>
            %swap3A_607 = arith.index_cast %mul3A_575 : i32 to index
            %swap3A_608 = arith.constant 48 : index
            %swap3A_609 = tpu.vector_load %arg16[%swap3A_607, %swap3A_608] {strides = array<i32>} : memref<32x128xf32, #tpu.memory_space<vmem>>, vector<16xf32>,
            tpu.vector_store %arg16[%swap3A_607, %swap3A_608], %mul3A_606 {strides = array<i32>} : memref<32x128xf32, #tpu.memory_space<vmem>>, vector<16xf32>,
            %get3A_610 = arith.index_cast %mul3A_575 : i32 to index
            %get3A_611 = arith.constant 64 : index
            %get3A_612 = tpu.vector_load %arg16[%get3A_610, %get3A_611] {strides = array<i32>} : memref<32x128xf32, #tpu.memory_space<vmem>>, vector<16xf32>,
            %mul3A_613 = arith.mulf %get3A_612, %gather3A_577 : vector<16xf32>
            %swap3A_614 = arith.index_cast %mul3A_575 : i32 to index
            %swap3A_615 = arith.constant 64 : index
            %swap3A_616 = tpu.vector_load %arg16[%swap3A_614, %swap3A_615] {strides = array<i32>} : memref<32x128xf32, #tpu.memory_space<vmem>>, vector<16xf32>,
            tpu.vector_store %arg16[%swap3A_614, %swap3A_615], %mul3A_613 {strides = array<i32>} : memref<32x128xf32, #tpu.memory_space<vmem>>, vector<16xf32>,
            %get3A_617 = arith.index_cast %mul3A_575 : i32 to index
            %get3A_618 = arith.constant 80 : index
            %get3A_619 = tpu.vector_load %arg16[%get3A_617, %get3A_618] {strides = array<i32>} : memref<32x128xf32, #tpu.memory_space<vmem>>, vector<16xf32>,
            %mul3A_620 = arith.mulf %get3A_619, %gather3A_577 : vector<16xf32>
            %swap3A_621 = arith.index_cast %mul3A_575 : i32 to index
            %swap3A_622 = arith.constant 80 : index
            %swap3A_623 = tpu.vector_load %arg16[%swap3A_621, %swap3A_622] {strides = array<i32>} : memref<32x128xf32, #tpu.memory_space<vmem>>, vector<16xf32>,
            tpu.vector_store %arg16[%swap3A_621, %swap3A_622], %mul3A_620 {strides = array<i32>} : memref<32x128xf32, #tpu.memory_space<vmem>>, vector<16xf32>,
            %get3A_624 = arith.index_cast %mul3A_575 : i32 to index
            %get3A_625 = arith.constant 96 : index
            %get3A_626 = tpu.vector_load %arg16[%get3A_624, %get3A_625] {strides = array<i32>} : memref<32x128xf32, #tpu.memory_space<vmem>>, vector<16xf32>,
            %mul3A_627 = arith.mulf %get3A_626, %gather3A_577 : vector<16xf32>
            %swap3A_628 = arith.index_cast %mul3A_575 : i32 to index
            %swap3A_629 = arith.constant 96 : index
            %swap3A_630 = tpu.vector_load %arg16[%swap3A_628, %swap3A_629] {strides = array<i32>} : memref<32x128xf32, #tpu.memory_space<vmem>>, vector<16xf32>,
            tpu.vector_store %arg16[%swap3A_628, %swap3A_629], %mul3A_627 {strides = array<i32>} : memref<32x128xf32, #tpu.memory_space<vmem>>, vector<16xf32>,
            %get3A_631 = arith.index_cast %mul3A_575 : i32 to index
            %get3A_632 = arith.constant 112 : index
            %get3A_633 = tpu.vector_load %arg16[%get3A_631, %get3A_632] {strides = array<i32>} : memref<32x128xf32, #tpu.memory_space<vmem>>, vector<16xf32>,
            %mul3A_634 = arith.mulf %get3A_633, %gather3A_577 : vector<16xf32>
            %swap3A_635 = arith.index_cast %mul3A_575 : i32 to index
            %swap3A_636 = arith.constant 112 : index
            %swap3A_637 = tpu.vector_load %arg16[%swap3A_635, %swap3A_636] {strides = array<i32>} : memref<32x128xf32, #tpu.memory_space<vmem>>, vector<16xf32>,
            tpu.vector_store %arg16[%swap3A_635, %swap3A_636], %mul3A_634 {strides = array<i32>} : memref<32x128xf32, #tpu.memory_space<vmem>>, vector<16xf32>,
            %add3A_638 = arith.constant 1 : i32
            %add3A_639 = arith.addi %mul3A_575, %add3A_638 : i32
            %get3A_640 = arith.index_cast %add3A_639 : i32 to index
            %get3A_641 = arith.constant 0 : index
            %get3A_642 = tpu.vector_load %arg16[%get3A_640, %get3A_641] {strides = array<i32>} : memref<32x128xf32, #tpu.memory_space<vmem>>, vector<16xf32>,
            %mul3A_643 = arith.mulf %get3A_642, %gather3A_581 : vector<16xf32>
            %add3A_644 = arith.constant 1 : i32
            %add3A_645 = arith.addi %mul3A_575, %add3A_644 : i32
            %swap3A_646 = arith.index_cast %add3A_645 : i32 to index
            %swap3A_647 = arith.constant 0 : index
            %swap3A_648 = tpu.vector_load %arg16[%swap3A_646, %swap3A_647] {strides = array<i32>} : memref<32x128xf32, #tpu.memory_space<vmem>>, vector<16xf32>,
            tpu.vector_store %arg16[%swap3A_646, %swap3A_647], %mul3A_643 {strides = array<i32>} : memref<32x128xf32, #tpu.memory_space<vmem>>, vector<16xf32>,
            %add3A_649 = arith.constant 1 : i32
            %add3A_650 = arith.addi %mul3A_575, %add3A_649 : i32
            %get3A_651 = arith.index_cast %add3A_650 : i32 to index
            %get3A_652 = arith.constant 16 : index
            %get3A_653 = tpu.vector_load %arg16[%get3A_651, %get3A_652] {strides = array<i32>} : memref<32x128xf32, #tpu.memory_space<vmem>>, vector<16xf32>,
            %mul3A_654 = arith.mulf %get3A_653, %gather3A_581 : vector<16xf32>
            %add3A_655 = arith.constant 1 : i32
            %add3A_656 = arith.addi %mul3A_575, %add3A_655 : i32
            %swap3A_657 = arith.index_cast %add3A_656 : i32 to index
            %swap3A_658 = arith.constant 16 : index
            %swap3A_659 = tpu.vector_load %arg16[%swap3A_657, %swap3A_658] {strides = array<i32>} : memref<32x128xf32, #tpu.memory_space<vmem>>, vector<16xf32>,
            tpu.vector_store %arg16[%swap3A_657, %swap3A_658], %mul3A_654 {strides = array<i32>} : memref<32x128xf32, #tpu.memory_space<vmem>>, vector<16xf32>,
            %add3A_660 = arith.constant 1 : i32
            %add3A_661 = arith.addi %mul3A_575, %add3A_660 : i32
            %get3A_662 = arith.index_cast %add3A_661 : i32 to index
            %get3A_663 = arith.constant 32 : index
            %get3A_664 = tpu.vector_load %arg16[%get3A_662, %get3A_663] {strides = array<i32>} : memref<32x128xf32, #tpu.memory_space<vmem>>, vector<16xf32>,
            %mul3A_665 = arith.mulf %get3A_664, %gather3A_581 : vector<16xf32>
            %add3A_666 = arith.constant 1 : i32
            %add3A_667 = arith.addi %mul3A_575, %add3A_666 : i32
            %swap3A_668 = arith.index_cast %add3A_667 : i32 to index
            %swap3A_669 = arith.constant 32 : index
            %swap3A_670 = tpu.vector_load %arg16[%swap3A_668, %swap3A_669] {strides = array<i32>} : memref<32x128xf32, #tpu.memory_space<vmem>>, vector<16xf32>,
            tpu.vector_store %arg16[%swap3A_668, %swap3A_669], %mul3A_665 {strides = array<i32>} : memref<32x128xf32, #tpu.memory_space<vmem>>, vector<16xf32>,
            %add3A_671 = arith.constant 1 : i32
            %add3A_672 = arith.addi %mul3A_575, %add3A_671 : i32
            %get3A_673 = arith.index_cast %add3A_672 : i32 to index
            %get3A_674 = arith.constant 48 : index
            %get3A_675 = tpu.vector_load %arg16[%get3A_673, %get3A_674] {strides = array<i32>} : memref<32x128xf32, #tpu.memory_space<vmem>>, vector<16xf32>,
            %mul3A_676 = arith.mulf %get3A_675, %gather3A_581 : vector<16xf32>
            %add3A_677 = arith.constant 1 : i32
            %add3A_678 = arith.addi %mul3A_575, %add3A_677 : i32
            %swap3A_679 = arith.index_cast %add3A_678 : i32 to index
            %swap3A_680 = arith.constant 48 : index
            %swap3A_681 = tpu.vector_load %arg16[%swap3A_679, %swap3A_680] {strides = array<i32>} : memref<32x128xf32, #tpu.memory_space<vmem>>, vector<16xf32>,
            tpu.vector_store %arg16[%swap3A_679, %swap3A_680], %mul3A_676 {strides = array<i32>} : memref<32x128xf32, #tpu.memory_space<vmem>>, vector<16xf32>,
            %add3A_682 = arith.constant 1 : i32
            %add3A_683 = arith.addi %mul3A_575, %add3A_682 : i32
            %get3A_684 = arith.index_cast %add3A_683 : i32 to index
            %get3A_685 = arith.constant 64 : index
            %get3A_686 = tpu.vector_load %arg16[%get3A_684, %get3A_685] {strides = array<i32>} : memref<32x128xf32, #tpu.memory_space<vmem>>, vector<16xf32>,
            %mul3A_687 = arith.mulf %get3A_686, %gather3A_581 : vector<16xf32>
            %add3A_688 = arith.constant 1 : i32
            %add3A_689 = arith.addi %mul3A_575, %add3A_688 : i32
            %swap3A_690 = arith.index_cast %add3A_689 : i32 to index
            %swap3A_691 = arith.constant 64 : index
            %swap3A_692 = tpu.vector_load %arg16[%swap3A_690, %swap3A_691] {strides = array<i32>} : memref<32x128xf32, #tpu.memory_space<vmem>>, vector<16xf32>,
            tpu.vector_store %arg16[%swap3A_690, %swap3A_691], %mul3A_687 {strides = array<i32>} : memref<32x128xf32, #tpu.memory_space<vmem>>, vector<16xf32>,
            %add3A_693 = arith.constant 1 : i32
            %add3A_694 = arith.addi %mul3A_575, %add3A_693 : i32
            %get3A_695 = arith.index_cast %add3A_694 : i32 to index
            %get3A_696 = arith.constant 80 : index
            %get3A_697 = tpu.vector_load %arg16[%get3A_695, %get3A_696] {strides = array<i32>} : memref<32x128xf32, #tpu.memory_space<vmem>>, vector<16xf32>,
            %mul3A_698 = arith.mulf %get3A_697, %gather3A_581 : vector<16xf32>
            %add3A_699 = arith.constant 1 : i32
            %add3A_700 = arith.addi %mul3A_575, %add3A_699 : i32
            %swap3A_701 = arith.index_cast %add3A_700 : i32 to index
            %swap3A_702 = arith.constant 80 : index
            %swap3A_703 = tpu.vector_load %arg16[%swap3A_701, %swap3A_702] {strides = array<i32>} : memref<32x128xf32, #tpu.memory_space<vmem>>, vector<16xf32>,
            tpu.vector_store %arg16[%swap3A_701, %swap3A_702], %mul3A_698 {strides = array<i32>} : memref<32x128xf32, #tpu.memory_space<vmem>>, vector<16xf32>,
            %add3A_704 = arith.constant 1 : i32
            %add3A_705 = arith.addi %mul3A_575, %add3A_704 : i32
            %get3A_706 = arith.index_cast %add3A_705 : i32 to index
            %get3A_707 = arith.constant 96 : index
            %get3A_708 = tpu.vector_load %arg16[%get3A_706, %get3A_707] {strides = array<i32>} : memref<32x128xf32, #tpu.memory_space<vmem>>, vector<16xf32>,
            %mul3A_709 = arith.mulf %get3A_708, %gather3A_581 : vector<16xf32>
            %add3A_710 = arith.constant 1 : i32
            %add3A_711 = arith.addi %mul3A_575, %add3A_710 : i32
            %swap3A_712 = arith.index_cast %add3A_711 : i32 to index
            %swap3A_713 = arith.constant 96 : index
            %swap3A_714 = tpu.vector_load %arg16[%swap3A_712, %swap3A_713] {strides = array<i32>} : memref<32x128xf32, #tpu.memory_space<vmem>>, vector<16xf32>,
            tpu.vector_store %arg16[%swap3A_712, %swap3A_713], %mul3A_709 {strides = array<i32>} : memref<32x128xf32, #tpu.memory_space<vmem>>, vector<16xf32>,
            %add3A_715 = arith.constant 1 : i32
            %add3A_716 = arith.addi %mul3A_575, %add3A_715 : i32
            %get3A_717 = arith.index_cast %add3A_716 : i32 to index
            %get3A_718 = arith.constant 112 : index
            %get3A_719 = tpu.vector_load %arg16[%get3A_717, %get3A_718] {strides = array<i32>} : memref<32x128xf32, #tpu.memory_space<vmem>>, vector<16xf32>,
            %mul3A_720 = arith.mulf %get3A_719, %gather3A_581 : vector<16xf32>
            %add3A_721 = arith.constant 1 : i32
            %add3A_722 = arith.addi %mul3A_575, %add3A_721 : i32
            %swap3A_723 = arith.index_cast %add3A_722 : i32 to index
            %swap3A_724 = arith.constant 112 : index
            %swap3A_725 = tpu.vector_load %arg16[%swap3A_723, %swap3A_724] {strides = array<i32>} : memref<32x128xf32, #tpu.memory_space<vmem>>, vector<16xf32>,
            tpu.vector_store %arg16[%swap3A_723, %swap3A_724], %mul3A_720 {strides = array<i32>} : memref<32x128xf32, #tpu.memory_space<vmem>>, vector<16xf32>,
            %scan3A_726 = arith.constant 0 : i32
            scf.yield %scan3A_726 : i32
          }
          %scan3A_549 = arith.constant 16 : i32
          %dma_start3A_550 = tpu.memref_slice %arg12[%select_n3A_380, %mul3A_413] : memref<2x1024xi32, #tpu.memory_space<vmem>> -> memref<1x32xi32, #tpu.memory_space<vmem>>
          %dma_start3A_551 = tpu.memref_squeeze %dma_start3A_550 : memref<1x32xi32, #tpu.memory_space<vmem>> -> memref<32xi32, #tpu.memory_space<vmem>>
          %dma_start3A_552 = arith.constant 0 : i32
          %dma_start3A_553 = arith.constant 0 : i32
          %dma_start3A_554 = tpu.memref_slice %arg25[%dma_start3A_552, %dma_start3A_553] : memref<10240x128xf32, #tpu.memory_space<vmem_shared>> -> memref<10240x128xf32, #tpu.memory_space<vmem_shared>>
          tpu.enqueue_indirect_dma source(%arg16 : memref<32x128xf32, #tpu.memory_space<vmem>>) target(%dma_start3A_554 : memref<10240x128xf32, #tpu.memory_space<vmem_shared>>) offsets(%dma_start3A_551 : memref<32xi32, #tpu.memory_space<vmem>>) semaphore(%arg22 : memref<!tpu.dma_semaphore, #tpu.memory_space<semaphore_mem>>) {add = true}
          %ge3A_555 = arith.constant 1 : i32
          %ge3A_556 = arith.cmpi sge, %scan3A_410, %ge3A_555 : i32
          %add3A_557 = arith.constant 2 : i32
          %add3A_558 = arith.addi %scan3A_410, %add3A_557 : i32
          %lt3A_559 = arith.constant 32 : i32
          %lt3A_560 = arith.cmpi slt, %add3A_558, %lt3A_559 : i32
          %and3A_561 = arith.andi %ge3A_556, %lt3A_560 : i1
          %convert_element_type3A_562 = arith.extui %and3A_561 : i1 to i32
          %cond3A_563 = arith.constant 0 : i32
          %cond3A_564 = arith.cmpi ne, %convert_element_type3A_562, %cond3A_563 : i32
          scf.if %cond3A_564 {
            %dma_wait3A_572 = tpu.memref_slice %arg12[%select_n3A_380, %mul3A_413] : memref<2x1024xi32, #tpu.memory_space<vmem>> -> memref<1x32xi32, #tpu.memory_space<vmem>>
            %dma_wait3A_573 = tpu.memref_squeeze %dma_wait3A_572 : memref<1x32xi32, #tpu.memory_space<vmem>> -> memref<32xi32, #tpu.memory_space<vmem>>
            %dma_wait3A_574 = arith.constant 0 : i32
            %dma_wait3A_575 = arith.constant 0 : i32
            %dma_wait3A_576 = tpu.memref_slice %arg25[%dma_wait3A_574, %dma_wait3A_575] : memref<10240x128xf32, #tpu.memory_space<vmem_shared>> -> memref<10240x128xf32, #tpu.memory_space<vmem_shared>>
            tpu.wait_indirect_dma semaphore(%arg21 : memref<!tpu.dma_semaphore, #tpu.memory_space<semaphore_mem>>) src(%arg15 : memref<32x128xf32, #tpu.memory_space<vmem>>) dst(%dma_wait3A_576 : memref<10240x128xf32, #tpu.memory_space<vmem_shared>>)
          } else {
          }
          %add3A_565 = arith.constant 2 : i32
          %add3A_566 = arith.addi %scan3A_410, %add3A_565 : i32
          %lt3A_567 = arith.constant 32 : i32
          %lt3A_568 = arith.cmpi slt, %add3A_566, %lt3A_567 : i32
          %convert_element_type3A_569 = arith.extui %lt3A_568 : i1 to i32
          %cond3A_570 = arith.constant 0 : i32
          %cond3A_571 = arith.cmpi ne, %convert_element_type3A_569, %cond3A_570 : i32
          scf.if %cond3A_571 {
            %add3A_572 = arith.constant 2 : i32
            %add3A_573 = arith.addi %scan3A_410, %add3A_572 : i32
            %mul3A_574 = arith.constant 32 : i32
            %mul3A_575 = arith.muli %add3A_573, %mul3A_574 : i32
            %dma_start3A_576 = tpu.memref_slice %arg13[%select_n3A_380, %mul3A_575] : memref<2x1024xi32, #tpu.memory_space<vmem>> -> memref<1x32xi32, #tpu.memory_space<vmem>>
            %dma_start3A_577 = tpu.memref_squeeze %dma_start3A_576 : memref<1x32xi32, #tpu.memory_space<vmem>> -> memref<32xi32, #tpu.memory_space<vmem>>
            %dma_start3A_578 = arith.constant 0 : i32
            %dma_start3A_579 = arith.constant 0 : i32
            %dma_start3A_580 = tpu.memref_slice %arg6[%dma_start3A_578, %dma_start3A_579] : memref<10000x128xf32, #tpu.memory_space<hbm>> -> memref<10000x128xf32, #tpu.memory_space<hbm>>
            tpu.enqueue_indirect_dma source(%dma_start3A_580 : memref<10000x128xf32, #tpu.memory_space<hbm>>) target(%arg15 : memref<32x128xf32, #tpu.memory_space<vmem>>) offsets(%dma_start3A_577 : memref<32xi32, #tpu.memory_space<vmem>>) semaphore(%arg18 : memref<!tpu.dma_semaphore, #tpu.memory_space<semaphore_mem>>)
          } else {
          }
        } else {
        }
        %jit3A_516 = arith.constant 3 : i32
        %eq3A_517 = arith.constant 0 : i32
        %eq3A_518 = arith.cmpi eq, %jit3A_516, %eq3A_517 : i32
        %jit3A_519 = arith.constant 1 : i32
        %select_n3A_520 = arith.select %eq3A_518, %jit3A_519, %jit3A_516 : i32
        %rem3A_521 = arith.remsi %scan3A_410, %select_n3A_520 : i32
        %ne3A_522 = arith.constant 0 : i32
        %ne3A_523 = arith.cmpi ne, %rem3A_521, %ne3A_522 : i32
        %lt3A_524 = arith.constant 0 : i32
        %lt3A_525 = arith.cmpi slt, %rem3A_521, %lt3A_524 : i32
        %lt3A_526 = arith.constant 0 : i32
        %lt3A_527 = arith.cmpi slt, %select_n3A_520, %lt3A_526 : i32
        %ne3A_528 = arith.xori %lt3A_525, %lt3A_527 : i1
        %and3A_529 = arith.andi %ne3A_528, %ne3A_523 : i1
        %add3A_530 = arith.addi %rem3A_521, %select_n3A_520 : i32
        %select_n3A_531 = arith.select %and3A_529, %add3A_530, %rem3A_521 : i32
        %eq3A_532 = arith.constant 2 : i32
        %eq3A_533 = arith.cmpi eq, %select_n3A_531, %eq3A_532 : i32
        %convert_element_type3A_534 = arith.extui %eq3A_533 : i1 to i32
        %cond3A_535 = arith.constant 0 : i32
        %cond3A_536 = arith.cmpi ne, %convert_element_type3A_534, %cond3A_535 : i32
        scf.if %cond3A_536 {
          %dma_wait3A_538 = tpu.memref_slice %arg12[%select_n3A_380, %mul3A_413] : memref<2x1024xi32, #tpu.memory_space<vmem>> -> memref<1x32xi32, #tpu.memory_space<vmem>>
          %dma_wait3A_539 = tpu.memref_squeeze %dma_wait3A_538 : memref<1x32xi32, #tpu.memory_space<vmem>> -> memref<32xi32, #tpu.memory_space<vmem>>
          %dma_wait3A_540 = arith.constant 0 : i32
          %dma_wait3A_541 = arith.constant 0 : i32
          %dma_wait3A_542 = tpu.memref_slice %arg6[%dma_wait3A_540, %dma_wait3A_541] : memref<10000x128xf32, #tpu.memory_space<hbm>> -> memref<10000x128xf32, #tpu.memory_space<hbm>>
          tpu.wait_indirect_dma semaphore(%arg20 : memref<!tpu.dma_semaphore, #tpu.memory_space<semaphore_mem>>) src(%dma_wait3A_542 : memref<10000x128xf32, #tpu.memory_space<hbm>>) dst(%arg17 : memref<32x128xf32, #tpu.memory_space<vmem>>)
          %scan3A_543 = arith.constant 0 : i32
          %scan3A_544 = arith.constant 0 : i32
          %scan3A_545 = arith.constant 16 : i32
          %scan3A_546 = arith.addi %scan3A_544, %scan3A_545 : i32
          %scan3A_547 = arith.constant 1 : i32
          %scan3A_548 = scf.for %scan3A_572 = %scan3A_544 to %scan3A_546 step %scan3A_547 iter_args(%scan3A_573 = %scan3A_543) -> (i32)  : i32 {
            %mul3A_574 = arith.constant 2 : i32
            %mul3A_575 = arith.muli %scan3A_572, %mul3A_574 : i32
            %broadcast_in_dim3A_576 = vector.broadcast %mul3A_575 : i32 to vector<16xi32>
            %gather3A_577 = tpu.vector_load_idx %arg14[%broadcast_in_dim3A_576] : memref<32xf32, #tpu.memory_space<vmem>>[vector<16xi32>], vector<16xf32>,
            %add3A_578 = arith.constant 1 : i32
            %add3A_579 = arith.addi %mul3A_575, %add3A_578 : i32
            %broadcast_in_dim3A_580 = vector.broadcast %add3A_579 : i32 to vector<16xi32>
            %gather3A_581 = tpu.vector_load_idx %arg14[%broadcast_in_dim3A_580] : memref<32xf32, #tpu.memory_space<vmem>>[vector<16xi32>], vector<16xf32>,
            %get3A_582 = arith.index_cast %mul3A_575 : i32 to index
            %get3A_583 = arith.constant 0 : index
            %get3A_584 = tpu.vector_load %arg17[%get3A_582, %get3A_583] {strides = array<i32>} : memref<32x128xf32, #tpu.memory_space<vmem>>, vector<16xf32>,
            %mul3A_585 = arith.mulf %get3A_584, %gather3A_577 : vector<16xf32>
            %swap3A_586 = arith.index_cast %mul3A_575 : i32 to index
            %swap3A_587 = arith.constant 0 : index
            %swap3A_588 = tpu.vector_load %arg17[%swap3A_586, %swap3A_587] {strides = array<i32>} : memref<32x128xf32, #tpu.memory_space<vmem>>, vector<16xf32>,
            tpu.vector_store %arg17[%swap3A_586, %swap3A_587], %mul3A_585 {strides = array<i32>} : memref<32x128xf32, #tpu.memory_space<vmem>>, vector<16xf32>,
            %get3A_589 = arith.index_cast %mul3A_575 : i32 to index
            %get3A_590 = arith.constant 16 : index
            %get3A_591 = tpu.vector_load %arg17[%get3A_589, %get3A_590] {strides = array<i32>} : memref<32x128xf32, #tpu.memory_space<vmem>>, vector<16xf32>,
            %mul3A_592 = arith.mulf %get3A_591, %gather3A_577 : vector<16xf32>
            %swap3A_593 = arith.index_cast %mul3A_575 : i32 to index
            %swap3A_594 = arith.constant 16 : index
            %swap3A_595 = tpu.vector_load %arg17[%swap3A_593, %swap3A_594] {strides = array<i32>} : memref<32x128xf32, #tpu.memory_space<vmem>>, vector<16xf32>,
            tpu.vector_store %arg17[%swap3A_593, %swap3A_594], %mul3A_592 {strides = array<i32>} : memref<32x128xf32, #tpu.memory_space<vmem>>, vector<16xf32>,
            %get3A_596 = arith.index_cast %mul3A_575 : i32 to index
            %get3A_597 = arith.constant 32 : index
            %get3A_598 = tpu.vector_load %arg17[%get3A_596, %get3A_597] {strides = array<i32>} : memref<32x128xf32, #tpu.memory_space<vmem>>, vector<16xf32>,
            %mul3A_599 = arith.mulf %get3A_598, %gather3A_577 : vector<16xf32>
            %swap3A_600 = arith.index_cast %mul3A_575 : i32 to index
            %swap3A_601 = arith.constant 32 : index
            %swap3A_602 = tpu.vector_load %arg17[%swap3A_600, %swap3A_601] {strides = array<i32>} : memref<32x128xf32, #tpu.memory_space<vmem>>, vector<16xf32>,
            tpu.vector_store %arg17[%swap3A_600, %swap3A_601], %mul3A_599 {strides = array<i32>} : memref<32x128xf32, #tpu.memory_space<vmem>>, vector<16xf32>,
            %get3A_603 = arith.index_cast %mul3A_575 : i32 to index
            %get3A_604 = arith.constant 48 : index
            %get3A_605 = tpu.vector_load %arg17[%get3A_603, %get3A_604] {strides = array<i32>} : memref<32x128xf32, #tpu.memory_space<vmem>>, vector<16xf32>,
            %mul3A_606 = arith.mulf %get3A_605, %gather3A_577 : vector<16xf32>
            %swap3A_607 = arith.index_cast %mul3A_575 : i32 to index
            %swap3A_608 = arith.constant 48 : index
            %swap3A_609 = tpu.vector_load %arg17[%swap3A_607, %swap3A_608] {strides = array<i32>} : memref<32x128xf32, #tpu.memory_space<vmem>>, vector<16xf32>,
            tpu.vector_store %arg17[%swap3A_607, %swap3A_608], %mul3A_606 {strides = array<i32>} : memref<32x128xf32, #tpu.memory_space<vmem>>, vector<16xf32>,
            %get3A_610 = arith.index_cast %mul3A_575 : i32 to index
            %get3A_611 = arith.constant 64 : index
            %get3A_612 = tpu.vector_load %arg17[%get3A_610, %get3A_611] {strides = array<i32>} : memref<32x128xf32, #tpu.memory_space<vmem>>, vector<16xf32>,
            %mul3A_613 = arith.mulf %get3A_612, %gather3A_577 : vector<16xf32>
            %swap3A_614 = arith.index_cast %mul3A_575 : i32 to index
            %swap3A_615 = arith.constant 64 : index
            %swap3A_616 = tpu.vector_load %arg17[%swap3A_614, %swap3A_615] {strides = array<i32>} : memref<32x128xf32, #tpu.memory_space<vmem>>, vector<16xf32>,
            tpu.vector_store %arg17[%swap3A_614, %swap3A_615], %mul3A_613 {strides = array<i32>} : memref<32x128xf32, #tpu.memory_space<vmem>>, vector<16xf32>,
            %get3A_617 = arith.index_cast %mul3A_575 : i32 to index
            %get3A_618 = arith.constant 80 : index
            %get3A_619 = tpu.vector_load %arg17[%get3A_617, %get3A_618] {strides = array<i32>} : memref<32x128xf32, #tpu.memory_space<vmem>>, vector<16xf32>,
            %mul3A_620 = arith.mulf %get3A_619, %gather3A_577 : vector<16xf32>
            %swap3A_621 = arith.index_cast %mul3A_575 : i32 to index
            %swap3A_622 = arith.constant 80 : index
            %swap3A_623 = tpu.vector_load %arg17[%swap3A_621, %swap3A_622] {strides = array<i32>} : memref<32x128xf32, #tpu.memory_space<vmem>>, vector<16xf32>,
            tpu.vector_store %arg17[%swap3A_621, %swap3A_622], %mul3A_620 {strides = array<i32>} : memref<32x128xf32, #tpu.memory_space<vmem>>, vector<16xf32>,
            %get3A_624 = arith.index_cast %mul3A_575 : i32 to index
            %get3A_625 = arith.constant 96 : index
            %get3A_626 = tpu.vector_load %arg17[%get3A_624, %get3A_625] {strides = array<i32>} : memref<32x128xf32, #tpu.memory_space<vmem>>, vector<16xf32>,
            %mul3A_627 = arith.mulf %get3A_626, %gather3A_577 : vector<16xf32>
            %swap3A_628 = arith.index_cast %mul3A_575 : i32 to index
            %swap3A_629 = arith.constant 96 : index
            %swap3A_630 = tpu.vector_load %arg17[%swap3A_628, %swap3A_629] {strides = array<i32>} : memref<32x128xf32, #tpu.memory_space<vmem>>, vector<16xf32>,
            tpu.vector_store %arg17[%swap3A_628, %swap3A_629], %mul3A_627 {strides = array<i32>} : memref<32x128xf32, #tpu.memory_space<vmem>>, vector<16xf32>,
            %get3A_631 = arith.index_cast %mul3A_575 : i32 to index
            %get3A_632 = arith.constant 112 : index
            %get3A_633 = tpu.vector_load %arg17[%get3A_631, %get3A_632] {strides = array<i32>} : memref<32x128xf32, #tpu.memory_space<vmem>>, vector<16xf32>,
            %mul3A_634 = arith.mulf %get3A_633, %gather3A_577 : vector<16xf32>
            %swap3A_635 = arith.index_cast %mul3A_575 : i32 to index
            %swap3A_636 = arith.constant 112 : index
            %swap3A_637 = tpu.vector_load %arg17[%swap3A_635, %swap3A_636] {strides = array<i32>} : memref<32x128xf32, #tpu.memory_space<vmem>>, vector<16xf32>,
            tpu.vector_store %arg17[%swap3A_635, %swap3A_636], %mul3A_634 {strides = array<i32>} : memref<32x128xf32, #tpu.memory_space<vmem>>, vector<16xf32>,
            %add3A_638 = arith.constant 1 : i32
            %add3A_639 = arith.addi %mul3A_575, %add3A_638 : i32
            %get3A_640 = arith.index_cast %add3A_639 : i32 to index
            %get3A_641 = arith.constant 0 : index
            %get3A_642 = tpu.vector_load %arg17[%get3A_640, %get3A_641] {strides = array<i32>} : memref<32x128xf32, #tpu.memory_space<vmem>>, vector<16xf32>,
            %mul3A_643 = arith.mulf %get3A_642, %gather3A_581 : vector<16xf32>
            %add3A_644 = arith.constant 1 : i32
            %add3A_645 = arith.addi %mul3A_575, %add3A_644 : i32
            %swap3A_646 = arith.index_cast %add3A_645 : i32 to index
            %swap3A_647 = arith.constant 0 : index
            %swap3A_648 = tpu.vector_load %arg17[%swap3A_646, %swap3A_647] {strides = array<i32>} : memref<32x128xf32, #tpu.memory_space<vmem>>, vector<16xf32>,
            tpu.vector_store %arg17[%swap3A_646, %swap3A_647], %mul3A_643 {strides = array<i32>} : memref<32x128xf32, #tpu.memory_space<vmem>>, vector<16xf32>,
            %add3A_649 = arith.constant 1 : i32
            %add3A_650 = arith.addi %mul3A_575, %add3A_649 : i32
            %get3A_651 = arith.index_cast %add3A_650 : i32 to index
            %get3A_652 = arith.constant 16 : index
            %get3A_653 = tpu.vector_load %arg17[%get3A_651, %get3A_652] {strides = array<i32>} : memref<32x128xf32, #tpu.memory_space<vmem>>, vector<16xf32>,
            %mul3A_654 = arith.mulf %get3A_653, %gather3A_581 : vector<16xf32>
            %add3A_655 = arith.constant 1 : i32
            %add3A_656 = arith.addi %mul3A_575, %add3A_655 : i32
            %swap3A_657 = arith.index_cast %add3A_656 : i32 to index
            %swap3A_658 = arith.constant 16 : index
            %swap3A_659 = tpu.vector_load %arg17[%swap3A_657, %swap3A_658] {strides = array<i32>} : memref<32x128xf32, #tpu.memory_space<vmem>>, vector<16xf32>,
            tpu.vector_store %arg17[%swap3A_657, %swap3A_658], %mul3A_654 {strides = array<i32>} : memref<32x128xf32, #tpu.memory_space<vmem>>, vector<16xf32>,
            %add3A_660 = arith.constant 1 : i32
            %add3A_661 = arith.addi %mul3A_575, %add3A_660 : i32
            %get3A_662 = arith.index_cast %add3A_661 : i32 to index
            %get3A_663 = arith.constant 32 : index
            %get3A_664 = tpu.vector_load %arg17[%get3A_662, %get3A_663] {strides = array<i32>} : memref<32x128xf32, #tpu.memory_space<vmem>>, vector<16xf32>,
            %mul3A_665 = arith.mulf %get3A_664, %gather3A_581 : vector<16xf32>
            %add3A_666 = arith.constant 1 : i32
            %add3A_667 = arith.addi %mul3A_575, %add3A_666 : i32
            %swap3A_668 = arith.index_cast %add3A_667 : i32 to index
            %swap3A_669 = arith.constant 32 : index
            %swap3A_670 = tpu.vector_load %arg17[%swap3A_668, %swap3A_669] {strides = array<i32>} : memref<32x128xf32, #tpu.memory_space<vmem>>, vector<16xf32>,
            tpu.vector_store %arg17[%swap3A_668, %swap3A_669], %mul3A_665 {strides = array<i32>} : memref<32x128xf32, #tpu.memory_space<vmem>>, vector<16xf32>,
            %add3A_671 = arith.constant 1 : i32
            %add3A_672 = arith.addi %mul3A_575, %add3A_671 : i32
            %get3A_673 = arith.index_cast %add3A_672 : i32 to index
            %get3A_674 = arith.constant 48 : index
            %get3A_675 = tpu.vector_load %arg17[%get3A_673, %get3A_674] {strides = array<i32>} : memref<32x128xf32, #tpu.memory_space<vmem>>, vector<16xf32>,
            %mul3A_676 = arith.mulf %get3A_675, %gather3A_581 : vector<16xf32>
            %add3A_677 = arith.constant 1 : i32
            %add3A_678 = arith.addi %mul3A_575, %add3A_677 : i32
            %swap3A_679 = arith.index_cast %add3A_678 : i32 to index
            %swap3A_680 = arith.constant 48 : index
            %swap3A_681 = tpu.vector_load %arg17[%swap3A_679, %swap3A_680] {strides = array<i32>} : memref<32x128xf32, #tpu.memory_space<vmem>>, vector<16xf32>,
            tpu.vector_store %arg17[%swap3A_679, %swap3A_680], %mul3A_676 {strides = array<i32>} : memref<32x128xf32, #tpu.memory_space<vmem>>, vector<16xf32>,
            %add3A_682 = arith.constant 1 : i32
            %add3A_683 = arith.addi %mul3A_575, %add3A_682 : i32
            %get3A_684 = arith.index_cast %add3A_683 : i32 to index
            %get3A_685 = arith.constant 64 : index
            %get3A_686 = tpu.vector_load %arg17[%get3A_684, %get3A_685] {strides = array<i32>} : memref<32x128xf32, #tpu.memory_space<vmem>>, vector<16xf32>,
            %mul3A_687 = arith.mulf %get3A_686, %gather3A_581 : vector<16xf32>
            %add3A_688 = arith.constant 1 : i32
            %add3A_689 = arith.addi %mul3A_575, %add3A_688 : i32
            %swap3A_690 = arith.index_cast %add3A_689 : i32 to index
            %swap3A_691 = arith.constant 64 : index
            %swap3A_692 = tpu.vector_load %arg17[%swap3A_690, %swap3A_691] {strides = array<i32>} : memref<32x128xf32, #tpu.memory_space<vmem>>, vector<16xf32>,
            tpu.vector_store %arg17[%swap3A_690, %swap3A_691], %mul3A_687 {strides = array<i32>} : memref<32x128xf32, #tpu.memory_space<vmem>>, vector<16xf32>,
            %add3A_693 = arith.constant 1 : i32
            %add3A_694 = arith.addi %mul3A_575, %add3A_693 : i32
            %get3A_695 = arith.index_cast %add3A_694 : i32 to index
            %get3A_696 = arith.constant 80 : index
            %get3A_697 = tpu.vector_load %arg17[%get3A_695, %get3A_696] {strides = array<i32>} : memref<32x128xf32, #tpu.memory_space<vmem>>, vector<16xf32>,
            %mul3A_698 = arith.mulf %get3A_697, %gather3A_581 : vector<16xf32>
            %add3A_699 = arith.constant 1 : i32
            %add3A_700 = arith.addi %mul3A_575, %add3A_699 : i32
            %swap3A_701 = arith.index_cast %add3A_700 : i32 to index
            %swap3A_702 = arith.constant 80 : index
            %swap3A_703 = tpu.vector_load %arg17[%swap3A_701, %swap3A_702] {strides = array<i32>} : memref<32x128xf32, #tpu.memory_space<vmem>>, vector<16xf32>,
            tpu.vector_store %arg17[%swap3A_701, %swap3A_702], %mul3A_698 {strides = array<i32>} : memref<32x128xf32, #tpu.memory_space<vmem>>, vector<16xf32>,
            %add3A_704 = arith.constant 1 : i32
            %add3A_705 = arith.addi %mul3A_575, %add3A_704 : i32
            %get3A_706 = arith.index_cast %add3A_705 : i32 to index
            %get3A_707 = arith.constant 96 : index
            %get3A_708 = tpu.vector_load %arg17[%get3A_706, %get3A_707] {strides = array<i32>} : memref<32x128xf32, #tpu.memory_space<vmem>>, vector<16xf32>,
            %mul3A_709 = arith.mulf %get3A_708, %gather3A_581 : vector<16xf32>
            %add3A_710 = arith.constant 1 : i32
            %add3A_711 = arith.addi %mul3A_575, %add3A_710 : i32
            %swap3A_712 = arith.index_cast %add3A_711 : i32 to index
            %swap3A_713 = arith.constant 96 : index
            %swap3A_714 = tpu.vector_load %arg17[%swap3A_712, %swap3A_713] {strides = array<i32>} : memref<32x128xf32, #tpu.memory_space<vmem>>, vector<16xf32>,
            tpu.vector_store %arg17[%swap3A_712, %swap3A_713], %mul3A_709 {strides = array<i32>} : memref<32x128xf32, #tpu.memory_space<vmem>>, vector<16xf32>,
            %add3A_715 = arith.constant 1 : i32
            %add3A_716 = arith.addi %mul3A_575, %add3A_715 : i32
            %get3A_717 = arith.index_cast %add3A_716 : i32 to index
            %get3A_718 = arith.constant 112 : index
            %get3A_719 = tpu.vector_load %arg17[%get3A_717, %get3A_718] {strides = array<i32>} : memref<32x128xf32, #tpu.memory_space<vmem>>, vector<16xf32>,
            %mul3A_720 = arith.mulf %get3A_719, %gather3A_581 : vector<16xf32>
            %add3A_721 = arith.constant 1 : i32
            %add3A_722 = arith.addi %mul3A_575, %add3A_721 : i32
            %swap3A_723 = arith.index_cast %add3A_722 : i32 to index
            %swap3A_724 = arith.constant 112 : index
            %swap3A_725 = tpu.vector_load %arg17[%swap3A_723, %swap3A_724] {strides = array<i32>} : memref<32x128xf32, #tpu.memory_space<vmem>>, vector<16xf32>,
            tpu.vector_store %arg17[%swap3A_723, %swap3A_724], %mul3A_720 {strides = array<i32>} : memref<32x128xf32, #tpu.memory_space<vmem>>, vector<16xf32>,
            %scan3A_726 = arith.constant 0 : i32
            scf.yield %scan3A_726 : i32
          }
          %scan3A_549 = arith.constant 16 : i32
          %dma_start3A_550 = tpu.memref_slice %arg12[%select_n3A_380, %mul3A_413] : memref<2x1024xi32, #tpu.memory_space<vmem>> -> memref<1x32xi32, #tpu.memory_space<vmem>>
          %dma_start3A_551 = tpu.memref_squeeze %dma_start3A_550 : memref<1x32xi32, #tpu.memory_space<vmem>> -> memref<32xi32, #tpu.memory_space<vmem>>
          %dma_start3A_552 = arith.constant 0 : i32
          %dma_start3A_553 = arith.constant 0 : i32
          %dma_start3A_554 = tpu.memref_slice %arg25[%dma_start3A_552, %dma_start3A_553] : memref<10240x128xf32, #tpu.memory_space<vmem_shared>> -> memref<10240x128xf32, #tpu.memory_space<vmem_shared>>
          tpu.enqueue_indirect_dma source(%arg17 : memref<32x128xf32, #tpu.memory_space<vmem>>) target(%dma_start3A_554 : memref<10240x128xf32, #tpu.memory_space<vmem_shared>>) offsets(%dma_start3A_551 : memref<32xi32, #tpu.memory_space<vmem>>) semaphore(%arg23 : memref<!tpu.dma_semaphore, #tpu.memory_space<semaphore_mem>>) {add = true}
          %ge3A_555 = arith.constant 1 : i32
          %ge3A_556 = arith.cmpi sge, %scan3A_410, %ge3A_555 : i32
          %add3A_557 = arith.constant 2 : i32
          %add3A_558 = arith.addi %scan3A_410, %add3A_557 : i32
          %lt3A_559 = arith.constant 32 : i32
          %lt3A_560 = arith.cmpi slt, %add3A_558, %lt3A_559 : i32
          %and3A_561 = arith.andi %ge3A_556, %lt3A_560 : i1
          %convert_element_type3A_562 = arith.extui %and3A_561 : i1 to i32
          %cond3A_563 = arith.constant 0 : i32
          %cond3A_564 = arith.cmpi ne, %convert_element_type3A_562, %cond3A_563 : i32
          scf.if %cond3A_564 {
            %dma_wait3A_572 = tpu.memref_slice %arg12[%select_n3A_380, %mul3A_413] : memref<2x1024xi32, #tpu.memory_space<vmem>> -> memref<1x32xi32, #tpu.memory_space<vmem>>
            %dma_wait3A_573 = tpu.memref_squeeze %dma_wait3A_572 : memref<1x32xi32, #tpu.memory_space<vmem>> -> memref<32xi32, #tpu.memory_space<vmem>>
            %dma_wait3A_574 = arith.constant 0 : i32
            %dma_wait3A_575 = arith.constant 0 : i32
            %dma_wait3A_576 = tpu.memref_slice %arg25[%dma_wait3A_574, %dma_wait3A_575] : memref<10240x128xf32, #tpu.memory_space<vmem_shared>> -> memref<10240x128xf32, #tpu.memory_space<vmem_shared>>
            tpu.wait_indirect_dma semaphore(%arg22 : memref<!tpu.dma_semaphore, #tpu.memory_space<semaphore_mem>>) src(%arg16 : memref<32x128xf32, #tpu.memory_space<vmem>>) dst(%dma_wait3A_576 : memref<10240x128xf32, #tpu.memory_space<vmem_shared>>)
          } else {
          }
          %add3A_565 = arith.constant 2 : i32
          %add3A_566 = arith.addi %scan3A_410, %add3A_565 : i32
          %lt3A_567 = arith.constant 32 : i32
          %lt3A_568 = arith.cmpi slt, %add3A_566, %lt3A_567 : i32
          %convert_element_type3A_569 = arith.extui %lt3A_568 : i1 to i32
          %cond3A_570 = arith.constant 0 : i32
          %cond3A_571 = arith.cmpi ne, %convert_element_type3A_569, %cond3A_570 : i32
          scf.if %cond3A_571 {
            %add3A_572 = arith.constant 2 : i32
            %add3A_573 = arith.addi %scan3A_410, %add3A_572 : i32
            %mul3A_574 = arith.constant 32 : i32
            %mul3A_575 = arith.muli %add3A_573, %mul3A_574 : i32
            %dma_start3A_576 = tpu.memref_slice %arg13[%select_n3A_380, %mul3A_575] : memref<2x1024xi32, #tpu.memory_space<vmem>> -> memref<1x32xi32, #tpu.memory_space<vmem>>
            %dma_start3A_577 = tpu.memref_squeeze %dma_start3A_576 : memref<1x32xi32, #tpu.memory_space<vmem>> -> memref<32xi32, #tpu.memory_space<vmem>>
            %dma_start3A_578 = arith.constant 0 : i32
            %dma_start3A_579 = arith.constant 0 : i32
            %dma_start3A_580 = tpu.memref_slice %arg6[%dma_start3A_578, %dma_start3A_579] : memref<10000x128xf32, #tpu.memory_space<hbm>> -> memref<10000x128xf32, #tpu.memory_space<hbm>>
            tpu.enqueue_indirect_dma source(%dma_start3A_580 : memref<10000x128xf32, #tpu.memory_space<hbm>>) target(%arg16 : memref<32x128xf32, #tpu.memory_space<vmem>>) offsets(%dma_start3A_577 : memref<32xi32, #tpu.memory_space<vmem>>) semaphore(%arg19 : memref<!tpu.dma_semaphore, #tpu.memory_space<semaphore_mem>>)
          } else {
          }
        } else {
        }
        %scan3A_537 = arith.constant 0 : i32
        scf.yield %scan3A_537 : i32
      }
      %scan3A_408 = arith.constant 32 : i32
      %scan3A_409 = arith.constant 0 : i32
      scf.yield %scan3A_409 : i32
    }
    %scan3A_321 = arith.constant 10 : i32
    %dma_wait3A_322 = arith.constant 1 : i32
    %dma_wait3A_323 = arith.constant 0 : i32
    %dma_wait3A_324 = tpu.memref_slice %arg12[%dma_wait3A_322, %dma_wait3A_323] : memref<2x1024xi32, #tpu.memory_space<vmem>> -> memref<1x32xi32, #tpu.memory_space<vmem>>
    %dma_wait3A_325 = tpu.memref_squeeze %dma_wait3A_324 : memref<1x32xi32, #tpu.memory_space<vmem>> -> memref<32xi32, #tpu.memory_space<vmem>>
    %dma_wait3A_326 = arith.constant 0 : i32
    %dma_wait3A_327 = arith.constant 0 : i32
    %dma_wait3A_328 = tpu.memref_slice %arg25[%dma_wait3A_326, %dma_wait3A_327] : memref<10240x128xf32, #tpu.memory_space<vmem_shared>> -> memref<10240x128xf32, #tpu.memory_space<vmem_shared>>
    tpu.wait_indirect_dma semaphore(%arg21 : memref<!tpu.dma_semaphore, #tpu.memory_space<semaphore_mem>>) src(%arg15 : memref<32x128xf32, #tpu.memory_space<vmem>>) dst(%dma_wait3A_328 : memref<10240x128xf32, #tpu.memory_space<vmem_shared>>)
    %dma_wait3A_329 = arith.constant 1 : i32
    %dma_wait3A_330 = arith.constant 0 : i32
    %dma_wait3A_331 = tpu.memref_slice %arg12[%dma_wait3A_329, %dma_wait3A_330] : memref<2x1024xi32, #tpu.memory_space<vmem>> -> memref<1x32xi32, #tpu.memory_space<vmem>>
    %dma_wait3A_332 = tpu.memref_squeeze %dma_wait3A_331 : memref<1x32xi32, #tpu.memory_space<vmem>> -> memref<32xi32, #tpu.memory_space<vmem>>
    %dma_wait3A_333 = arith.constant 0 : i32
    %dma_wait3A_334 = arith.constant 0 : i32
    %dma_wait3A_335 = tpu.memref_slice %arg25[%dma_wait3A_333, %dma_wait3A_334] : memref<10240x128xf32, #tpu.memory_space<vmem_shared>> -> memref<10240x128xf32, #tpu.memory_space<vmem_shared>>
    tpu.wait_indirect_dma semaphore(%arg22 : memref<!tpu.dma_semaphore, #tpu.memory_space<semaphore_mem>>) src(%arg16 : memref<32x128xf32, #tpu.memory_space<vmem>>) dst(%dma_wait3A_335 : memref<10240x128xf32, #tpu.memory_space<vmem_shared>>)
    %dma_wait3A_336 = arith.constant 1 : i32
    %dma_wait3A_337 = arith.constant 0 : i32
    %dma_wait3A_338 = tpu.memref_slice %arg12[%dma_wait3A_336, %dma_wait3A_337] : memref<2x1024xi32, #tpu.memory_space<vmem>> -> memref<1x32xi32, #tpu.memory_space<vmem>>
    %dma_wait3A_339 = tpu.memref_squeeze %dma_wait3A_338 : memref<1x32xi32, #tpu.memory_space<vmem>> -> memref<32xi32, #tpu.memory_space<vmem>>
    %dma_wait3A_340 = arith.constant 0 : i32
    %dma_wait3A_341 = arith.constant 0 : i32
    %dma_wait3A_342 = tpu.memref_slice %arg25[%dma_wait3A_340, %dma_wait3A_341] : memref<10240x128xf32, #tpu.memory_space<vmem_shared>> -> memref<10240x128xf32, #tpu.memory_space<vmem_shared>>
    tpu.wait_indirect_dma semaphore(%arg23 : memref<!tpu.dma_semaphore, #tpu.memory_space<semaphore_mem>>) src(%arg17 : memref<32x128xf32, #tpu.memory_space<vmem>>) dst(%dma_wait3A_342 : memref<10240x128xf32, #tpu.memory_space<vmem_shared>>)
    %barrier3A_343 = arith.constant 0 : index
    tpu.barrier barrier_id(%barrier3A_343)
    %mul3A_344 = arith.constant 640 : i32
    %mul3A_345 = arith.muli %arg1, %mul3A_344 : i32
    %mul3A_346 = arith.constant 640 : i32
    %mul3A_347 = arith.muli %arg1, %mul3A_346 : i32
    "tpu.region"() ({
      %run_scoped3A = tpu.sem_alloc : memref<!tpu.dma_semaphore, #tpu.memory_space<semaphore_mem>>
      %dma_start3A_348 = arith.constant 0 : i32
      %dma_start3A_349 = tpu.memref_slice %arg7[%arg0, %mul3A_347, %dma_start3A_348] : memref<2x10240x128xf32, #tpu.memory_space<hbm>> -> memref<1x640x128xf32, #tpu.memory_space<hbm>>
      %dma_start3A_350 = tpu.memref_squeeze %dma_start3A_349 : memref<1x640x128xf32, #tpu.memory_space<hbm>> -> memref<640x128xf32, #tpu.memory_space<hbm>>
      %dma_start3A_351 = arith.constant 0 : i32
      %dma_start3A_352 = tpu.memref_slice %arg25[%mul3A_345, %dma_start3A_351] : memref<10240x128xf32, #tpu.memory_space<vmem_shared>> -> memref<640x128xf32, #tpu.memory_space<vmem_shared>>
      tpu.enqueue_dma source(%dma_start3A_352 : memref<640x128xf32, #tpu.memory_space<vmem_shared>>) target(%dma_start3A_350 : memref<640x128xf32, #tpu.memory_space<hbm>>) target_semaphore(%run_scoped3A : memref<!tpu.dma_semaphore, #tpu.memory_space<semaphore_mem>>)
      %dma_wait3A_353 = arith.constant 0 : i32
      %dma_wait3A_354 = tpu.memref_slice %arg7[%arg0, %mul3A_347, %dma_wait3A_353] : memref<2x10240x128xf32, #tpu.memory_space<hbm>> -> memref<1x640x128xf32, #tpu.memory_space<hbm>>
      %dma_wait3A_355 = tpu.memref_squeeze %dma_wait3A_354 : memref<1x640x128xf32, #tpu.memory_space<hbm>> -> memref<640x128xf32, #tpu.memory_space<hbm>>
      %dma_wait3A_356 = arith.constant 0 : i32
      %dma_wait3A_357 = tpu.memref_slice %arg25[%mul3A_345, %dma_wait3A_356] : memref<10240x128xf32, #tpu.memory_space<vmem_shared>> -> memref<640x128xf32, #tpu.memory_space<vmem_shared>>
      tpu.wait_dma2 semaphore(%run_scoped3A : memref<!tpu.dma_semaphore, #tpu.memory_space<semaphore_mem>>) src(%dma_wait3A_357 : memref<640x128xf32, #tpu.memory_space<vmem_shared>>) dst(%dma_wait3A_355 : memref<640x128xf32, #tpu.memory_space<hbm>>)
      tpu.yield
    }) : () -> ()
    "tpu.region"() ({
      %run_scoped3A = tpu.sem_alloc : memref<!tpu.dma_semaphore, #tpu.memory_space<semaphore_mem>>
      %dma_start3A_348 = arith.constant 0 : i32
      %dma_start3A_349 = arith.constant 0 : i32
      %dma_start3A_350 = tpu.memref_slice %arg8[%arg0, %arg1, %dma_start3A_348, %dma_start3A_349] : memref<2x16x80x128xf32, #tpu.memory_space<hbm>> -> memref<1x1x80x128xf32, #tpu.memory_space<hbm>>
      %dma_start3A_351 = tpu.memref_squeeze %dma_start3A_350 : memref<1x1x80x128xf32, #tpu.memory_space<hbm>> -> memref<80x128xf32, #tpu.memory_space<hbm>>
      %dma_start3A_352 = arith.constant 0 : i32
      %dma_start3A_353 = arith.constant 0 : i32
      %dma_start3A_354 = tpu.memref_slice %arg8[%arg0, %arg1, %dma_start3A_352, %dma_start3A_353] : memref<2x16x80x128xf32, #tpu.memory_space<hbm>> -> memref<1x1x80x128xf32, #tpu.memory_space<hbm>>
      %dma_start3A_355 = tpu.memref_squeeze %dma_start3A_354 : memref<1x1x80x128xf32, #tpu.memory_space<hbm>> -> memref<80x128xf32, #tpu.memory_space<hbm>>
      tpu.enqueue_dma source(%arg11 : memref<80x128xf32, #tpu.memory_space<vmem>>) target(%dma_start3A_355 : memref<80x128xf32, #tpu.memory_space<hbm>>) target_semaphore(%run_scoped3A : memref<!tpu.dma_semaphore, #tpu.memory_space<semaphore_mem>>)
      %dma_wait3A_356 = arith.constant 0 : i32
      %dma_wait3A_357 = arith.constant 0 : i32
      %dma_wait3A_358 = tpu.memref_slice %arg8[%arg0, %arg1, %dma_wait3A_356, %dma_wait3A_357] : memref<2x16x80x128xf32, #tpu.memory_space<hbm>> -> memref<1x1x80x128xf32, #tpu.memory_space<hbm>>
      %dma_wait3A_359 = tpu.memref_squeeze %dma_wait3A_358 : memref<1x1x80x128xf32, #tpu.memory_space<hbm>> -> memref<80x128xf32, #tpu.memory_space<hbm>>
      %dma_wait3A_360 = arith.constant 0 : i32
      %dma_wait3A_361 = arith.constant 0 : i32
      %dma_wait3A_362 = tpu.memref_slice %arg8[%arg0, %arg1, %dma_wait3A_360, %dma_wait3A_361] : memref<2x16x80x128xf32, #tpu.memory_space<hbm>> -> memref<1x1x80x128xf32, #tpu.memory_space<hbm>>
      %dma_wait3A_363 = tpu.memref_squeeze %dma_wait3A_362 : memref<1x1x80x128xf32, #tpu.memory_space<hbm>> -> memref<80x128xf32, #tpu.memory_space<hbm>>
      tpu.wait_dma2 semaphore(%run_scoped3A : memref<!tpu.dma_semaphore, #tpu.memory_space<semaphore_mem>>) src(%arg11 : memref<80x128xf32, #tpu.memory_space<vmem>>) dst(%dma_wait3A_363 : memref<80x128xf32, #tpu.memory_space<hbm>>)
      tpu.yield
    }) : () -> ()
    return
  }
}

module attributes {stable_mosaic.version = 14 : i64} {
  func.func @_tc_pre_body(%arg0: i32, %arg1: memref<1000x128xf32, #tpu.memory_space<vmem>>, %arg2: memref<128x128xf32, #tpu.memory_space<vmem>>, %arg3: memref<128x2xf32, #tpu.memory_space<vmem>>, %arg4: memref<1x2xf32, #tpu.memory_space<vmem>>, %arg5: memref<128x128xf32, #tpu.memory_space<vmem>>, %arg6: memref<1000x128xf32, #tpu.memory_space<vmem>>, %arg7: memref<1000x2xf32, #tpu.memory_space<vmem>>) attributes {dimension_semantics = [#tpu.dimension_semantics<arbitrary>], iteration_bounds = array<i64: 10>, scalar_prefetch = 0 : i64, scratch_operands = 0 : i64, tpu.core_type = #tpu.core_type<tc>, window_params = [{transform_indices = @transform_0, window_bounds = array<i64: 1000, 128>}, {pipeline_mode = #tpu.pipeline_mode<synchronous>, transform_indices = @transform_1, window_bounds = array<i64: 128, 128>}, {pipeline_mode = #tpu.pipeline_mode<synchronous>, transform_indices = @transform_2, window_bounds = array<i64: 128, 2>}, {pipeline_mode = #tpu.pipeline_mode<synchronous>, transform_indices = @transform_3, window_bounds = array<i64: 1, 2>}, {pipeline_mode = #tpu.pipeline_mode<synchronous>, transform_indices = @transform_4, window_bounds = array<i64: 128, 128>}, {transform_indices = @transform_5, window_bounds = array<i64: 1000, 128>}, {transform_indices = @transform_6, window_bounds = array<i64: 1000, 2>}]} {
    %get3A = arith.constant 0 : index
    %get3A_0 = arith.constant 0 : index
    %get3A_1 = vector.load %arg1[%get3A, %get3A_0] : memref<1000x128xf32, #tpu.memory_space<vmem>>, vector<1000x128xf32>
    %get3A_2 = arith.constant 0 : index
    %get3A_3 = arith.constant 0 : index
    %get3A_4 = vector.load %arg5[%get3A_2, %get3A_3] : memref<128x128xf32, #tpu.memory_space<vmem>>, vector<128x128xf32>
    %dot_general3A = arith.constant dense<0.000000e+00> : vector<1000x128xf32>
    %dot_general3A_5 = tpu.matmul %get3A_1, %get3A_4, %dot_general3A {dimension_numbers = #tpu.dot_dimension_numbers<[1], [0], [0], [1], [0, 0, 1, 1], [], []>, transpose_lhs_hint = false} : vector<1000x128xf32>, vector<128x128xf32>, vector<1000x128xf32> -> vector<1000x128xf32>
    %swap3A = arith.constant 0 : index
    %swap3A_6 = arith.constant 0 : index
    %swap3A_7 = vector.load %arg6[%swap3A, %swap3A_6] : memref<1000x128xf32, #tpu.memory_space<vmem>>, vector<1000x128xf32>
    tpu.vector_store %arg6[%swap3A, %swap3A_6], %dot_general3A_5 {strides = array<i32>} : memref<1000x128xf32, #tpu.memory_space<vmem>>, vector<1000x128xf32>,
    %get3A_8 = arith.constant 0 : index
    %get3A_9 = arith.constant 0 : index
    %get3A_10 = vector.load %arg2[%get3A_8, %get3A_9] : memref<128x128xf32, #tpu.memory_space<vmem>>, vector<128x128xf32>
    %get3A_11 = arith.constant 0 : index
    %get3A_12 = arith.constant 0 : index
    %get3A_13 = vector.load %arg3[%get3A_11, %get3A_12] : memref<128x2xf32, #tpu.memory_space<vmem>>, vector<128x2xf32>
    %dot_general3A_14 = arith.constant dense<0.000000e+00> : vector<128x2xf32>
    %dot_general3A_15 = tpu.matmul %get3A_10, %get3A_13, %dot_general3A_14 {dimension_numbers = #tpu.dot_dimension_numbers<[1], [0], [0], [1], [0, 0, 1, 1], [], []>, transpose_lhs_hint = false} : vector<128x128xf32>, vector<128x2xf32>, vector<128x2xf32> -> vector<128x2xf32>
    %dot_general3A_16 = arith.constant dense<0.000000e+00> : vector<1000x2xf32>
    %dot_general3A_17 = tpu.matmul %get3A_1, %dot_general3A_15, %dot_general3A_16 {dimension_numbers = #tpu.dot_dimension_numbers<[1], [0], [0], [1], [0, 0, 1, 1], [], []>, transpose_lhs_hint = false} : vector<1000x128xf32>, vector<128x2xf32>, vector<1000x2xf32> -> vector<1000x2xf32>
    %get3A_18 = arith.constant 0 : index
    %get3A_19 = arith.constant 0 : index
    %get3A_20 = vector.load %arg4[%get3A_18, %get3A_19] : memref<1x2xf32, #tpu.memory_space<vmem>>, vector<1x2xf32>
    %add3A = vector.broadcast %get3A_20 : vector<1x2xf32> to vector<1000x2xf32>
    %add3A_21 = arith.addf %dot_general3A_17, %add3A : vector<1000x2xf32>
    %swap3A_22 = arith.constant 0 : index
    %swap3A_23 = arith.constant 0 : index
    %swap3A_24 = vector.load %arg7[%swap3A_22, %swap3A_23] : memref<1000x2xf32, #tpu.memory_space<vmem>>, vector<1000x2xf32>
    tpu.vector_store %arg7[%swap3A_22, %swap3A_23], %add3A_21 {strides = array<i32>} : memref<1000x2xf32, #tpu.memory_space<vmem>>, vector<1000x2xf32>,
    return
  }
  func.func @transform_0(%arg0: i32) -> (i32, i32) {
    %c0_i32 = arith.constant 0 : i32
    %c0_i32_0 = arith.constant 0 : i32
    return %arg0, %c0_i32 : i32, i32
  }
  func.func @transform_1(%arg0: i32) -> (i32, i32) {
    %c0_i32 = arith.constant 0 : i32
    %c0_i32_0 = arith.constant 0 : i32
    %c0_i32_1 = arith.constant 0 : i32
    return %c0_i32, %c0_i32_0 : i32, i32
  }
  func.func @transform_2(%arg0: i32) -> (i32, i32) {
    %c0_i32 = arith.constant 0 : i32
    %c0_i32_0 = arith.constant 0 : i32
    %c0_i32_1 = arith.constant 0 : i32
    return %c0_i32, %c0_i32_0 : i32, i32
  }
  func.func @transform_3(%arg0: i32) -> (i32, i32) {
    %c0_i32 = arith.constant 0 : i32
    %c0_i32_0 = arith.constant 0 : i32
    %c0_i32_1 = arith.constant 0 : i32
    return %c0_i32, %c0_i32_0 : i32, i32
  }
  func.func @transform_4(%arg0: i32) -> (i32, i32) {
    %c0_i32 = arith.constant 0 : i32
    %c0_i32_0 = arith.constant 0 : i32
    %c0_i32_1 = arith.constant 0 : i32
    return %c0_i32, %c0_i32_0 : i32, i32
  }
  func.func @transform_5(%arg0: i32) -> (i32, i32) {
    %c0_i32 = arith.constant 0 : i32
    %c0_i32_0 = arith.constant 0 : i32
    return %arg0, %c0_i32 : i32, i32
  }
  func.func @transform_6(%arg0: i32) -> (i32, i32) {
    %c0_i32 = arith.constant 0 : i32
    %c0_i32_0 = arith.constant 0 : i32
    return %arg0, %c0_i32 : i32, i32
  }
}

module attributes {stable_mosaic.version = 14 : i64} {
  func.func @_tc_comb_body(%arg0: i32, %arg1: memref<2x1000x128xf32, #tpu.memory_space<vmem>>, %arg2: memref<1000x32xf32, #tpu.memory_space<vmem>>, %arg3: memref<1000x128xf32, #tpu.memory_space<vmem>>, %arg4: memref<1000x128xf32, #tpu.memory_space<vmem>>) attributes {dimension_semantics = [#tpu.dimension_semantics<arbitrary>], iteration_bounds = array<i64: 10>, scalar_prefetch = 0 : i64, scratch_operands = 0 : i64, tpu.core_type = #tpu.core_type<tc>, window_params = [{transform_indices = @transform_0, window_bounds = array<i64: 2, 1000, 128>}, {transform_indices = @transform_1, window_bounds = array<i64: 1000, 32>}, {transform_indices = @transform_2, window_bounds = array<i64: 1000, 128>}, {transform_indices = @transform_3, window_bounds = array<i64: 1000, 128>}]} {
    %get3A = arith.constant 0 : index
    %get3A_0 = arith.constant 0 : index
    %get3A_1 = vector.load %arg2[%get3A, %get3A_0] : memref<1000x32xf32, #tpu.memory_space<vmem>>, vector<1000x32xf32>
    %reduce_sum3A = arith.constant dense<0.000000e+00> : vector<1000xf32>
    %reduce_sum3A_2 = vector.multi_reduction <add>, %get3A_1, %reduce_sum3A [1] : vector<1000x32xf32> to vector<1000xf32>
    %broadcast_in_dim3A = vector.shape_cast %reduce_sum3A_2 : vector<1000xf32> to vector<1000x1xf32>
    %gt3A = arith.constant 0.000000e+00 : f32
    %gt3A_3 = vector.broadcast %gt3A : f32 to vector<1000x1xf32>
    %gt3A_4 = arith.cmpf ogt, %broadcast_in_dim3A, %gt3A_3 : vector<1000x1xf32>
    %jit3A = arith.constant 1.000000e+00 : f32
    %broadcast_in_dim3A_5 = vector.broadcast %jit3A : f32 to vector<1000x1xf32>
    %select_n3A = arith.select %gt3A_4, %broadcast_in_dim3A, %broadcast_in_dim3A_5 : vector<1000x1xi1>, vector<1000x1xf32>
    %get3A_6 = arith.constant 0 : index
    %get3A_7 = arith.constant 0 : index
    %get3A_8 = arith.constant 0 : index
    %get3A_9 = vector.load %arg1[%get3A_6, %get3A_7, %get3A_8] : memref<2x1000x128xf32, #tpu.memory_space<vmem>>, vector<1x1000x128xf32>
    %get3A_10 = vector.shape_cast %get3A_9 : vector<1x1000x128xf32> to vector<1000x128xf32>
    %get3A_11 = arith.constant 1 : index
    %get3A_12 = arith.constant 0 : index
    %get3A_13 = arith.constant 0 : index
    %get3A_14 = vector.load %arg1[%get3A_11, %get3A_12, %get3A_13] : memref<2x1000x128xf32, #tpu.memory_space<vmem>>, vector<1x1000x128xf32>
    %get3A_15 = vector.shape_cast %get3A_14 : vector<1x1000x128xf32> to vector<1000x128xf32>
    %add3A = arith.addf %get3A_10, %get3A_15 : vector<1000x128xf32>
    %div3A = arith.constant 1.000000e+00 : f32
    %div3A_16 = vector.broadcast %div3A : f32 to vector<1000x1xf32>
    %div3A_17 = arith.divf %div3A_16, %select_n3A : vector<1000x1xf32>
    %mul3A = vector.broadcast %div3A_17 : vector<1000x1xf32> to vector<1000x128xf32>
    %mul3A_18 = arith.mulf %add3A, %mul3A : vector<1000x128xf32>
    %get3A_19 = arith.constant 0 : index
    %get3A_20 = arith.constant 0 : index
    %get3A_21 = vector.load %arg3[%get3A_19, %get3A_20] : memref<1000x128xf32, #tpu.memory_space<vmem>>, vector<1000x128xf32>
    %add3A_22 = arith.addf %mul3A_18, %get3A_21 : vector<1000x128xf32>
    %swap3A = arith.constant 0 : index
    %swap3A_23 = arith.constant 0 : index
    %swap3A_24 = vector.load %arg4[%swap3A, %swap3A_23] : memref<1000x128xf32, #tpu.memory_space<vmem>>, vector<1000x128xf32>
    tpu.vector_store %arg4[%swap3A, %swap3A_23], %add3A_22 {strides = array<i32>} : memref<1000x128xf32, #tpu.memory_space<vmem>>, vector<1000x128xf32>,
    return
  }
  func.func @transform_0(%arg0: i32) -> (i32, i32, i32) {
    %c0_i32 = arith.constant 0 : i32
    %c0_i32_0 = arith.constant 0 : i32
    %c0_i32_1 = arith.constant 0 : i32
    return %c0_i32, %arg0, %c0_i32_0 : i32, i32, i32
  }
  func.func @transform_1(%arg0: i32) -> (i32, i32) {
    %c0_i32 = arith.constant 0 : i32
    %c0_i32_0 = arith.constant 0 : i32
    return %arg0, %c0_i32 : i32, i32
  }
  func.func @transform_2(%arg0: i32) -> (i32, i32) {
    %c0_i32 = arith.constant 0 : i32
    %c0_i32_0 = arith.constant 0 : i32
    return %arg0, %c0_i32 : i32, i32
  }
  func.func @transform_3(%arg0: i32) -> (i32, i32) {
    %c0_i32 = arith.constant 0 : i32
    %c0_i32_0 = arith.constant 0 : i32
    return %arg0, %c0_i32 : i32, i32
  }
}

</mosaic_0001>

<sc_bundles>
// kernel: kernel.6.cloned.1.call-start
scs
__scs_entry_jumppad:
0x0: {  	(pc) =	sbr.rel $0x88, $3  }
0x1: {  	(tag) =	ssettag $0x0;
	lr =	simm.s32 $0x1  }
0x2: {  	[smem:$0x3F98] =	sst lr;
	_ =	strace $0xD0000000  }
0x3: {  	_ = 	snop  }
0x4: {  	_ = 	snop  }
0x5: {  	_ = 	snop  }
0x6: {  	_ = 	snop  }
0x7: {  	_ = 	snop  }
__scs_overlays_trampoline_lowered:
0x8: {  	[smem:$0x3FA7] =	sst s0  }
0x9: {  	[smem:$0x3FA8] =	sst s1  }
0xa: {  	[smem:$0x3FA9] =	sst s2  }
0xb: {  	[smem:$0x3FAA] =	sst s3  }
0xc: {  	[smem:$0x3FAB] =	sst s4  }
0xd: {  	[smem:$0x3FAC] =	sst s5  }
0xe: {  	[smem:$0x3FAD] =	sst s6  }
0xf: {  	[smem:$0x3FAE] =	sst s7  }
0x10: {  	[smem:$0x3FAF] =	sst s8  }
0x11: {  	[smem:$0x3FB0] =	sst s9;
	s0 =	simm.s32 @!p0 $0x0  }
0x12: {  	s1 =	sld [smem:$0x3F96];
	s0 =	simm.s32 @p0 $0x1  }
0x13: {  	[smem:$0x3FB1] =	sst s0;
	s0 =	simm.s32 @!p1 $0x0  }
0x14: {  	s2 =	sld [smem:$0x3F95];
	s0 =	simm.s32 @p1 $0x1  }
0x15: {  	[smem:$0x3FB2] =	sst s0;
	s0 =	simm.s32 @!p2 $0x0  }
0x16: {  	s3 =	sld [smem:$0x3FDB];
	s0 =	simm.s32 @p2 $0x1  }
0x17: {  	s4 =	simm.s32 $0x1BF5;
	[smem:$0x3FB4] =	sst s0  }
0x18: {  	s0 =	sld [smem:$0x3F97];
	_ =	swait.ge [sflag:s4], $0x0  }
0x19: {  	s7 =	sld [smem:$0x3F98]  }
0x1a: {  	s8 =	sadd.s32 $0xFFFFE003, lr  }
0x1b: {  	s9 =	sadd.s32 $0xFFFFFEF7, lr;
	s5 =	simm.s32 $0xFFFFFFFF;
	p2 =	slt.u32 s8, $0xFFFFF086  }
0x1c: {  	p1 =	slt.u32 s9, $0xF7A;
	s5 =	simm.s32 @!p2 $0x0  }
0x1d: {  	s5 =	simm.s32 @p1 $0x1;
	p0 =	seq.s32 s7, s2  }
0x1e: {  	s7 =	smul.u32 @!p0 $0xF7A, s2;
	p2 =	seq.s32 @!p0 s5, $0x0  }
0x1f: {  	s9 =	smul.u32 $0xF7A, s1;
	s8 =	simm.s32 @!p0 $0x1BF5;
	p2 =	por !p2, p0  }
0x20: {  	[sflag:s8] =	ssyncset.s32 @!p0 $0xFFFFF086;
	s6 =	sadd.s32 @!p0 s3, s7;
	s7 =	simm.s32 @!p0 $0x108  }
0x21: {  	s3 =	sadd.s32 s3, s9;
	s6 =	sadd.s32 @!p0 $0x88, s6;
	s7 =	simm.s32 @p2 $0x1082  }
0x22: {  	[simem:s7], [sflag:s8] =	dma.local @!p0 [hbm:s6], $0xF7A  }
0x23: {  	s9 =	sor.u32 $0xD0000000, s2;
	s6 =	simm.s32 $0x108;
	_ =	swait.ge @!p0 [sflag:s8], $0x0  }
0x24: {  	s3 =	sadd.s32 $0x88, s3;
	s6 =	simm.s32 @!p1 $0x1082;
	[sflag:s4] =	ssyncset.s32 $0xFFFFF086  }
0x25: {  	[simem:s6], [sflag:s4] =	dma.local [hbm:s3], $0xF7A  }
0x26: {  	[smem:$0x3F98] =	sst s1;
	(tag) =	ssettag s2;
	_ =	strace s9  }
0x27: {  	s1 =	sld [smem:$0x3FA8]  }
0x28: {  	s2 =	sld [smem:$0x3FA9]  }
0x29: {  	s4 =	sld [smem:$0x3FAB]  }
0x2a: {  	p0 =	seq.s32 s5, $0x0;
	s5 =	sld [smem:$0x3FAC]  }
0x2b: {  	s6 =	sld [smem:$0x3FAD]  }
0x2c: {  	s7 =	sld [smem:$0x3FAE]  }
0x2d: {  	s3 =	simm.s32 $0x108;
	s8 =	sld [smem:$0x3FAF]  }
0x2e: {  	s3 =	simm.s32 @!p0 $0x1082;
	s9 =	sld [smem:$0x3FB0]  }
0x2f: {  	lr =	sadd.s32 s0, s3;
	s0 =	sld [smem:$0x3FA7]  }
0x30: {  	s3 =	sld [smem:$0x3FAA]  }
0x31: {  	[smem:$0x3FB3] =	sst s10  }
0x32: {  	s10 =	sld [smem:$0x3FB1];
	_ =	sdelay $0x3  }
0x33: {  	p0 =	seq.s32 s10, $0x1;
	s10 =	sld [smem:$0x3FB3];
	_ =	sdelay $0x3  }
0x34: {  	[smem:$0x3FB3] =	sst s10  }
0x35: {  	s10 =	sld [smem:$0x3FB2];
	_ =	sdelay $0x3  }
0x36: {  	p1 =	seq.s32 s10, $0x1;
	s10 =	sld [smem:$0x3FB3];
	_ =	sdelay $0x3  }
0x37: {  	[smem:$0x3FB3] =	sst s10  }
0x38: {  	s10 =	sld [smem:$0x3FB4]  }
0x39: {  	_ = 	snop;
	(pc) =	sbr.ind lr, $3  }
0x3a: {  	_ = 	snop  }
0x3b: {  	_ = 	snop  }
0x3c: {  	p2 =	seq.s32 s10, $0x1;
	s10 =	sld [smem:$0x3FB3]  }
0x3d: {  	_ =	shalt  }
0x3e: {  	_ =	shalt  }
0x3f: {  	_ =	shalt  }
0x40: {  	_ =	shalt  }
0x41: {  	_ =	shalt  }
0x42: {  	_ =	shalt  }
0x43: {  	_ =	shalt  }
0x44: {  	_ =	shalt  }
0x45: {  	_ =	shalt  }
0x46: {  	_ =	shalt  }
0x47: {  	_ =	shalt  }
0x48: {  	_ =	shalt  }
0x49: {  	_ =	shalt  }
0x4a: {  	_ =	shalt  }
0x4b: {  	_ =	shalt  }
0x4c: {  	_ =	shalt  }
0x4d: {  	_ =	shalt  }
0x4e: {  	_ =	shalt  }
0x4f: {  	_ =	shalt  }
0x50: {  	_ =	shalt  }
0x51: {  	_ =	shalt  }
0x52: {  	_ =	shalt  }
0x53: {  	_ =	shalt  }
0x54: {  	_ =	shalt  }
0x55: {  	_ =	shalt  }
0x56: {  	_ =	shalt  }
0x57: {  	_ =	shalt  }
0x58: {  	_ =	shalt  }
0x59: {  	_ =	shalt  }
0x5a: {  	_ =	shalt  }
0x5b: {  	_ =	shalt  }
0x5c: {  	_ =	shalt  }
0x5d: {  	_ =	shalt  }
0x5e: {  	_ =	shalt  }
0x5f: {  	_ =	shalt  }
0x60: {  	_ =	shalt  }
0x61: {  	_ =	shalt  }
0x62: {  	_ =	shalt  }
0x63: {  	_ =	shalt  }
0x64: {  	_ =	shalt  }
0x65: {  	_ =	shalt  }
0x66: {  	_ =	shalt  }
0x67: {  	_ =	shalt  }
0x68: {  	_ =	shalt  }
0x69: {  	_ =	shalt  }
0x6a: {  	_ =	shalt  }
0x6b: {  	_ =	shalt  }
0x6c: {  	_ =	shalt  }
0x6d: {  	_ =	shalt  }
0x6e: {  	_ =	shalt  }
0x6f: {  	_ =	shalt  }
0x70: {  	_ =	shalt  }
0x71: {  	_ =	shalt  }
0x72: {  	_ =	shalt  }
0x73: {  	_ =	shalt  }
0x74: {  	_ =	shalt  }
0x75: {  	_ =	shalt  }
0x76: {  	_ =	shalt  }
0x77: {  	_ =	shalt  }
0x78: {  	_ =	shalt  }
0x79: {  	_ =	shalt  }
0x7a: {  	_ =	shalt  }
0x7b: {  	_ =	shalt  }
0x7c: {  	_ =	shalt  }
0x7d: {  	_ =	shalt  }
0x7e: {  	_ =	shalt  }
0x7f: {  	_ =	shalt  }
0x80: {  	_ =	shalt  }
0x81: {  	_ =	shalt  }
0x82: {  	_ =	shalt  }
0x83: {  	_ =	shalt  }
0x84: {  	_ =	shalt  }
0x85: {  	_ =	shalt  }
0x86: {  	_ =	shalt  }
0x87: {  	_ =	shalt  }
.Lfunc_end0:
.L_simem_size_0:
called_computation_lowered:
.L_overlay_start_0:
0x88: {  	s2 =	sld [smem:$0x3FD9]  }
0x89: {  	s3 =	sld [smem:$0x3FFE];
	_ =	sdelay $0x1  }
0x8a: {  	s1 =	srdreg.scid  }
0x8b: {  	s0 =	sand.u32 $0x1, s1  }
0x8c: {  	s17 =	sshll.u32 s0, $0xA;
	s2 =	sadd.s32 s3, s2  }
0x8d: {  	s2 =	sadd.s32 s2, s17  }
0x8e: {  	[smem:$0x3FBF] =	sst s2  }
0x8f: {  	_ = 	snop  }
0x90: {  	s2 =	sld [smem:$0x3FD0];
	(tm) =	ssettm $0x1  }
0x91: {  	s18 =	sld [smem:$0x3FFB];
	_ =	sdelay $0x3  }
0x92: {  	_ =	strace s18  }
0x93: {  	s3 =	sld [smem:$0x3FFC];
	_ =	sdelay $0x3  }
0x94: {  	_ =	strace s3  }
0x95: {  	s3 =	sld [smem:$0x3FFD];
	_ =	sdelay $0x3  }
0x96: {  	_ =	strace s3  }
0x97: {  	_ =	strace $0x8FFFFFFF  }
0x98: {  	s19 =	sld [smem:$0x3FDB];
	_ =	sdelay $0x1  }
0x99: {  	s4 =	simm.s32 $_scs_section_size  }
0x9a: {  	s5 =	simm.s32 $_size__tile_overlayer_lowered;
	s6 =	simm.s32 $_tile_overlayer_lowered  }
0x9b: {  	s22 =	simm.s32 $0x1BFF;
	s21 =	sshll.u32 s6, $0x1;
	s3 =	sadd.s32 s4, s19  }
0x9c: {  	s7 =	simm.s32 $0x0;
	s20 =	sshll.u32 s5, $0x1;
	s5 =	sadd.s32 s21, s3  }
0x9d: {  	[timem:s7], [sflag:s22] =	dma.local [hbm:s5], s20  }
0x9e: {  	_ =	swait.ge [sflag:s22], s20  }
0x9f: {  	s4 =	ssub.s32 $0x0, s20;
	[sflag:s22] =	ssyncset.done $0x0  }
0xa0: {  	[sflag:s22] =	ssyncadd.s32 s4;
	_ =	sdelay $0x1  }
0xa1: {  	s23 =	simm.s32 $0x1B8B  }
0xa2: {  	_ =	swait.ge [sflag:s23], $0x1  }
0xa3: {  	[sflag:s23] =	ssyncset.done $0x0  }
0xa4: {  	s25 =	simm.s32 $0x1B8E;
	s24 =	sld [smem:$0x3FFE];
	[sflag:s23] =	ssyncadd.s32 $0xFFFFFFFF  }
0xa5: {  	s26 =	simm.s32 $execute0_lowered;
	[smem:$0x3FD2] =	sst s25  }
0xa6: {  	s5 =	sshll.u32 s26, $0x1;
	_ =	strace $0x80000046;
	[dreg:$0x1] =	wrdreg $0xFFFFFFFF  }
0xa7: {  	s28 =	simm.s32 $_size_execute0_lowered;
	s3 =	sadd.s32 s3, s5;
	[dreg:$0x0] =	wrdreg $0x0  }
0xa8: {  	s5 =	sshll.u32 s28, $0x1;
	[dreg:$0x2] =	wrdreg s3  }
0xa9: {  	[dreg:$0x3] =	wrdreg s5  }
0xaa: {  	[dreg:$0x4] =	wrdreg $0xC0  }
0xab: {  	_ =	task [dreg:s7], $0x5FFFF  }
0xac: {  	[dreg:$0x1] =	wrdreg $0xFFFFFFFF  }
0xad: {  	[dreg:$0x0] =	wrdreg $0x60  }
0xae: {  	[dreg:$0x2] =	wrdreg s24  }
0xaf: {  	[dreg:$0x3] =	wrdreg s2  }
0xb0: {  	[dreg:$0x4] =	wrdreg $0xB8800  }
0xb1: {  	[dreg:$0x5] =	wrdreg $0x9  }
0xb2: {  	_ =	task.clear_ibuf [dreg:s7], $0x6FFFF;
	_ =	strace $0x90000046  }
0xb3: {  	s29 =	simm.s32 $0x9;
	_ =	strace $0x80000048  }
0xb4: {  	_ =	swait.ge [sflag:s29], $0x1  }
0xb5: {  	[sflag:s29] =	ssyncadd.s32 $0xFFFFFFFF  }
0xb6: {  	_ =	strace $0x90000048  }
0xb7: {  	_ =	sfence  }
0xb8: {  	s30 =	sld [smem:$0x0];
	_ =	sdelay $0x2  }
0xb9: {  	s31 =	sshll.u32 s1, $0xD;
	s1 =	sshrl.u32 s1, $0x2  }
0xba: {  	s3 =	sand.u32 $0x4000, s31;
	s1 =	sadd.s32 s1, s30  }
0xbb: {  	s0 =	sor.u32 s3, s0;
	s1 =	sshll.u32 s1, $0x11  }
0xbc: {  	s0 =	sor.u32 s1, s0  }
0xbd: {  	s0 =	sadd.s32 $0x8F2B, s0  }
0xbe: {  	[sflag:s0] =	ssyncadd.remote.s32 $0x1  }
0xbf: {  	_ =	sfence.sel $0xFFFF  }
0xc0: {  	[dreg:$0x0] =	wrdreg $0xFFFFFFFF;
	(pc) =	sbr.abs _section_cstart, $3  }
0xc1: {  	[dreg:$0x1] =	wrdreg $0xFFFFFFFF  }
0xc2: {  	_ =	task.clear_ibuf [dreg:s7], $0x2FFFF;
	_ =	strace $0x9FFFFFFF  }
0xc3: {  	(tm) =	ssettm $0x7FFFFFFF  }
tec
execute0_lowered:
.L_overlay_start_1:
0x0: {  	(tag) =	ssettag $0x1  }
0x1: {  	s0 =	rddreg [dreg:$0x0]  }
0x2: {  	s2 =	rddreg [dreg:$0x1];
	s1 =	srdreg.scid  }
0x3: {  	s3 =	rddreg [dreg:$0x2];
	s11 =	stileid.u32  }
0x4: {  	s4 =	simm.s32 $0x0;
	s28 =	simm.s32 $0x6;
	s8 =	smul.u32 $0x14000, s11  }
0x5: {  	s29 =	simm.s32 $0x0;
	s1 =	sand.u32 $0x1, s1;
	s10 =	smul.u32 $0x2800, s11  }
0x6: {  	[smem:$0x7FF] =	sst s4;
	s5 =	sadd.s32 $0x1800, s0;
	s19 =	smul.u32 $0x50000, s11  }
0x7: {  	s6 =	sadd.s32 $0xB800, s0;
	s12 =	sadd.s32 $0x1200, s0;
	s9 =	smul.u32 $0x28000, s1  }
0x8: {  	s20 =	sadd.s32 $0xC00, s0;
	s7 =	smul.u32 $0x140000, s1;
	_ =	strace $0x80000047  }
0x9: {  	[dreg:$0x4] =	wrdreg s12;
	s18 =	sadd.s32 s10, s9;
	s9 =	sshrl.u32 s19, $0x2  }
0xa: {  	[dreg:$0x5] =	wrdreg s20;
	s21 =	ssub.s32 $0x2, s1;
	s9 =	sadd.s32 s9, s3  }
0xb: {  	s1 =	sshll.u32 s1, $0x4;
	s23 =	sadd.s32 $0x1000, s9;
	[dreg:$0x6] =	wrdreg s9  }
0xc: {  	s22 =	sshrl.u32 s21, $0x1;
	s24 =	sadd.s32 $0x2000, s9;
	[dreg:$0x7] =	wrdreg s23  }
0xd: {  	s1 =	sor.u32 s11, s1;
	s25 =	sadd.s32 $0x3000, s9;
	[dreg:$0x8] =	wrdreg s24  }
0xe: {  	s7 =	sadd.s32 s8, s7;
	s26 =	sadd.s32 $0x4000, s9;
	[dreg:$0x9] =	wrdreg s25  }
0xf: {  	s13 =	smul.u32 $0x2800, s1;
	s30 =	sadd.s32 $0x5000, s9;
	[dreg:$0xa] =	wrdreg s26  }
0x10: {  	s1 =	simm.s32 $0x8;
	s31 =	sadd.s32 $0x6000, s9;
	[dreg:$0xb] =	wrdreg s30  }
0x11: {  	s7 =	sshrl.u32 s7, $0x3;
	s10 =	sadd.s32 $0x7000, s9;
	[dreg:$0xc] =	wrdreg s31  }
0x12: {  	s8 =	sshrl.u32 s18, $0x3;
	s11 =	sadd.s32 $0x8000, s9;
	[dreg:$0xd] =	wrdreg s10  }
0x13: {  	s7 =	sadd.s32 s7, s0;
	s14 =	sadd.s32 $0x9000, s9;
	[dreg:$0xe] =	wrdreg s11  }
0x14: {  	s0 =	sadd.s32 s8, s0;
	s15 =	sadd.s32 $0xA000, s9;
	[dreg:$0xf] =	wrdreg s14  }
0x15: {  	s8 =	ssub.s32 s21, s22;
	s18 =	sadd.s32 $0xB000, s9;
	[dreg:$0x10] =	wrdreg s15  }
0x16: {  	s12 =	sshrl.u32 s13, $0x3;
	s19 =	sadd.s32 $0xC000, s9;
	[dreg:$0x14] =	wrdreg s18  }
0x17: {  	s20 =	sadd.s32 $0xD000, s9;
	s21 =	sadd.s32 s5, s12;
	[dreg:$0x15] =	wrdreg s19  }
0x18: {  	s22 =	sadd.s32 s6, s12;
	s16 =	sadd.s32 $0x1F800, s7;
	[dreg:$0x16] =	wrdreg s20  }
0x19: {  	s0 =	sadd.s32 $0x15800, s0;
	s17 =	smax.u32 s8, $0x1;
	[dreg:$0x11] =	wrdreg s16  }
0x1a: {  	s23 =	sadd.s32 $0xE000, s9;
	s24 =	sadd.s32 $0xF000, s9;
	[dreg:$0x12] =	wrdreg s0  }
0x1b: {  	s25 =	sadd.s32 $0x10000, s9;
	s26 =	sadd.s32 $0x11000, s9;
	[dreg:$0x13] =	wrdreg s17  }
0x1c: {  	s30 =	sadd.s32 $0x12000, s9;
	s31 =	sadd.s32 $0x13000, s9;
	[dreg:$0x17] =	wrdreg s23  }
0x1d: {  	s11 =	simm.s32 $0x2800;
	s12 =	simm.s32 $0x8880;
	[dreg:$0x18] =	wrdreg s24  }
.Ltmp0:
0x1e: {  	s14 =	simm.s32 $0x9880;
	[dreg:$0x19] =	wrdreg s25;
	(pc) =	sbr.rel .LBB2_1-.Ltmp0, $4  }
0x1f: {  	s15 =	simm.s32 $0xA880;
	s18 =	simm.s32 $0x3;
	[dreg:$0x1a] =	wrdreg s26  }
0x20: {  	s19 =	simm.s32 $0x7;
	s20 =	simm.s32 $0x20;
	[dreg:$0x1b] =	wrdreg s30  }
0x21: {  	[dreg:$0x1c] =	wrdreg s31;
	s16 =	simm.s32 $0x1;
	s17 =	simm.s32 $0x2  }
0x22: {  	v0 =	vimm.f32 $0.0e+00;
	s23 =	simm.s32 $0x5000;
	s24 =	simm.s32 $0x8800;
	s25 =	simm.s32 $0x5  }
.LBB2_28:
0x23: {  	s0 =	simm.s32 $0x4  }
0x24: {  	_ =	swait.ge [sflag:s0], $0x1000  }
0x25: {  	[sflag:s0] =	ssyncset.done $0x0  }
0x26: {  	[sflag:s0] =	ssyncadd.s32 $0xFFFFF000  }
0x27: {  	_ =	swait.ge [sflag:s25], $0x1000  }
0x28: {  	[sflag:s25] =	ssyncset.done $0x0  }
0x29: {  	[sflag:s25] =	ssyncadd.s32 $0xFFFFF000  }
0x2a: {  	_ =	swait.ge [sflag:s28], $0x1000  }
0x2b: {  	[sflag:s28] =	ssyncset.done $0x0  }
0x2c: {  	[sflag:s28] =	ssyncadd.s32 $0xFFFFF000  }
0x2d: {  	s26 =	stileid.u32;
	[bflag:$0x0] =	sbarrier.arrive $0xFFFF  }
0x2e: {  	s0 =	sshll.u32 s26, $0x6;
	s9 =	rddreg [dreg:$0x6]  }
0x2f: {  	s0 =	sor.u32 $0x1C08, s0;
	s7 =	rddreg [dreg:$0x11];
	s1 =	sshrl.u32 s9, $0x3  }
0x30: {  	[hbm:s7], [sflag:s0] =	dma.local [spmem:s1], $0x2800  }
0x31: {  	s1 =	simm.s32 $0x8  }
0x32: {  	_ =	swait.ge [sflag:s1], $0x2800  }
0x33: {  	[sflag:s1] =	ssyncset.done $0x0  }
0x34: {  	s30 =	rddreg [dreg:$0x12];
	[sflag:s1] =	ssyncadd.s32 $0xFFFFD800  }
0x35: {  	[hbm4b:s30+s4] =	stream.linear.scatter [tilespmem:s23], [sflag:$0x8], $0x2800, $0x38;
	[tilespmem:$0x1F880] =	vst v63  }
0x36: {  	_ =	swait.ge [sflag:s1], $0x2800  }
0x37: {  	s29 =	sadd.s32 $0x1, s29;
	s31 =	rddreg [dreg:$0x13]  }
0x38: {  	p0 =	sne.s32 s29, s31  }
.Ltmp1:
0x39: {  	_ = 	snop;
	(pc) =	sbr.rel @!p0 .LBB2_29-.Ltmp1, $3  }
0x3a: {  	_ =	sdelay $0x1  }
0x3b: {  	[sflag:s1] =	ssyncset.done $0x0  }
0x3c: {  	[sflag:s1] =	ssyncadd.s32 $0xFFFFD800  }
.LBB2_1:
0x3d: {  	s0 =	rddreg [dreg:$0x4]  }
0x3e: {  	[tilespmem:s4], [sflag:$0x8] =	stream.linear.gather [hbm4b:s0+s4], $0x2800, $0x38;
	[tilespmem:$0x1F880] =	vst v63  }
0x3f: {  	_ =	swait.ge [sflag:s1], $0x2800  }
0x40: {  	[sflag:s1] =	ssyncset.done $0x0  }
0x41: {  	s31 =	rddreg [dreg:$0x5];
	[sflag:s1] =	ssyncadd.s32 $0xFFFFD800  }
0x42: {  	[tilespmem:s11], [sflag:$0x8] =	stream.linear.gather [hbm4b:s31+s4], $0x2800, $0x38;
	[tilespmem:$0x1F880] =	vst v63  }
0x43: {  	_ =	swait.ge [sflag:s1], $0x2800  }
0x44: {  	[sflag:s1] =	ssyncset.done $0x0  }
0x45: {  	s0 =	simm.s32 $0x0;
	[sflag:s1] =	ssyncadd.s32 $0xFFFFD800;
	s1 =	simm.s32 $0x200  }
.LBB2_2:
0x46: {  	p0 =	sne.s32 s1, $0x9E00;
	[tilespmem:s0+$0x5070] =	vst v0  }
0x47: {  	[tilespmem:s0+$0x5000] =	vst v0  }
0x48: {  	[tilespmem:s0+$0x5010] =	vst v0  }
.Ltmp2:
0x49: {  	[tilespmem:s0+$0x5020] =	vst v0;
	(pc) =	sbr.rel @p0 .LBB2_2-.Ltmp2, $4  }
0x4a: {  	[tilespmem:s0+$0x5030] =	vst v0  }
0x4b: {  	[tilespmem:s0+$0x5040] =	vst v0  }
0x4c: {  	[tilespmem:s0+$0x5050] =	vst v0  }
0x4d: {  	[tilespmem:s0+$0x5060] =	vst v0;
	s0 =	sshra.s32 s1, $0x2;
	s1 =	sadd.s32 $0x200, s1  }
0x4e: {  	[tilespmem:s0+$0x5070] =	vst v0  }
0x4f: {  	[tilespmem:s0+$0x5000] =	vst v0  }
0x50: {  	[tilespmem:s0+$0x5010] =	vst v0  }
0x51: {  	[tilespmem:s0+$0x5020] =	vst v0  }
0x52: {  	[tilespmem:s0+$0x5030] =	vst v0  }
0x53: {  	[tilespmem:s0+$0x5040] =	vst v0  }
0x54: {  	[tilespmem:s0+$0x5050] =	vst v0  }
0x55: {  	[tilespmem:s0+$0x5060] =	vst v0;
	s0 =	simm.s32 $0x0;
	s1 =	simm.s32 $0x200  }
.LBB2_4:
0x56: {  	p0 =	sne.s32 s1, $0x3E00;
	[tilespmem:s0+$0xA8F0] =	vst v0  }
0x57: {  	[tilespmem:s0+$0x8880] =	vst v0  }
0x58: {  	[tilespmem:s0+$0x8890] =	vst v0  }
0x59: {  	[tilespmem:s0+$0x88A0] =	vst v0  }
0x5a: {  	[tilespmem:s0+$0x88B0] =	vst v0  }
0x5b: {  	[tilespmem:s0+$0x88C0] =	vst v0  }
0x5c: {  	[tilespmem:s0+$0x88D0] =	vst v0  }
0x5d: {  	[tilespmem:s0+$0x88E0] =	vst v0  }
0x5e: {  	[tilespmem:s0+$0x88F0] =	vst v0  }
0x5f: {  	[tilespmem:s0+$0x9880] =	vst v0  }
0x60: {  	[tilespmem:s0+$0x9890] =	vst v0  }
0x61: {  	[tilespmem:s0+$0x98A0] =	vst v0  }
0x62: {  	[tilespmem:s0+$0x98B0] =	vst v0  }
0x63: {  	[tilespmem:s0+$0x98C0] =	vst v0  }
0x64: {  	[tilespmem:s0+$0x98D0] =	vst v0  }
0x65: {  	[tilespmem:s0+$0x98E0] =	vst v0  }
0x66: {  	[tilespmem:s0+$0x98F0] =	vst v0  }
0x67: {  	[tilespmem:s0+$0xA880] =	vst v0  }
0x68: {  	[tilespmem:s0+$0xA890] =	vst v0  }
.Ltmp3:
0x69: {  	[tilespmem:s0+$0xA8A0] =	vst v0;
	(pc) =	sbr.rel @p0 .LBB2_4-.Ltmp3, $4  }
0x6a: {  	[tilespmem:s0+$0xA8B0] =	vst v0  }
0x6b: {  	[tilespmem:s0+$0xA8C0] =	vst v0  }
0x6c: {  	[tilespmem:s0+$0xA8D0] =	vst v0  }
0x6d: {  	[tilespmem:s0+$0xA8E0] =	vst v0;
	s0 =	sshra.s32 s1, $0x2;
	s1 =	sadd.s32 $0x200, s1  }
0x6e: {  	[tilespmem:s0+$0xA8F0] =	vst v0  }
0x6f: {  	[tilespmem:s0+$0x8880] =	vst v0  }
0x70: {  	[tilespmem:s0+$0x8890] =	vst v0  }
0x71: {  	[tilespmem:s0+$0x88A0] =	vst v0  }
0x72: {  	[tilespmem:s0+$0x88B0] =	vst v0  }
0x73: {  	[tilespmem:s0+$0x88C0] =	vst v0  }
0x74: {  	[tilespmem:s0+$0x88D0] =	vst v0  }
0x75: {  	[tilespmem:s0+$0x88E0] =	vst v0  }
0x76: {  	[tilespmem:s0+$0x88F0] =	vst v0  }
0x77: {  	[tilespmem:s0+$0x9880] =	vst v0  }
0x78: {  	[tilespmem:s0+$0x9890] =	vst v0  }
0x79: {  	[tilespmem:s0+$0x98A0] =	vst v0  }
0x7a: {  	[tilespmem:s0+$0x98B0] =	vst v0  }
0x7b: {  	[tilespmem:s0+$0x98C0] =	vst v0  }
0x7c: {  	[tilespmem:s0+$0x98D0] =	vst v0  }
0x7d: {  	[tilespmem:s0+$0x98E0] =	vst v0  }
0x7e: {  	[tilespmem:s0+$0x98F0] =	vst v0  }
0x7f: {  	[tilespmem:s0+$0xA880] =	vst v0  }
0x80: {  	[tilespmem:s0+$0xA890] =	vst v0  }
0x81: {  	[tilespmem:s0+$0xA8A0] =	vst v0  }
0x82: {  	[tilespmem:s0+$0xA8B0] =	vst v0  }
0x83: {  	[tilespmem:s0+$0xA8C0] =	vst v0  }
0x84: {  	[tilespmem:s0+$0xA8D0] =	vst v0  }
0x85: {  	[tilespmem:s0+$0xA8E0] =	vst v0  }
0x86: {  	[spmem:s9] =	stream.linear.scatter [tilespmem:s12], [sflag:$0x1], $0x1000, $0x38;
	[tilespmem:$0x1F880] =	vst v63  }
0x87: {  	s8 =	rddreg [dreg:$0x7]  }
0x88: {  	[spmem:s8] =	stream.linear.scatter [tilespmem:s14], [sflag:$0x2], $0x1000, $0x38;
	[tilespmem:$0x1F880] =	vst v63  }
0x89: {  	s9 =	rddreg [dreg:$0x8]  }
0x8a: {  	[spmem:s9] =	stream.linear.scatter [tilespmem:s15], [sflag:$0x3], $0x1000, $0x38;
	[tilespmem:$0x1F880] =	vst v63  }
0x8b: {  	_ =	swait.ge [sflag:s16], $0x1000  }
0x8c: {  	[sflag:s16] =	ssyncset.done $0x0  }
0x8d: {  	s10 =	rddreg [dreg:$0x9];
	[sflag:s16] =	ssyncadd.s32 $0xFFFFF000  }
0x8e: {  	[spmem:s10] =	stream.linear.scatter [tilespmem:s12], [sflag:$0x1], $0x1000, $0x38;
	[tilespmem:$0x1F880] =	vst v63  }
0x8f: {  	_ =	swait.ge [sflag:s16], $0x1000  }
0x90: {  	[sflag:s16] =	ssyncset.done $0x0  }
0x91: {  	[sflag:s16] =	ssyncadd.s32 $0xFFFFF000  }
0x92: {  	_ =	swait.ge [sflag:s17], $0x1000  }
0x93: {  	[sflag:s17] =	ssyncset.done $0x0  }
0x94: {  	[sflag:s17] =	ssyncadd.s32 $0xFFFFF000  }
0x95: {  	_ =	swait.ge [sflag:s18], $0x1000  }
0x96: {  	[sflag:s18] =	ssyncset.done $0x0  }
0x97: {  	s26 =	rddreg [dreg:$0xa];
	[sflag:s18] =	ssyncadd.s32 $0xFFFFF000  }
0x98: {  	[spmem:s26] =	stream.linear.scatter [tilespmem:s12], [sflag:$0x1], $0x1000, $0x38;
	[tilespmem:$0x1F880] =	vst v63  }
0x99: {  	s30 =	rddreg [dreg:$0xb]  }
0x9a: {  	[spmem:s30] =	stream.linear.scatter [tilespmem:s14], [sflag:$0x2], $0x1000, $0x38;
	[tilespmem:$0x1F880] =	vst v63  }
0x9b: {  	s31 =	rddreg [dreg:$0xc]  }
0x9c: {  	[spmem:s31] =	stream.linear.scatter [tilespmem:s15], [sflag:$0x3], $0x1000, $0x38;
	[tilespmem:$0x1F880] =	vst v63  }
0x9d: {  	_ =	swait.ge [sflag:s16], $0x1000  }
0x9e: {  	[sflag:s16] =	ssyncset.done $0x0  }
0x9f: {  	s1 =	rddreg [dreg:$0xd];
	[sflag:s16] =	ssyncadd.s32 $0xFFFFF000  }
0xa0: {  	[spmem:s1] =	stream.linear.scatter [tilespmem:s12], [sflag:$0x1], $0x1000, $0x38;
	[tilespmem:$0x1F880] =	vst v63  }
0xa1: {  	_ =	swait.ge [sflag:s16], $0x1000  }
0xa2: {  	[sflag:s16] =	ssyncset.done $0x0  }
0xa3: {  	[sflag:s16] =	ssyncadd.s32 $0xFFFFF000  }
0xa4: {  	_ =	swait.ge [sflag:s17], $0x1000  }
0xa5: {  	[sflag:s17] =	ssyncset.done $0x0  }
0xa6: {  	[sflag:s17] =	ssyncadd.s32 $0xFFFFF000  }
0xa7: {  	_ =	swait.ge [sflag:s18], $0x1000  }
0xa8: {  	[sflag:s18] =	ssyncset.done $0x0  }
0xa9: {  	s7 =	rddreg [dreg:$0xe];
	[sflag:s18] =	ssyncadd.s32 $0xFFFFF000  }
0xaa: {  	[spmem:s7] =	stream.linear.scatter [tilespmem:s12], [sflag:$0x1], $0x1000, $0x38;
	[tilespmem:$0x1F880] =	vst v63  }
0xab: {  	s8 =	rddreg [dreg:$0xf]  }
0xac: {  	[spmem:s8] =	stream.linear.scatter [tilespmem:s14], [sflag:$0x2], $0x1000, $0x38;
	[tilespmem:$0x1F880] =	vst v63  }
0xad: {  	s9 =	rddreg [dreg:$0x10]  }
0xae: {  	[spmem:s9] =	stream.linear.scatter [tilespmem:s15], [sflag:$0x3], $0x1000, $0x38;
	[tilespmem:$0x1F880] =	vst v63  }
0xaf: {  	_ =	swait.ge [sflag:s16], $0x1000  }
0xb0: {  	[sflag:s16] =	ssyncset.done $0x0  }
0xb1: {  	s10 =	rddreg [dreg:$0x14];
	[sflag:s16] =	ssyncadd.s32 $0xFFFFF000  }
0xb2: {  	[spmem:s10] =	stream.linear.scatter [tilespmem:s12], [sflag:$0x1], $0x1000, $0x38;
	[tilespmem:$0x1F880] =	vst v63  }
0xb3: {  	_ =	swait.ge [sflag:s16], $0x1000  }
0xb4: {  	[sflag:s16] =	ssyncset.done $0x0  }
0xb5: {  	[sflag:s16] =	ssyncadd.s32 $0xFFFFF000  }
0xb6: {  	_ =	swait.ge [sflag:s17], $0x1000  }
0xb7: {  	[sflag:s17] =	ssyncset.done $0x0  }
0xb8: {  	[sflag:s17] =	ssyncadd.s32 $0xFFFFF000  }
0xb9: {  	_ =	swait.ge [sflag:s18], $0x1000  }
0xba: {  	[sflag:s18] =	ssyncset.done $0x0  }
0xbb: {  	s26 =	rddreg [dreg:$0x15];
	[sflag:s18] =	ssyncadd.s32 $0xFFFFF000  }
0xbc: {  	[spmem:s26] =	stream.linear.scatter [tilespmem:s12], [sflag:$0x1], $0x1000, $0x38;
	[tilespmem:$0x1F880] =	vst v63  }
0xbd: {  	s30 =	rddreg [dreg:$0x16]  }
0xbe: {  	[spmem:s30] =	stream.linear.scatter [tilespmem:s14], [sflag:$0x2], $0x1000, $0x38;
	[tilespmem:$0x1F880] =	vst v63  }
0xbf: {  	s31 =	rddreg [dreg:$0x17]  }
0xc0: {  	[spmem:s31] =	stream.linear.scatter [tilespmem:s15], [sflag:$0x3], $0x1000, $0x38;
	[tilespmem:$0x1F880] =	vst v63  }
0xc1: {  	_ =	swait.ge [sflag:s16], $0x1000  }
0xc2: {  	[sflag:s16] =	ssyncset.done $0x0  }
0xc3: {  	s1 =	rddreg [dreg:$0x18];
	[sflag:s16] =	ssyncadd.s32 $0xFFFFF000  }
0xc4: {  	[spmem:s1] =	stream.linear.scatter [tilespmem:s12], [sflag:$0x1], $0x1000, $0x38;
	[tilespmem:$0x1F880] =	vst v63  }
0xc5: {  	_ =	swait.ge [sflag:s16], $0x1000  }
0xc6: {  	[sflag:s16] =	ssyncset.done $0x0  }
0xc7: {  	[sflag:s16] =	ssyncadd.s32 $0xFFFFF000  }
0xc8: {  	_ =	swait.ge [sflag:s17], $0x1000  }
0xc9: {  	[sflag:s17] =	ssyncset.done $0x0  }
0xca: {  	[sflag:s17] =	ssyncadd.s32 $0xFFFFF000  }
0xcb: {  	_ =	swait.ge [sflag:s18], $0x1000  }
0xcc: {  	[sflag:s18] =	ssyncset.done $0x0  }
0xcd: {  	s7 =	rddreg [dreg:$0x19];
	[sflag:s18] =	ssyncadd.s32 $0xFFFFF000  }
0xce: {  	[spmem:s7] =	stream.linear.scatter [tilespmem:s12], [sflag:$0x1], $0x1000, $0x38;
	[tilespmem:$0x1F880] =	vst v63  }
0xcf: {  	s8 =	rddreg [dreg:$0x1a]  }
0xd0: {  	[spmem:s8] =	stream.linear.scatter [tilespmem:s14], [sflag:$0x2], $0x1000, $0x38;
	[tilespmem:$0x1F880] =	vst v63  }
0xd1: {  	s9 =	rddreg [dreg:$0x1b]  }
0xd2: {  	[spmem:s9] =	stream.linear.scatter [tilespmem:s15], [sflag:$0x3], $0x1000, $0x38;
	[tilespmem:$0x1F880] =	vst v63  }
0xd3: {  	_ =	swait.ge [sflag:s16], $0x1000  }
0xd4: {  	[sflag:s16] =	ssyncset.done $0x0  }
0xd5: {  	s10 =	rddreg [dreg:$0x1c];
	[sflag:s16] =	ssyncadd.s32 $0xFFFFF000  }
0xd6: {  	[spmem:s10] =	stream.linear.scatter [tilespmem:s12], [sflag:$0x1], $0x1000, $0x38;
	[tilespmem:$0x1F880] =	vst v63  }
0xd7: {  	_ =	swait.ge [sflag:s16], $0x1000  }
0xd8: {  	[sflag:s16] =	ssyncset.done $0x0  }
0xd9: {  	[sflag:s16] =	ssyncadd.s32 $0xFFFFF000  }
0xda: {  	_ =	swait.ge [sflag:s17], $0x1000  }
0xdb: {  	[sflag:s17] =	ssyncset.done $0x0  }
0xdc: {  	[sflag:s17] =	ssyncadd.s32 $0xFFFFF000  }
0xdd: {  	_ =	swait.ge [sflag:s18], $0x1000  }
0xde: {  	[sflag:s18] =	ssyncset.done $0x0  }
0xdf: {  	[sflag:s18] =	ssyncadd.s32 $0xFFFFF000  }
0xe0: {  	s0 =	simm.s32 $0x0;
	s1 =	simm.s32 $0x7800;
	[bflag:$0x0] =	sbarrier.arrive $0xFFFF  }
0xe1: {  	[tilespmem:s1], [sflag:$0x7] =	stream.linear.gather [hbm4b:s21+s0], $0x80, $0x38;
	[tilespmem:$0x1F880] =	vst v63  }
0xe2: {  	s26 =	sadd.s32 $0x10, s21;
	s7 =	simm.s32 $0x7900  }
0xe3: {  	[tilespmem:s7], [sflag:$0x7] =	stream.linear.gather [hbm4b:s26+s0], $0x80, $0x38;
	[tilespmem:$0x1F880] =	vst v63  }
0xe4: {  	s30 =	sadd.s32 $0x20, s21;
	s31 =	simm.s32 $0x7A00  }
0xe5: {  	[tilespmem:s31], [sflag:$0x7] =	stream.linear.gather [hbm4b:s30+s0], $0x80, $0x38;
	[tilespmem:$0x1F880] =	vst v63  }
0xe6: {  	s8 =	sadd.s32 $0x30, s21;
	s9 =	simm.s32 $0x7B00  }
0xe7: {  	[tilespmem:s9], [sflag:$0x7] =	stream.linear.gather [hbm4b:s8+s0], $0x80, $0x38;
	[tilespmem:$0x1F880] =	vst v63  }
0xe8: {  	s10 =	sadd.s32 $0x40, s21;
	s26 =	simm.s32 $0x7C00  }
0xe9: {  	[tilespmem:s26], [sflag:$0x7] =	stream.linear.gather [hbm4b:s10+s0], $0x80, $0x38;
	[tilespmem:$0x1F880] =	vst v63  }
0xea: {  	s30 =	sadd.s32 $0x50, s21;
	s31 =	simm.s32 $0x7D00  }
0xeb: {  	[tilespmem:s31], [sflag:$0x7] =	stream.linear.gather [hbm4b:s30+s0], $0x80, $0x38;
	[tilespmem:$0x1F880] =	vst v63  }
0xec: {  	s7 =	sadd.s32 $0x60, s21;
	s8 =	simm.s32 $0x7E00  }
0xed: {  	[tilespmem:s8], [sflag:$0x7] =	stream.linear.gather [hbm4b:s7+s0], $0x80, $0x38;
	[tilespmem:$0x1F880] =	vst v63  }
0xee: {  	s9 =	sadd.s32 $0x70, s21;
	s10 =	simm.s32 $0x7F00  }
0xef: {  	[tilespmem:s10], [sflag:$0x7] =	stream.linear.gather [hbm4b:s9+s0], $0x80, $0x38;
	[tilespmem:$0x1F880] =	vst v63  }
0xf0: {  	s26 =	simm.s32 $0x8000  }
0xf1: {  	[tilespmem:s26], [sflag:$0x7] =	stream.linear.gather [hbm4b:s22+s0], $0x80, $0x38;
	[tilespmem:$0x1F880] =	vst v63  }
0xf2: {  	s30 =	sadd.s32 $0x10, s22;
	s31 =	simm.s32 $0x8100  }
0xf3: {  	[tilespmem:s31], [sflag:$0x7] =	stream.linear.gather [hbm4b:s30+s0], $0x80, $0x38;
	[tilespmem:$0x1F880] =	vst v63  }
0xf4: {  	s8 =	sadd.s32 $0x20, s22;
	s9 =	simm.s32 $0x8200  }
0xf5: {  	[tilespmem:s9], [sflag:$0x7] =	stream.linear.gather [hbm4b:s8+s0], $0x80, $0x38;
	[tilespmem:$0x1F880] =	vst v63  }
0xf6: {  	s10 =	sadd.s32 $0x30, s22;
	s26 =	simm.s32 $0x8300  }
0xf7: {  	[tilespmem:s26], [sflag:$0x7] =	stream.linear.gather [hbm4b:s10+s0], $0x80, $0x38;
	[tilespmem:$0x1F880] =	vst v63  }
0xf8: {  	s30 =	sadd.s32 $0x40, s22;
	s31 =	simm.s32 $0x8400  }
0xf9: {  	[tilespmem:s31], [sflag:$0x7] =	stream.linear.gather [hbm4b:s30+s0], $0x80, $0x38;
	[tilespmem:$0x1F880] =	vst v63  }
0xfa: {  	s8 =	sadd.s32 $0x50, s22;
	s9 =	simm.s32 $0x8500  }
0xfb: {  	[tilespmem:s9], [sflag:$0x7] =	stream.linear.gather [hbm4b:s8+s0], $0x80, $0x38;
	[tilespmem:$0x1F880] =	vst v63  }
.Ltmp4:
0xfc: {  	_ = 	snop;
	(pc) =	sbr.rel .LBB2_7-.Ltmp4, $4  }
0xfd: {  	s10 =	sadd.s32 $0x60, s22;
	s26 =	simm.s32 $0x8600  }
0xfe: {  	[tilespmem:s26], [sflag:$0x7] =	stream.linear.gather [hbm4b:s10+s0], $0x80, $0x38;
	[tilespmem:$0x1F880] =	vst v63  }
0xff: {  	s30 =	sadd.s32 $0x70, s22;
	s31 =	simm.s32 $0x8700  }
0x100: {  	[tilespmem:s31], [sflag:$0x7] =	stream.linear.gather [hbm4b:s30+s0], $0x80, $0x38;
	[tilespmem:$0x1F880] =	vst v63  }
.LBB2_6:
0x101: {  	p0 =	sgt.u32 s30, $0x9  }
.Ltmp5:
0x102: {  	_ = 	snop;
	(pc) =	sbr.rel @p0 .LBB2_28-.Ltmp5, $2  }
0x103: {  	_ =	sdelay $0x2  }
0x104: {  	s0 =	smov.u32 s30  }
.LBB2_7:
0x105: {  	_ =	swait.ge [sflag:s19], $0x400  }
0x106: {  	[sflag:s19] =	ssyncset.done $0x0  }
0x107: {  	[sflag:s19] =	ssyncadd.s32 $0xFFFFFC00  }
0x108: {  	_ =	swait.ge [sflag:s19], $0x400  }
0x109: {  	p0 =	seq.s32 s0, $0x0;
	[sflag:s19] =	ssyncset.done $0x0  }
0x10a: {  	s1 =	simm.s32 @!p0 $0x4;
	[sflag:s19] =	ssyncadd.s32 $0xFFFFFC00  }
0x10b: {  	_ =	swait.ge @!p0 [sflag:s1], $0x1000  }
0x10c: {  	[sflag:s1] =	ssyncset.done @!p0 $0x0  }
0x10d: {  	p1 =	seq.s32 @!p0 s0, $0x9;
	[sflag:s1] =	ssyncadd.s32 @!p0 $0xFFFFF000;
	s1 =	simm.s32 @!p0 $0x5  }
0x10e: {  	p1 =	por p0, !p1;
	_ =	swait.ge @!p0 [sflag:s1], $0x1000  }
.Ltmp6:
0x10f: {  	[sflag:s1] =	ssyncset.done @!p0 $0x0;
	(pc) =	sbr.rel @!p1 .LBB2_9-.Ltmp6, $4  }
0x110: {  	[sflag:s1] =	ssyncadd.s32 @!p0 $0xFFFFF000;
	s1 =	simm.s32 @!p0 $0x6  }
0x111: {  	_ =	swait.ge @!p0 [sflag:s1], $0x1000  }
0x112: {  	[sflag:s1] =	ssyncset.done @!p0 $0x0  }
0x113: {  	s30 =	simm.s32 @!p0 $0xA;
	[sflag:s1] =	ssyncadd.s32 @!p0 $0xFFFFF000  }
0x114: {  	s30 =	sadd.s32 @!p0 $0x1, s0  }
0x115: {  	s30 =	simm.s32 @p0 $0x1  }
0x116: {  	s1 =	sshll.u32 s30, $0xA  }
0x117: {  	s7 =	sshll.u32 s30, $0x7;
	s1 =	sadd.s32 s13, s1  }
0x118: {  	s7 =	sand.u32 $0x80, s7;
	s1 =	sshrl.u32 s1, $0x3  }
0x119: {  	s8 =	sor.u32 $0x7800, s7;
	s26 =	sadd.s32 s5, s1  }
0x11a: {  	[tilespmem:s8], [sflag:$0x7] =	stream.linear.gather [hbm4b:s26+s4], $0x80, $0x38;
	[tilespmem:$0x1F880] =	vst v63  }
0x11b: {  	s31 =	sor.u32 $0x7900, s7;
	s10 =	sadd.s32 $0x10, s26  }
0x11c: {  	[tilespmem:s31], [sflag:$0x7] =	stream.linear.gather [hbm4b:s10+s4], $0x80, $0x38;
	[tilespmem:$0x1F880] =	vst v63  }
0x11d: {  	s9 =	sadd.s32 $0x20, s26;
	s10 =	sor.u32 $0x7A00, s7  }
0x11e: {  	[tilespmem:s10], [sflag:$0x7] =	stream.linear.gather [hbm4b:s9+s4], $0x80, $0x38;
	[tilespmem:$0x1F880] =	vst v63  }
0x11f: {  	s9 =	sadd.s32 $0x30, s26;
	s10 =	sor.u32 $0x7B00, s7  }
0x120: {  	[tilespmem:s10], [sflag:$0x7] =	stream.linear.gather [hbm4b:s9+s4], $0x80, $0x38;
	[tilespmem:$0x1F880] =	vst v63  }
0x121: {  	s9 =	sadd.s32 $0x40, s26;
	s10 =	sor.u32 $0x7C00, s7  }
0x122: {  	[tilespmem:s10], [sflag:$0x7] =	stream.linear.gather [hbm4b:s9+s4], $0x80, $0x38;
	[tilespmem:$0x1F880] =	vst v63  }
0x123: {  	s9 =	sadd.s32 $0x50, s26;
	s10 =	sor.u32 $0x7D00, s7  }
0x124: {  	[tilespmem:s10], [sflag:$0x7] =	stream.linear.gather [hbm4b:s9+s4], $0x80, $0x38;
	[tilespmem:$0x1F880] =	vst v63  }
0x125: {  	s9 =	sadd.s32 $0x60, s26;
	s10 =	sor.u32 $0x7E00, s7  }
0x126: {  	[tilespmem:s10], [sflag:$0x7] =	stream.linear.gather [hbm4b:s9+s4], $0x80, $0x38;
	[tilespmem:$0x1F880] =	vst v63  }
0x127: {  	s9 =	sadd.s32 $0x70, s26;
	s10 =	sor.u32 $0x7F00, s7  }
0x128: {  	[tilespmem:s10], [sflag:$0x7] =	stream.linear.gather [hbm4b:s9+s4], $0x80, $0x38;
	[tilespmem:$0x1F880] =	vst v63  }
0x129: {  	s1 =	sadd.s32 s6, s1;
	s31 =	sor.u32 $0x8000, s7  }
0x12a: {  	[tilespmem:s31], [sflag:$0x7] =	stream.linear.gather [hbm4b:s1+s4], $0x80, $0x38;
	[tilespmem:$0x1F880] =	vst v63  }
0x12b: {  	s9 =	sadd.s32 $0x10, s1;
	s10 =	sor.u32 $0x8100, s7  }
0x12c: {  	[tilespmem:s10], [sflag:$0x7] =	stream.linear.gather [hbm4b:s9+s4], $0x80, $0x38;
	[tilespmem:$0x1F880] =	vst v63  }
0x12d: {  	s26 =	sadd.s32 $0x20, s1;
	s31 =	sor.u32 $0x8200, s7  }
0x12e: {  	[tilespmem:s31], [sflag:$0x7] =	stream.linear.gather [hbm4b:s26+s4], $0x80, $0x38;
	[tilespmem:$0x1F880] =	vst v63  }
0x12f: {  	s9 =	sadd.s32 $0x30, s1;
	s10 =	sor.u32 $0x8300, s7  }
0x130: {  	[tilespmem:s10], [sflag:$0x7] =	stream.linear.gather [hbm4b:s9+s4], $0x80, $0x38;
	[tilespmem:$0x1F880] =	vst v63  }
0x131: {  	s26 =	sadd.s32 $0x40, s1;
	s31 =	sor.u32 $0x8400, s7  }
0x132: {  	[tilespmem:s31], [sflag:$0x7] =	stream.linear.gather [hbm4b:s26+s4], $0x80, $0x38;
	[tilespmem:$0x1F880] =	vst v63  }
0x133: {  	s9 =	sadd.s32 $0x50, s1;
	s10 =	sor.u32 $0x8500, s7  }
0x134: {  	[tilespmem:s10], [sflag:$0x7] =	stream.linear.gather [hbm4b:s9+s4], $0x80, $0x38;
	[tilespmem:$0x1F880] =	vst v63  }
0x135: {  	s26 =	sadd.s32 $0x60, s1;
	s31 =	sor.u32 $0x8600, s7  }
0x136: {  	[tilespmem:s31], [sflag:$0x7] =	stream.linear.gather [hbm4b:s26+s4], $0x80, $0x38;
	[tilespmem:$0x1F880] =	vst v63  }
0x137: {  	s1 =	sadd.s32 $0x70, s1;
	s7 =	sor.u32 $0x8700, s7  }
0x138: {  	[tilespmem:s7], [sflag:$0x7] =	stream.linear.gather [hbm4b:s1+s4], $0x80, $0x38;
	[tilespmem:$0x1F880] =	vst v63  }
.LBB2_9:
0x139: {  	s0 =	sshll.u32 s0, $0x7  }
.Ltmp7:
0x13a: {  	s31 =	sand.u32 $0x80, s0;
	(pc) =	sbr.rel .LBB2_10-.Ltmp7, $4  }
0x13b: {  	s0 =	sor.u32 $0x8000, s31  }
0x13c: {  	[tilespmem:s12], [sflag:$0x1] =	stream.indirect.gather [hbm4b:s2+s20], $0x80, s0, s20, $0xb8;
	[tilespmem:$0x1F880] =	vst v63  }
0x13d: {  	s26 =	sor.u32 $0x8020, s31;
	s0 =	simm.s32 $0x0  }
0x13e: {  	[tilespmem:s14], [sflag:$0x2] =	stream.indirect.gather [hbm4b:s2+s20], $0x80, s26, s20, $0xb8;
	[tilespmem:$0x1F880] =	vst v63  }
.LBB2_24:
0x13f: {  	_ =	swait.ge [sflag:s25], $0x1000  }
0x140: {  	[sflag:s25] =	ssyncset.done $0x0  }
0x141: {  	[sflag:s25] =	ssyncadd.s32 $0xFFFFF000  }
.LBB2_26:
0x142: {  	s1 =	sadd.s32 $0x2, s0  }
0x143: {  	s7 =	sshll.u32 s1, $0x5;
	s1 =	sshll.u32 s1, $0x6  }
0x144: {  	s7 =	sand.u32 $0x60, s7;
	s1 =	sand.u32 $0xF00, s1  }
0x145: {  	s1 =	sor.u32 s7, s1  }
0x146: {  	s1 =	sadd.s32 s1, s31  }
0x147: {  	s1 =	sor.u32 $0x8000, s1  }
0x148: {  	[tilespmem:s14], [sflag:$0x2] =	stream.indirect.gather [hbm4b:s2+s20], $0x80, s1, s20, $0xb8;
	[tilespmem:$0x1F880] =	vst v63  }
.LBB2_27:
0x149: {  	s0 =	sadd.s32 $0x1, s0  }
0x14a: {  	p0 =	seq.s32 s0, $0x20  }
.Ltmp8:
0x14b: {  	_ = 	snop;
	(pc) =	sbr.rel @p0 .LBB2_6-.Ltmp8, $1  }
0x14c: {  	_ =	sdelay $0x3  }
.LBB2_10:
0x14d: {  	s1 =	sshll.u32 s0, $0x5;
	s7 =	sshll.u32 s0, $0x6  }
0x14e: {  	s1 =	sand.u32 $0x60, s1;
	s7 =	sand.u32 $0x700, s7  }
0x14f: {  	s1 =	sor.u32 s7, s1  }
0x150: {  	s1 =	sor.u32 s31, s1  }
0x151: {  	v1 =	vld [tilespmem:s1+$0x7800]  }
0x152: {  	v2 =	vld [tilespmem:s1+$0x8000];
	_ =	sdelay $0x6  }
0x153: {  	v3 =	vld.idx.msk [tilespmem:v1+s4+$0x0], $0xffff  }
0x154: {  	v2 =	vld.idx.msk [tilespmem:v2+s11+$0x0], $0xffff;
	_ =	sdelay $0x4  }
0x155: {  	v2 =	vadd.f32 v2, v3;
	_ =	sdelay $0x1  }
0x156: {  	v3 =	vmul.f32 $2.000000030e-01, v2  }
0x157: {  	vm0 =	vge.f32 v2, $0.0e+00  }
0x158: {  	v2 =	vsel vm0, v2, v3  }
0x159: {  	v2 =	vmul.f32 $1.442695020e+00, v2;
	_ =	sdelay $0x1  }
0x15a: {  	(erf) = vpow2.f32 v2;
	_ =	sdelay $0x8  }
0x15b: {  	v2 =	vpop (erf)  }
0x15c: {  	[tilespmem:v1+s23+$0x0] =	vst.idx.add.f32.msk $0xffff, v2  }
0x15d: {  	s9 =	sor.u32 $0x7810, s1;
	[tilespmem:$0x8800] =	vst v2  }
0x15e: {  	s10 =	sor.u32 $0x8010, s1;
	v1 =	vld [tilespmem:s9+$0x0]  }
0x15f: {  	v2 =	vld [tilespmem:s10+$0x0];
	_ =	sdelay $0x6  }
0x160: {  	v3 =	vld.idx.msk [tilespmem:v1+s4+$0x0], $0xffff  }
0x161: {  	v2 =	vld.idx.msk [tilespmem:v2+s11+$0x0], $0xffff;
	_ =	sdelay $0x4  }
0x162: {  	v2 =	vadd.f32 v2, v3;
	_ =	sdelay $0x1  }
0x163: {  	v3 =	vmul.f32 $2.000000030e-01, v2  }
0x164: {  	vm15 =	vge.f32 v2, $0.0e+00  }
0x165: {  	v2 =	vsel vm15, v2, v3  }
0x166: {  	s26 =	smul.u32 $0xAB, s0;
	v2 =	vmul.f32 $1.442695020e+00, v2;
	_ =	sdelay $0x1  }
0x167: {  	s7 =	sshrl.u32 s26, $0x9;
	(erf) = vpow2.f32 v2  }
0x168: {  	s7 =	sand.u32 $0x7F, s7  }
0x169: {  	s7 =	smul.u32 $0x3, s7;
	_ =	sdelay $0x1  }
0x16a: {  	s7 =	ssub.s32 s0, s7  }
0x16b: {  	s7 =	sand.u32 $0xFF, s7  }
0x16c: {  	p0 =	seq.s32 s7, $0x2  }
.Ltmp9:
0x16d: {  	_ = 	snop;
	(pc) =	sbr.rel @p0 .LBB2_21-.Ltmp9, $4  }
0x16e: {  	_ = 	snop  }
0x16f: {  	v2 =	vpop (erf)  }
0x170: {  	[tilespmem:v1+s23+$0x0] =	vst.idx.add.f32.msk $0xffff, v2  }
0x171: {  	s1 =	sor.u32 $0x7800, s1;
	[tilespmem:$0x8810] =	vst v2  }
0x172: {  	p0 =	seq.s32 s7, $0x1  }
.Ltmp10:
0x173: {  	_ = 	snop;
	(pc) =	sbr.rel @!p0 .LBB2_12-.Ltmp10, $1  }
0x174: {  	_ =	sdelay $0x3  }
0x175: {  	_ =	swait.ge [sflag:s17], $0x1000  }
0x176: {  	[sflag:s17] =	ssyncset.done $0x0  }
0x177: {  	s7 =	simm.s32 $0x9900;
	s8 =	simm.s32 $0x1;
	[sflag:s17] =	ssyncadd.s32 $0xFFFFF000  }
0x178: {  	v1 =	vmov s8;
	v6 =	vld [tilespmem:s7+$0xFFFFFFF0]  }
0x179: {  	v5 =	vld [tilespmem:s7+$0x50]  }
0x17a: {  	v10 =	vld [tilespmem:s7+$0xFFFFFFD0]  }
0x17b: {  	s26 =	simm.s32 $0x0;
	v3 =	vld [tilespmem:s7+$0x60]  }
0x17c: {  	v2 =	vmov s26;
	v4 =	vld [tilespmem:s7+$0x70]  }
0x17d: {  	v2 =	vand.u32 $0xFFFFFFFE, v2;
	v7 =	vld.idx.msk [tilespmem:v1+s24+$0x0], $0xffff  }
0x17e: {  	v1 =	vbroadcast v2, $0x0;
	v2 =	vld [tilespmem:s7+$0x0]  }
0x17f: {  	v8 =	vld [tilespmem:s7+$0x10]  }
0x180: {  	v9 =	vld [tilespmem:s7+$0x20]  }
0x181: {  	v11 =	vld [tilespmem:s7+$0x30]  }
0x182: {  	v12 =	vld [tilespmem:s7+$0x40]  }
0x183: {  	v13 =	vld [tilespmem:s7+$0xFFFFFF80];
	v14 =	vmul.f32 v2, v7  }
0x184: {  	v15 =	vld [tilespmem:s7+$0xFFFFFFA0];
	v8 =	vmul.f32 v8, v7  }
0x185: {  	v9 =	vmul.f32 v9, v7;
	v2 =	vld.idx.msk [tilespmem:v1+s24+$0x0], $0xffff;
	[tilespmem:s7+$0x0] =	vst v14  }
0x186: {  	v11 =	vmul.f32 v11, v7;
	v63 =	vmul.f32 v5, v7;
	v5 =	vld [tilespmem:s7+$0xFFFFFF90];
	[tilespmem:s7+$0x10] =	vst v8  }
0x187: {  	v1 =	vmul.f32 v3, v7;
	v3 =	vld [tilespmem:s7+$0xFFFFFFE0];
	[tilespmem:s7+$0x20] =	vst v9  }
0x188: {  	v12 =	vmul.f32 v12, v7;
	v4 =	vmul.f32 v4, v7;
	v7 =	vld [tilespmem:s7+$0xFFFFFFC0];
	[tilespmem:s7+$0x30] =	vst v11  }
0x189: {  	[tilespmem:s7+$0x60] =	vst v1;
	v1 =	vld [tilespmem:s7+$0xFFFFFFB0]  }
0x18a: {  	[tilespmem:s7+$0x40] =	vst v12;
	v8 =	vmul.f32 v13, v2;
	v9 =	vmul.f32 v6, v2  }
0x18b: {  	s8 =	simm.s32 $0x2;
	s26 =	simm.s32 $0x9900;
	[tilespmem:s7+$0x50] =	vst v63;
	v6 =	vmul.f32 v15, v2;
	v10 =	vmul.f32 v10, v2  }
.LBB2_19:
0x18c: {  	p0 =	sne.s32 s8, $0x1E  }
0x18d: {  	v5 =	vmul.f32 v5, v2;
	v3 =	vmul.f32 v3, v2;
	[tilespmem:s7+$0x70] =	vst v4;
	s26 =	sadd.s32 $0x100, s26;
	s9 =	smov.u32 s8;
	s8 =	sadd.s32 $0x2, s8  }
0x18e: {  	v1 =	vmul.f32 v1, v2;
	v2 =	vmul.f32 v7, v2;
	[tilespmem:s7+$0xFFFFFFF0] =	vst v9  }
0x18f: {  	[tilespmem:s7+$0xFFFFFF80] =	vst v8  }
0x190: {  	s10 =	sadd.s32 $0x1, s9;
	v9 =	vld [tilespmem:s26+$0xFFFFFFF0];
	[tilespmem:s7+$0xFFFFFFD0] =	vst v10  }
0x191: {  	v4 =	vmov s10;
	v8 =	vld [tilespmem:s26+$0x50];
	[tilespmem:s7+$0xFFFFFFA0] =	vst v6  }
0x192: {  	v10 =	vld [tilespmem:s26+$0xFFFFFFD0];
	[tilespmem:s7+$0xFFFFFFB0] =	vst v1  }
0x193: {  	v1 =	vld [tilespmem:s26+$0xFFFFFFB0];
	[tilespmem:s7+$0xFFFFFFC0] =	vst v2  }
0x194: {  	v6 =	vld [tilespmem:s26+$0x60];
	[tilespmem:s7+$0xFFFFFFE0] =	vst v3  }
0x195: {  	v2 =	vmov s9;
	v3 =	vld [tilespmem:s26+$0x70];
	[tilespmem:s7+$0xFFFFFF90] =	vst v5;
	s7 =	smov.u32 s26  }
0x196: {  	v2 =	vand.u32 $0xFFFFFFFE, v2;
	v11 =	vld.idx.msk [tilespmem:v4+s24+$0x0], $0xffff  }
0x197: {  	v2 =	vbroadcast v2, $0x0;
	v4 =	vld [tilespmem:s26+$0x0]  }
0x198: {  	v5 =	vld [tilespmem:s26+$0x10]  }
0x199: {  	v7 =	vld [tilespmem:s26+$0x20]  }
0x19a: {  	v12 =	vld [tilespmem:s26+$0x30]  }
0x19b: {  	v13 =	vld [tilespmem:s26+$0x40]  }
0x19c: {  	v14 =	vld [tilespmem:s26+$0xFFFFFF80];
	v15 =	vmul.f32 v4, v11;
	v4 =	vmul.f32 v3, v11  }
0x19d: {  	v2 =	vld.idx.msk [tilespmem:v2+s24+$0x0], $0xffff;
	v16 =	vmul.f32 v5, v11;
	v5 =	vmul.f32 v6, v11  }
0x19e: {  	v6 =	vld [tilespmem:s26+$0xFFFFFFA0];
	[tilespmem:s26+$0x0] =	vst v15;
	v15 =	vmul.f32 v7, v11  }
0x19f: {  	v3 =	vld [tilespmem:s26+$0xFFFFFFE0];
	v12 =	vmul.f32 v12, v11;
	[tilespmem:s26+$0x60] =	vst v5  }
.Ltmp11:
0x1a0: {  	v5 =	vld [tilespmem:s26+$0xFFFFFF90];
	[tilespmem:s26+$0x10] =	vst v16;
	v13 =	vmul.f32 v13, v11;
	(pc) =	sbr.rel @p0 .LBB2_19-.Ltmp11, $4  }
0x1a1: {  	v11 =	vmul.f32 v8, v11;
	v7 =	vld [tilespmem:s26+$0xFFFFFFC0];
	[tilespmem:s26+$0x20] =	vst v15  }
0x1a2: {  	[tilespmem:s26+$0x30] =	vst v12  }
0x1a3: {  	v8 =	vmul.f32 v14, v2;
	v9 =	vmul.f32 v9, v2;
	[tilespmem:s26+$0x40] =	vst v13  }
0x1a4: {  	v10 =	vmul.f32 v10, v2;
	v6 =	vmul.f32 v6, v2;
	[tilespmem:s26+$0x50] =	vst v11  }
0x1a5: {  	[tilespmem:s7+$0x70] =	vst v4  }
0x1a6: {  	[tilespmem:s7+$0xFFFFFFF0] =	vst v9  }
0x1a7: {  	[tilespmem:s7+$0xFFFFFF80] =	vst v8  }
0x1a8: {  	v1 =	vmul.f32 v1, v2;
	[tilespmem:s7+$0xFFFFFFD0] =	vst v10  }
0x1a9: {  	v3 =	vmul.f32 v3, v2;
	[tilespmem:s7+$0xFFFFFFA0] =	vst v6  }
0x1aa: {  	v63 =	vmul.f32 v7, v2;
	[tilespmem:s7+$0xFFFFFFB0] =	vst v1  }
0x1ab: {  	v1 =	vmul.f32 v5, v2;
	[tilespmem:s7+$0xFFFFFFE0] =	vst v3  }
0x1ac: {  	s26 =	sadd.s32 $0xFFFFFFFF, s0;
	[tilespmem:s7+$0xFFFFFFC0] =	vst v63  }
0x1ad: {  	p0 =	sgt.u32 s26, $0x1C;
	[tilespmem:s7+$0xFFFFFF90] =	vst v1  }
0x1ae: {  	[spmem:s3] =	stream.indirect.scatter.add.f32 [tilespmem:s14], [sflag:$0x5], $0x80, s1, s20, $0xb8;
	[tilespmem:$0x1F880] =	vst v63  }
0x1af: {  	s7 =	simm.s32 @!p0 $0x4;
	s1 =	sadd.s32 @!p0 $0x2, s0  }
0x1b0: {  	s8 =	sshll.u32 @!p0 s1, $0x5;
	s1 =	sshll.u32 @!p0 s1, $0x6;
	_ =	swait.ge @!p0 [sflag:s7], $0x1000  }
.Ltmp12:
0x1b1: {  	s8 =	sand.u32 @!p0 $0x60, s8;
	s1 =	sand.u32 @!p0 $0xF00, s1;
	(pc) =	sbr.rel .LBB2_27-.Ltmp12, $4  }
0x1b2: {  	[sflag:s7] =	ssyncset.done @!p0 $0x0;
	s1 =	sor.u32 @!p0 s8, s1  }
0x1b3: {  	[sflag:s7] =	ssyncadd.s32 @!p0 $0xFFFFF000;
	s1 =	sadd.s32 @!p0 s1, s31  }
0x1b4: {  	s7 =	simm.s32 @!p0 $0x20;
	s8 =	simm.s32 @!p0 $0x8880;
	s1 =	sor.u32 @!p0 $0x8000, s1  }
0x1b5: {  	[tilespmem:s8], [sflag:$0x1] =	stream.indirect.gather @!p0 [hbm4b:s2+s7], $0x80, s1, s7, $0xb8;
	[tilespmem:$0x1F880] =	vst v63  }
.LBB2_21:
0x1b6: {  	_ =	swait.ge [sflag:s18], $0x1000  }
0x1b7: {  	[sflag:s18] =	ssyncset.done $0x0  }
0x1b8: {  	s7 =	simm.s32 $0xA900;
	s8 =	simm.s32 $0x1;
	[sflag:s18] =	ssyncadd.s32 $0xFFFFF000  }
0x1b9: {  	v1 =	vmov s8;
	v6 =	vld [tilespmem:s7+$0xFFFFFFF0]  }
0x1ba: {  	v5 =	vld [tilespmem:s7+$0x50]  }
0x1bb: {  	v10 =	vld [tilespmem:s7+$0xFFFFFFD0]  }
0x1bc: {  	s26 =	simm.s32 $0x0;
	v3 =	vld [tilespmem:s7+$0x60]  }
0x1bd: {  	v2 =	vmov s26;
	v4 =	vld [tilespmem:s7+$0x70]  }
0x1be: {  	v2 =	vand.u32 $0xFFFFFFFE, v2;
	v7 =	vld.idx.msk [tilespmem:v1+s24+$0x0], $0xffff  }
0x1bf: {  	v1 =	vbroadcast v2, $0x0;
	v2 =	vld [tilespmem:s7+$0x0]  }
0x1c0: {  	v8 =	vld [tilespmem:s7+$0x10]  }
0x1c1: {  	v9 =	vld [tilespmem:s7+$0x20]  }
0x1c2: {  	v11 =	vld [tilespmem:s7+$0x30]  }
0x1c3: {  	v12 =	vld [tilespmem:s7+$0x40]  }
0x1c4: {  	v13 =	vld [tilespmem:s7+$0xFFFFFF80];
	v14 =	vmul.f32 v2, v7  }
0x1c5: {  	v15 =	vld [tilespmem:s7+$0xFFFFFFA0];
	v8 =	vmul.f32 v8, v7  }
0x1c6: {  	v9 =	vmul.f32 v9, v7;
	v2 =	vld.idx.msk [tilespmem:v1+s24+$0x0], $0xffff;
	[tilespmem:s7+$0x0] =	vst v14  }
0x1c7: {  	v11 =	vmul.f32 v11, v7;
	v63 =	vmul.f32 v5, v7;
	v5 =	vld [tilespmem:s7+$0xFFFFFF90];
	[tilespmem:s7+$0x10] =	vst v8  }
0x1c8: {  	v1 =	vmul.f32 v3, v7;
	v3 =	vld [tilespmem:s7+$0xFFFFFFE0];
	[tilespmem:s7+$0x20] =	vst v9  }
0x1c9: {  	v12 =	vmul.f32 v12, v7;
	v4 =	vmul.f32 v4, v7;
	v7 =	vld [tilespmem:s7+$0xFFFFFFC0];
	[tilespmem:s7+$0x30] =	vst v11  }
0x1ca: {  	[tilespmem:s7+$0x60] =	vst v1;
	v1 =	vld [tilespmem:s7+$0xFFFFFFB0]  }
0x1cb: {  	[tilespmem:s7+$0x40] =	vst v12;
	v8 =	vmul.f32 v13, v2;
	v9 =	vmul.f32 v6, v2  }
0x1cc: {  	s8 =	simm.s32 $0x2;
	s26 =	simm.s32 $0xA900;
	[tilespmem:s7+$0x50] =	vst v63;
	v6 =	vmul.f32 v15, v2;
	v10 =	vmul.f32 v10, v2  }
.LBB2_22:
0x1cd: {  	p0 =	sne.s32 s8, $0x1E  }
0x1ce: {  	v5 =	vmul.f32 v5, v2;
	v3 =	vmul.f32 v3, v2;
	[tilespmem:s7+$0x70] =	vst v4;
	s26 =	sadd.s32 $0x100, s26;
	s9 =	smov.u32 s8;
	s8 =	sadd.s32 $0x2, s8  }
0x1cf: {  	v1 =	vmul.f32 v1, v2;
	v2 =	vmul.f32 v7, v2;
	[tilespmem:s7+$0xFFFFFFF0] =	vst v9  }
0x1d0: {  	[tilespmem:s7+$0xFFFFFF80] =	vst v8  }
0x1d1: {  	s10 =	sadd.s32 $0x1, s9;
	v9 =	vld [tilespmem:s26+$0xFFFFFFF0];
	[tilespmem:s7+$0xFFFFFFD0] =	vst v10  }
0x1d2: {  	v4 =	vmov s10;
	v8 =	vld [tilespmem:s26+$0x50];
	[tilespmem:s7+$0xFFFFFFA0] =	vst v6  }
0x1d3: {  	v10 =	vld [tilespmem:s26+$0xFFFFFFD0];
	[tilespmem:s7+$0xFFFFFFB0] =	vst v1  }
0x1d4: {  	v1 =	vld [tilespmem:s26+$0xFFFFFFB0];
	[tilespmem:s7+$0xFFFFFFC0] =	vst v2  }
0x1d5: {  	v6 =	vld [tilespmem:s26+$0x60];
	[tilespmem:s7+$0xFFFFFFE0] =	vst v3  }
0x1d6: {  	v2 =	vmov s9;
	v3 =	vld [tilespmem:s26+$0x70];
	[tilespmem:s7+$0xFFFFFF90] =	vst v5;
	s7 =	smov.u32 s26  }
0x1d7: {  	v2 =	vand.u32 $0xFFFFFFFE, v2;
	v11 =	vld.idx.msk [tilespmem:v4+s24+$0x0], $0xffff  }
0x1d8: {  	v2 =	vbroadcast v2, $0x0;
	v4 =	vld [tilespmem:s26+$0x0]  }
0x1d9: {  	v5 =	vld [tilespmem:s26+$0x10]  }
0x1da: {  	v7 =	vld [tilespmem:s26+$0x20]  }
0x1db: {  	v12 =	vld [tilespmem:s26+$0x30]  }
0x1dc: {  	v13 =	vld [tilespmem:s26+$0x40]  }
0x1dd: {  	v14 =	vld [tilespmem:s26+$0xFFFFFF80];
	v15 =	vmul.f32 v4, v11;
	v4 =	vmul.f32 v3, v11  }
0x1de: {  	v2 =	vld.idx.msk [tilespmem:v2+s24+$0x0], $0xffff;
	v16 =	vmul.f32 v5, v11;
	v5 =	vmul.f32 v6, v11  }
0x1df: {  	v6 =	vld [tilespmem:s26+$0xFFFFFFA0];
	[tilespmem:s26+$0x0] =	vst v15;
	v15 =	vmul.f32 v7, v11  }
0x1e0: {  	v3 =	vld [tilespmem:s26+$0xFFFFFFE0];
	v12 =	vmul.f32 v12, v11;
	[tilespmem:s26+$0x60] =	vst v5  }
.Ltmp13:
0x1e1: {  	v5 =	vld [tilespmem:s26+$0xFFFFFF90];
	[tilespmem:s26+$0x10] =	vst v16;
	v13 =	vmul.f32 v13, v11;
	(pc) =	sbr.rel @p0 .LBB2_22-.Ltmp13, $4  }
0x1e2: {  	v11 =	vmul.f32 v8, v11;
	v7 =	vld [tilespmem:s26+$0xFFFFFFC0];
	[tilespmem:s26+$0x20] =	vst v15  }
0x1e3: {  	[tilespmem:s26+$0x30] =	vst v12  }
0x1e4: {  	v8 =	vmul.f32 v14, v2;
	v9 =	vmul.f32 v9, v2;
	[tilespmem:s26+$0x40] =	vst v13  }
0x1e5: {  	v10 =	vmul.f32 v10, v2;
	v6 =	vmul.f32 v6, v2;
	[tilespmem:s26+$0x50] =	vst v11  }
0x1e6: {  	[tilespmem:s7+$0x70] =	vst v4  }
0x1e7: {  	[tilespmem:s7+$0xFFFFFFF0] =	vst v9  }
0x1e8: {  	[tilespmem:s7+$0xFFFFFF80] =	vst v8  }
0x1e9: {  	v1 =	vmul.f32 v1, v2;
	s26 =	sadd.s32 $0xFFFFFFFF, s0;
	[tilespmem:s7+$0xFFFFFFD0] =	vst v10  }
0x1ea: {  	v3 =	vmul.f32 v3, v2;
	[tilespmem:s7+$0xFFFFFFA0] =	vst v6;
	p0 =	sgt.u32 s26, $0x1C  }
.Ltmp14:
0x1eb: {  	v63 =	vmul.f32 v7, v2;
	[tilespmem:s7+$0xFFFFFFB0] =	vst v1;
	(pc) =	sbr.rel @!p0 .LBB2_24-.Ltmp14, $4  }
0x1ec: {  	v1 =	vmul.f32 v5, v2;
	[tilespmem:s7+$0xFFFFFFE0] =	vst v3  }
0x1ed: {  	[tilespmem:s7+$0xFFFFFFC0] =	vst v63  }
0x1ee: {  	[tilespmem:s7+$0xFFFFFF90] =	vst v1  }
0x1ef: {  	[spmem:s3] =	stream.indirect.scatter.add.f32 [tilespmem:s15], [sflag:$0x6], $0x80, s1, s20, $0xb8;
	[tilespmem:$0x1F880] =	vst v63  }
0x1f0: {  	p0 =	sgt.u32 s0, $0x1D  }
.Ltmp15:
0x1f1: {  	_ = 	snop;
	(pc) =	sbr.rel @p0 .LBB2_27-.Ltmp15, $4  }
.Ltmp16:
0x1f2: {  	_ = 	snop;
	(pc) =	sbr.rel @!p0 .LBB2_26-.Ltmp16, $4  }
0x1f3: {  	_ = 	snop  }
0x1f4: {  	_ = 	snop  }
0x1f5: {  	_ = 	snop  }
0x1f6: {  	_ = 	snop  }
.LBB2_12:
0x1f7: {  	_ =	swait.ge [sflag:s16], $0x1000  }
0x1f8: {  	[sflag:s16] =	ssyncset.done $0x0  }
0x1f9: {  	s7 =	simm.s32 $0x8900;
	s8 =	simm.s32 $0x1;
	[sflag:s16] =	ssyncadd.s32 $0xFFFFF000  }
0x1fa: {  	v1 =	vmov s8;
	v6 =	vld [tilespmem:s7+$0xFFFFFFF0]  }
0x1fb: {  	v5 =	vld [tilespmem:s7+$0x50]  }
0x1fc: {  	v10 =	vld [tilespmem:s7+$0xFFFFFFD0]  }
0x1fd: {  	s26 =	simm.s32 $0x0;
	v3 =	vld [tilespmem:s7+$0x60]  }
0x1fe: {  	v2 =	vmov s26;
	v4 =	vld [tilespmem:s7+$0x70]  }
0x1ff: {  	v2 =	vand.u32 $0xFFFFFFFE, v2;
	v7 =	vld.idx.msk [tilespmem:v1+s24+$0x0], $0xffff  }
0x200: {  	v1 =	vbroadcast v2, $0x0;
	v2 =	vld [tilespmem:s7+$0x0]  }
0x201: {  	v8 =	vld [tilespmem:s7+$0x10]  }
0x202: {  	v9 =	vld [tilespmem:s7+$0x20]  }
0x203: {  	v11 =	vld [tilespmem:s7+$0x30]  }
0x204: {  	v12 =	vld [tilespmem:s7+$0x40]  }
0x205: {  	v13 =	vld [tilespmem:s7+$0xFFFFFF80];
	v14 =	vmul.f32 v2, v7  }
0x206: {  	v15 =	vld [tilespmem:s7+$0xFFFFFFA0];
	v8 =	vmul.f32 v8, v7  }
0x207: {  	v9 =	vmul.f32 v9, v7;
	v2 =	vld.idx.msk [tilespmem:v1+s24+$0x0], $0xffff;
	[tilespmem:s7+$0x0] =	vst v14  }
0x208: {  	v11 =	vmul.f32 v11, v7;
	v63 =	vmul.f32 v5, v7;
	v5 =	vld [tilespmem:s7+$0xFFFFFF90];
	[tilespmem:s7+$0x10] =	vst v8  }
0x209: {  	v1 =	vmul.f32 v3, v7;
	v3 =	vld [tilespmem:s7+$0xFFFFFFE0];
	[tilespmem:s7+$0x20] =	vst v9  }
0x20a: {  	v12 =	vmul.f32 v12, v7;
	v4 =	vmul.f32 v4, v7;
	v7 =	vld [tilespmem:s7+$0xFFFFFFC0];
	[tilespmem:s7+$0x30] =	vst v11  }
0x20b: {  	[tilespmem:s7+$0x60] =	vst v1;
	v1 =	vld [tilespmem:s7+$0xFFFFFFB0]  }
0x20c: {  	[tilespmem:s7+$0x40] =	vst v12;
	v8 =	vmul.f32 v13, v2;
	v9 =	vmul.f32 v6, v2  }
0x20d: {  	s8 =	simm.s32 $0x2;
	s26 =	simm.s32 $0x8900;
	[tilespmem:s7+$0x50] =	vst v63;
	v6 =	vmul.f32 v15, v2;
	v10 =	vmul.f32 v10, v2  }
.LBB2_13:
0x20e: {  	p0 =	sne.s32 s8, $0x1E  }
0x20f: {  	v5 =	vmul.f32 v5, v2;
	v3 =	vmul.f32 v3, v2;
	[tilespmem:s7+$0x70] =	vst v4;
	s26 =	sadd.s32 $0x100, s26;
	s9 =	smov.u32 s8;
	s8 =	sadd.s32 $0x2, s8  }
0x210: {  	v1 =	vmul.f32 v1, v2;
	v2 =	vmul.f32 v7, v2;
	[tilespmem:s7+$0xFFFFFFF0] =	vst v9  }
0x211: {  	[tilespmem:s7+$0xFFFFFF80] =	vst v8  }
0x212: {  	s10 =	sadd.s32 $0x1, s9;
	v9 =	vld [tilespmem:s26+$0xFFFFFFF0];
	[tilespmem:s7+$0xFFFFFFD0] =	vst v10  }
0x213: {  	v4 =	vmov s10;
	v8 =	vld [tilespmem:s26+$0x50];
	[tilespmem:s7+$0xFFFFFFA0] =	vst v6  }
0x214: {  	v10 =	vld [tilespmem:s26+$0xFFFFFFD0];
	[tilespmem:s7+$0xFFFFFFB0] =	vst v1  }
0x215: {  	v1 =	vld [tilespmem:s26+$0xFFFFFFB0];
	[tilespmem:s7+$0xFFFFFFC0] =	vst v2  }
0x216: {  	v6 =	vld [tilespmem:s26+$0x60];
	[tilespmem:s7+$0xFFFFFFE0] =	vst v3  }
0x217: {  	v2 =	vmov s9;
	v3 =	vld [tilespmem:s26+$0x70];
	[tilespmem:s7+$0xFFFFFF90] =	vst v5;
	s7 =	smov.u32 s26  }
0x218: {  	v2 =	vand.u32 $0xFFFFFFFE, v2;
	v11 =	vld.idx.msk [tilespmem:v4+s24+$0x0], $0xffff  }
0x219: {  	v2 =	vbroadcast v2, $0x0;
	v4 =	vld [tilespmem:s26+$0x0]  }
0x21a: {  	v5 =	vld [tilespmem:s26+$0x10]  }
0x21b: {  	v7 =	vld [tilespmem:s26+$0x20]  }
0x21c: {  	v12 =	vld [tilespmem:s26+$0x30]  }
0x21d: {  	v13 =	vld [tilespmem:s26+$0x40]  }
0x21e: {  	v14 =	vld [tilespmem:s26+$0xFFFFFF80];
	v15 =	vmul.f32 v4, v11;
	v4 =	vmul.f32 v3, v11  }
0x21f: {  	v2 =	vld.idx.msk [tilespmem:v2+s24+$0x0], $0xffff;
	v16 =	vmul.f32 v5, v11;
	v5 =	vmul.f32 v6, v11  }
0x220: {  	v6 =	vld [tilespmem:s26+$0xFFFFFFA0];
	[tilespmem:s26+$0x0] =	vst v15;
	v15 =	vmul.f32 v7, v11  }
0x221: {  	v3 =	vld [tilespmem:s26+$0xFFFFFFE0];
	v12 =	vmul.f32 v12, v11;
	[tilespmem:s26+$0x60] =	vst v5  }
.Ltmp17:
0x222: {  	v5 =	vld [tilespmem:s26+$0xFFFFFF90];
	[tilespmem:s26+$0x10] =	vst v16;
	v13 =	vmul.f32 v13, v11;
	(pc) =	sbr.rel @p0 .LBB2_13-.Ltmp17, $4  }
0x223: {  	v11 =	vmul.f32 v8, v11;
	v7 =	vld [tilespmem:s26+$0xFFFFFFC0];
	[tilespmem:s26+$0x20] =	vst v15  }
0x224: {  	[tilespmem:s26+$0x30] =	vst v12  }
0x225: {  	v8 =	vmul.f32 v14, v2;
	v9 =	vmul.f32 v9, v2;
	[tilespmem:s26+$0x40] =	vst v13  }
0x226: {  	v10 =	vmul.f32 v10, v2;
	v6 =	vmul.f32 v6, v2;
	[tilespmem:s26+$0x50] =	vst v11  }
0x227: {  	[tilespmem:s7+$0x70] =	vst v4  }
0x228: {  	[tilespmem:s7+$0xFFFFFFF0] =	vst v9  }
0x229: {  	[tilespmem:s7+$0xFFFFFF80] =	vst v8  }
0x22a: {  	v1 =	vmul.f32 v1, v2;
	s26 =	sadd.s32 $0xFFFFFFFF, s0;
	[tilespmem:s7+$0xFFFFFFD0] =	vst v10  }
0x22b: {  	v3 =	vmul.f32 v3, v2;
	[tilespmem:s7+$0xFFFFFFA0] =	vst v6;
	p0 =	sgt.u32 s26, $0x1C  }
.Ltmp18:
0x22c: {  	v63 =	vmul.f32 v7, v2;
	[tilespmem:s7+$0xFFFFFFB0] =	vst v1;
	(pc) =	sbr.rel @p0 .LBB2_16-.Ltmp18, $4  }
0x22d: {  	v1 =	vmul.f32 v5, v2;
	[tilespmem:s7+$0xFFFFFFE0] =	vst v3  }
0x22e: {  	[tilespmem:s7+$0xFFFFFFC0] =	vst v63  }
0x22f: {  	[tilespmem:s7+$0xFFFFFF90] =	vst v1  }
0x230: {  	[spmem:s3] =	stream.indirect.scatter.add.f32 [tilespmem:s12], [sflag:$0x4], $0x80, s1, s20, $0xb8;
	[tilespmem:$0x1F880] =	vst v63  }
.Ltmp19:
0x231: {  	(pc) =	sbr.rel .LBB2_17-.Ltmp19, $4  }
0x232: {  	_ = 	snop  }
0x233: {  	_ =	swait.ge [sflag:s28], $0x1000  }
0x234: {  	[sflag:s28] =	ssyncset.done $0x0  }
0x235: {  	[sflag:s28] =	ssyncadd.s32 $0xFFFFF000  }
.LBB2_16:
0x236: {  	p0 =	sgt.u32 s0, $0x1D  }
.Ltmp20:
0x237: {  	_ = 	snop;
	(pc) =	sbr.rel @p0 .LBB2_27-.Ltmp20, $1  }
0x238: {  	_ =	sdelay $0x3  }
.LBB2_17:
0x239: {  	s1 =	sadd.s32 $0x2, s0  }
0x23a: {  	s7 =	sshll.u32 s1, $0x5;
	s1 =	sshll.u32 s1, $0x6  }
.Ltmp21:
0x23b: {  	s7 =	sand.u32 $0x60, s7;
	s1 =	sand.u32 $0xF00, s1;
	(pc) =	sbr.rel .LBB2_27-.Ltmp21, $4  }
0x23c: {  	s1 =	sor.u32 s7, s1  }
0x23d: {  	s1 =	sadd.s32 s1, s31  }
0x23e: {  	s1 =	sor.u32 $0x8000, s1  }
0x23f: {  	[tilespmem:s15], [sflag:$0x3] =	stream.indirect.gather [hbm4b:s2+s20], $0x80, s1, s20, $0xb8;
	[tilespmem:$0x1F880] =	vst v63  }
.LBB2_29:
0x240: {  	_ =	sfence.sel $0x180000  }
0x241: {  	[bflag:$0x0] =	sbarrier.arrive $0xFFFF  }
0x242: {  	_ =	strace $0x90000047  }
0x243: {  	s0 =	stileid.u32;
	[bflag:$0x2] =	sbarrier.arrive $0xFFFF  }
0x244: {  	p0 =	sne.s32 s0, $0x0;
	s0 =	rddreg [dreg:$0x3]  }
0x245: {  	s0 =	sadd.s32 @!p0 $0x100000, s0  }
0x246: {  	[sflag:s0] =	ssyncadd.tile.s32 @!p0 $0x1;
	_ =	shalt  }
.Lfunc_end2:
_tile_overlayer_lowered:
.L_overlay_start_2:
0x247: {  	(tag) =	ssettag $0x2  }
0x248: {  	s0 =	rddreg [dreg:$0x0];
	s2 =	stileid.u32  }
0x249: {  	s1 =	rddreg [dreg:$0x1];
	p0 =	sne.s32 s2, $0x0  }
0x24a: {  	s3 =	rddreg [dreg:$0x2];
	[bflag:$0x3] =	sbarrier.arrive $0xFFFF;
	s2 =	simm.s32 @!p0 $0x1C08  }
0x24b: {  	[timem:s3], [sflag:s2] =	dma.local @!p0 [hbm:s0], s1  }
0x24c: {  	s0 =	simm.s32 @!p0 $0x8  }
0x24d: {  	_ =	swait.ge @!p0 [sflag:s0], s1  }
0x24e: {  	s1 =	ssub.s32 @!p0 $0x0, s1;
	[sflag:s0] =	ssyncset.done @!p0 $0x0  }
0x24f: {  	[sflag:s0] =	ssyncadd.s32 @!p0 s1  }
0x250: {  	[bflag:$0x3] =	sbarrier.arrive $0xFFFF  }
0x251: {  	_ =	shalt  }

</sc_bundles>
